<compile_context>
chip_gen: v7x
topology: tpu7x:2x2x1
jax: 0.10.2.dev20260603
libtpu: 0.0.44.dev20260713+nightly
codegen_flags: <defaults>
</compile_context>

<pallas_src>
import functools

import jax
import jax.numpy as jnp
from jax import lax
from jax.experimental import pallas as pl
from jax.experimental.pallas import tpu as pltpu
from jax.experimental.pallas import tpu_sc as plsc

_N = 10000
_NPAD = 10240
_ZROW = _N
_NC, _NS = 2, 16
_NW = _NC * _NS
_CHUNK = 128
_RPT = _NPAD // _NS


def _sc_mesh():
    return plsc.VectorSubcoreMesh(core_axis_name="c", subcore_axis_name="s")


_SC_PARAMS = pltpu.CompilerParams(use_tc_tiling_on_sc=False)
_SC_PARAMS_NARROW = pltpu.CompilerParams(use_tc_tiling_on_sc=False,
                                         needs_layout_passes=False)


def _sc_degree(n_chunks):
    L = 16

    @functools.partial(
        pl.kernel,
        mesh=_sc_mesh(),
        out_type=jax.ShapeDtypeStruct((_NC, _NPAD), jnp.float32),
        scratch_types=[
            pltpu.VMEM((n_chunks, _CHUNK), jnp.int32),
            pltpu.VMEM((_CHUNK,), jnp.float32),
            pltpu.VMEM_SHARED((_NPAD,), jnp.float32),
        ],
        compiler_params=_SC_PARAMS,
    )
    def k(dst_hbm, zeros_hbm, out_hbm, dst_v, ones_v, acc):
        c = lax.axis_index("c")
        s = lax.axis_index("s")
        wid = c * _NS + s
        pltpu.sync_copy(dst_hbm.at[wid], dst_v)
        one = lax.full((L,), 1.0, jnp.float32)
        for g in range(_CHUNK // L):
            ones_v[pl.ds(g * L, L)] = one
        pltpu.sync_copy(zeros_hbm.at[pl.ds(s * _RPT, _RPT)],
                        acc.at[pl.ds(s * _RPT, _RPT)])
        plsc.subcore_barrier()

        def body(i, carry):
            pltpu.sync_copy(ones_v, acc.at[dst_v.at[i]], add=True)
            return carry

        lax.fori_loop(0, n_chunks, body, 0)
        plsc.subcore_barrier()
        pltpu.sync_copy(acc.at[pl.ds(s * _RPT, _RPT)],
                        out_hbm.at[c, pl.ds(s * _RPT, _RPT)])

    return k


def _sc_aggregate(d_feat, n_chunks):

    @functools.partial(
        pl.kernel,
        mesh=_sc_mesh(),
        out_type=jax.ShapeDtypeStruct((_NC, _NPAD, d_feat), jnp.float32),
        scratch_types=[
            pltpu.VMEM((n_chunks, _CHUNK), jnp.int32),
            pltpu.VMEM((n_chunks, _CHUNK), jnp.int32),
            pltpu.VMEM((_CHUNK, d_feat), jnp.float32),
            pltpu.VMEM_SHARED((_NPAD, d_feat), jnp.float32),
            pltpu.SemaphoreType.DMA,
        ],
        compiler_params=_SC_PARAMS,
    )
    def k(y_hbm, src_hbm, dst_hbm, zeros_hbm, out_hbm,
          src_v, dst_v, rows_v, acc, sem):
        c = lax.axis_index("c")
        s = lax.axis_index("s")
        wid = c * _NS + s
        pltpu.sync_copy(src_hbm.at[wid], src_v)
        pltpu.sync_copy(dst_hbm.at[wid], dst_v)
        pltpu.sync_copy(zeros_hbm.at[pl.ds(s * _RPT, _RPT)],
                        acc.at[pl.ds(s * _RPT, _RPT)])
        plsc.subcore_barrier()

        def body(i, carry):
            pltpu.async_copy(y_hbm.at[src_v.at[i]], rows_v, sem).wait()
            pltpu.sync_copy(rows_v, acc.at[dst_v.at[i]], add=True)
            return carry

        lax.fori_loop(0, n_chunks, body, 0)
        plsc.subcore_barrier()
        pltpu.sync_copy(acc.at[pl.ds(s * _RPT, _RPT)],
                        out_hbm.at[c, pl.ds(s * _RPT, _RPT)])

    return k


def _sc_aggregate_narrow(d_feat, n_chunks):
    L = 16

    @functools.partial(
        pl.kernel,
        mesh=_sc_mesh(),
        out_type=jax.ShapeDtypeStruct((_NC, _NPAD, d_feat), jnp.float32),
        scratch_types=[
            pltpu.VMEM((n_chunks, _CHUNK), jnp.int32),
            pltpu.VMEM((n_chunks, _CHUNK), jnp.int32),
            pltpu.VMEM((_NPAD, d_feat), jnp.float32),
            pltpu.VMEM((_CHUNK, d_feat), jnp.float32),
            pltpu.VMEM_SHARED((_NPAD, d_feat), jnp.float32),
        ],
        compiler_params=_SC_PARAMS_NARROW,
    )
    def k(y_hbm, src_hbm, dst_hbm, zeros_hbm, out_hbm,
          src_v, dst_v, y_v, rows_v, acc):
        c = lax.axis_index("c")
        s = lax.axis_index("s")
        wid = c * _NS + s
        pltpu.sync_copy(src_hbm.at[wid], src_v)
        pltpu.sync_copy(dst_hbm.at[wid], dst_v)
        pltpu.sync_copy(y_hbm, y_v)
        pltpu.sync_copy(zeros_hbm.at[pl.ds(s * _RPT, _RPT)],
                        acc.at[pl.ds(s * _RPT, _RPT)])
        plsc.subcore_barrier()

        lane = lax.iota(jnp.int32, L)
        cols = [lax.full((L,), cc, jnp.int32) for cc in range(d_feat)]
        ids = [lane + (g * L) for g in range(_CHUNK // L)]

        def body(i, carry):
            for g in range(_CHUNK // L):
                src16 = src_v[i, pl.ds(g * L, L)]
                for cc in range(d_feat):
                    vals = plsc.load_gather(y_v, [src16, cols[cc]])
                    plsc.store_scatter(rows_v, [ids[g], cols[cc]], vals)
            pltpu.sync_copy(rows_v, acc.at[dst_v.at[i]], add=True)
            return carry

        lax.fori_loop(0, n_chunks, body, 0)
        plsc.subcore_barrier()
        pltpu.sync_copy(acc.at[pl.ds(s * _RPT, _RPT)],
                        out_hbm.at[c, pl.ds(s * _RPT, _RPT)])

    return k


def _tc_pre(x_p, w1_p, degp_t):

    def body(x_ref, w_ref, dp_ref, y_ref, dinv_ref):
        dinv = lax.rsqrt(dp_ref[:, 0:1] + dp_ref[:, 1:2] + 1.0)
        xw = jnp.dot(x_ref[...], w_ref[...],
                     preferred_element_type=jnp.float32)
        y_ref[...] = xw * dinv
        dinv_ref[...] = dinv

    return pl.pallas_call(
        body,
        out_shape=[
            jax.ShapeDtypeStruct((_NPAD, w1_p.shape[1]), jnp.float32),
            jax.ShapeDtypeStruct((_NPAD, 1), jnp.float32),
        ],
    )(x_p, w1_p, degp_t)


def _tc_mid(p0, p1, y_prev, dinv, b_p, w_p):

    def body(p0_ref, p1_ref, yp_ref, dinv_ref, b_ref, w_ref, yn_ref):
        tot = p0_ref[...] + p1_ref[...] + yp_ref[...]
        h = jnp.tanh(dinv_ref[...] * tot + b_ref[...])
        rows = lax.broadcasted_iota(jnp.int32, (_NPAD, 1), 0)
        h = jnp.where(rows < _N, h, 0.0)
        yn_ref[...] = dinv_ref[...] * jnp.dot(
            h, w_ref[...], preferred_element_type=jnp.float32)

    return pl.pallas_call(
        body,
        out_shape=jax.ShapeDtypeStruct((_NPAD, w_p.shape[1]), jnp.float32),
    )(p0, p1, y_prev, dinv, b_p, w_p)


def _tc_final(p0, p1, y_prev, dinv, b_p, wc_p, bc_p):

    def body(p0_ref, p1_ref, yp_ref, dinv_ref, b_ref, wc_ref, bc_ref,
             h_ref, out_ref):
        tot = p0_ref[...] + p1_ref[...] + yp_ref[...]
        h = jnp.tanh(dinv_ref[...] * tot + b_ref[...])
        rows = lax.broadcasted_iota(jnp.int32, (_NPAD, 1), 0)
        h = jnp.where(rows < _N, h, 0.0)
        h_ref[...] = h
        out_ref[...] = jnp.dot(
            h, wc_ref[...], preferred_element_type=jnp.float32) + bc_ref[...]

    return pl.pallas_call(
        body,
        out_shape=[
            jax.ShapeDtypeStruct((_NPAD, b_p.shape[1]), jnp.float32),
            jax.ShapeDtypeStruct((_NPAD, wc_p.shape[1]), jnp.float32),
        ],
    )(p0, p1, y_prev, dinv, b_p, wc_p, bc_p)


def _pad2(a, rows, cols):
    return jnp.pad(a, ((0, rows - a.shape[0]), (0, cols - a.shape[1])))


def kernel(x, edge_index, W1, b1, W2, b2, W3, b3, Wc, bc):
    f32 = jnp.float32
    src = edge_index[0].astype(jnp.int32)
    dst = edge_index[1].astype(jnp.int32)
    n_edges = src.shape[0]
    n_chunks = -(-n_edges // (_NW * _CHUNK))
    e_pad = _NW * _CHUNK * n_chunks
    pad = e_pad - n_edges

    pad_dst = _N + jnp.arange(pad, dtype=jnp.int32) % (_NPAD - _N)
    src3 = jnp.concatenate(
        [src, jnp.full((pad,), _ZROW, jnp.int32)]).reshape(_NW, n_chunks, _CHUNK)
    dst3 = jnp.concatenate(
        [dst, pad_dst]).reshape(_NW, n_chunks, _CHUNK)

    z1 = jnp.zeros((_NPAD,), f32)
    z8 = jnp.zeros((_NPAD, 8), f32)
    z80 = jnp.zeros((_NPAD, 80), f32)

    x_p = _pad2(x, _NPAD, 128)
    w1_p = _pad2(W1, 128, 80)
    w2_p = _pad2(W2, 80, 8)
    w3_p = _pad2(W3, 8, 8)
    wc_p = _pad2(Wc, 8, 12)
    b1_p = jnp.pad(b1, (0, 80 - b1.shape[0]))[None, :]
    b2_p = jnp.pad(b2, (0, 8 - b2.shape[0]))[None, :]
    b3_p = jnp.pad(b3, (0, 8 - b3.shape[0]))[None, :]
    bc_p = bc[None, :]

    degp = _sc_degree(n_chunks)(dst3, z1)
    y1, dinv = _tc_pre(x_p, w1_p, degp.T)

    p1 = _sc_aggregate(80, n_chunks)(y1, src3, dst3, z80)
    y2 = _tc_mid(p1[0], p1[1], y1, dinv, b1_p, w2_p)

    p2 = _sc_aggregate_narrow(8, n_chunks)(y2, src3, dst3, z8)
    y3 = _tc_mid(p2[0], p2[1], y2, dinv, b2_p, w3_p)

    p3 = _sc_aggregate_narrow(8, n_chunks)(y3, src3, dst3, z8)
    h_p, out_p = _tc_final(p3[0], p3[1], y3, dinv, b3_p, wc_p, bc_p)

    return out_p[:_N], h_p[:_N, :4]

# --- scband reference (transcript-rebuilt; emitter-appended) ---
"""Pipeline reference for scband-gcn-72138270703769 (READ-ONLY COPY).

The authoritative reference and input builder live on the scoring server;
editing this copy changes nothing except your own understanding.
"""

import jax, jax.numpy as jnp
import numpy as np

N_NODES = 10000
N_EDGES = 640000


def gcn_conv(x, edge_index, W, b):
    # Faithful PyG GCNConv: add self-loops, symmetric normalization,
    # linear transform (no bias), scatter-add aggregation, then bias.
    N = x.shape[0]
    src = edge_index[0]
    dst = edge_index[1]
    loop = jnp.arange(N, dtype=src.dtype)
    src = jnp.concatenate([src, loop])
    dst = jnp.concatenate([dst, loop])
    xw = x @ W
    deg = jax.ops.segment_sum(jnp.ones_like(src, dtype=x.dtype), dst, num_segments=N)
    dinv = jnp.where(deg > 0, deg ** -0.5, 0.0)
    norm = dinv[src] * dinv[dst]
    msgs = jnp.take(xw, src, axis=0) * norm[:, None]
    out = jax.ops.segment_sum(msgs, dst, num_segments=N)
    return out + b


def setup_inputs(seed: int = 0) -> dict:
    key = jax.random.key(seed)
    ks = jax.random.split(key, 12)
    x = jax.random.normal(ks[0], (N_NODES, 115), dtype=jnp.float32)
    edge_index = jax.random.randint(ks[1], (2, N_EDGES), 0, N_NODES, dtype=jnp.int64)
    def glorot(k, fin, fout):
        s = (6.0 / (fin + fout)) ** 0.5
        return jax.random.uniform(k, (fin, fout), dtype=jnp.float32, minval=-s, maxval=s)
    W1 = glorot(ks[2], 115, 70); b1 = jnp.zeros((70,), dtype=jnp.float32)
    W2 = glorot(ks[3], 70, 4);   b2 = jnp.zeros((4,), dtype=jnp.float32)
    W3 = glorot(ks[4], 4, 4);    b3 = jnp.zeros((4,), dtype=jnp.float32)
    Wc = glorot(ks[5], 4, 12);   bc = jnp.zeros((12,), dtype=jnp.float32)
    return {"x": x, "edge_index": edge_index, "W1": W1, "b1": b1, "W2": W2, "b2": b2, "W3": W3, "b3": b3, "Wc": Wc, "bc": bc}


def reference(x, edge_index, W1, b1, W2, b2, W3, b3, Wc, bc):
    h = jnp.tanh(gcn_conv(x, edge_index, W1, b1))
    h = jnp.tanh(gcn_conv(h, edge_index, W2, b2))
    h = jnp.tanh(gcn_conv(h, edge_index, W3, b3))
    out = h @ Wc + bc
    return (out, h)

if __name__ == "__main__":
    import jax
    _d = setup_inputs()
    print(jax.jit(kernel)(*tuple(_d.values())))

</pallas_src>

<mosaic_0001>
#map = affine_map<(d0, d1) -> (0, 0)>
#map1 = affine_map<(d0, d1) -> (0, 0, 0)>
module attributes {stable_mosaic.version = 14 : i64} {
  func.func @k(%arg0: i32, %arg1: i32, %arg2: memref<10240x8xf32, #tpu.memory_space<hbm>>, %arg3: memref<32x157x128xi32, #tpu.memory_space<hbm>>, %arg4: memref<32x157x128xi32, #tpu.memory_space<hbm>>, %arg5: memref<10240x8xf32, #tpu.memory_space<hbm>>, %arg6: memref<2x10240x8xf32, #tpu.memory_space<hbm>>, %arg7: memref<157x128xi32, #tpu.memory_space<vmem>>, %arg8: memref<157x128xi32, #tpu.memory_space<vmem>>, %arg9: memref<10240x8xf32, #tpu.memory_space<vmem>>, %arg10: memref<128x8xf32, #tpu.memory_space<vmem>>, %arg11: memref<10240x8xf32, #tpu.memory_space<vmem_shared>>) attributes {dimension_semantics = [#tpu.dimension_semantics<core_parallel>, #tpu.dimension_semantics<subcore_parallel>], iteration_bounds = array<i64: 2, 16>, scalar_prefetch = 0 : i64, scratch_operands = 5 : i64, tpu.core_type = #tpu.core_type<sc_vector_subcore>, window_params = [{transform_indices = #map}, {transform_indices = #map1}, {transform_indices = #map1}, {transform_indices = #map}, {transform_indices = #map1}]} {
    %mul3A = arith.constant 16 : i32
    %mul3A_0 = arith.muli %arg0, %mul3A : i32
    %add3A = arith.addi %mul3A_0, %arg1 : i32
    "tpu.region"() ({
      %run_scoped3A = tpu.sem_alloc : memref<!tpu.dma_semaphore, #tpu.memory_space<semaphore_mem>>
      %dma_start3A = arith.constant 0 : i32
      %dma_start3A_54 = arith.constant 0 : i32
      %dma_start3A_55 = tpu.memref_slice %arg3[%add3A, %dma_start3A, %dma_start3A_54] : memref<32x157x128xi32, #tpu.memory_space<hbm>> -> memref<1x157x128xi32, #tpu.memory_space<hbm>>
      %dma_start3A_56 = tpu.memref_squeeze %dma_start3A_55 : memref<1x157x128xi32, #tpu.memory_space<hbm>> -> memref<157x128xi32, #tpu.memory_space<hbm>>
      %dma_start3A_57 = arith.constant 0 : i32
      %dma_start3A_58 = arith.constant 0 : i32
      %dma_start3A_59 = tpu.memref_slice %arg3[%add3A, %dma_start3A_57, %dma_start3A_58] : memref<32x157x128xi32, #tpu.memory_space<hbm>> -> memref<1x157x128xi32, #tpu.memory_space<hbm>>
      %dma_start3A_60 = tpu.memref_squeeze %dma_start3A_59 : memref<1x157x128xi32, #tpu.memory_space<hbm>> -> memref<157x128xi32, #tpu.memory_space<hbm>>
      tpu.enqueue_dma source(%dma_start3A_60 : memref<157x128xi32, #tpu.memory_space<hbm>>) target(%arg7 : memref<157x128xi32, #tpu.memory_space<vmem>>) target_semaphore(%run_scoped3A : memref<!tpu.dma_semaphore, #tpu.memory_space<semaphore_mem>>)
      %dma_wait3A = arith.constant 0 : i32
      %dma_wait3A_61 = arith.constant 0 : i32
      %dma_wait3A_62 = tpu.memref_slice %arg3[%add3A, %dma_wait3A, %dma_wait3A_61] : memref<32x157x128xi32, #tpu.memory_space<hbm>> -> memref<1x157x128xi32, #tpu.memory_space<hbm>>
      %dma_wait3A_63 = tpu.memref_squeeze %dma_wait3A_62 : memref<1x157x128xi32, #tpu.memory_space<hbm>> -> memref<157x128xi32, #tpu.memory_space<hbm>>
      %dma_wait3A_64 = arith.constant 0 : i32
      %dma_wait3A_65 = arith.constant 0 : i32
      %dma_wait3A_66 = tpu.memref_slice %arg3[%add3A, %dma_wait3A_64, %dma_wait3A_65] : memref<32x157x128xi32, #tpu.memory_space<hbm>> -> memref<1x157x128xi32, #tpu.memory_space<hbm>>
      %dma_wait3A_67 = tpu.memref_squeeze %dma_wait3A_66 : memref<1x157x128xi32, #tpu.memory_space<hbm>> -> memref<157x128xi32, #tpu.memory_space<hbm>>
      tpu.wait_dma2 semaphore(%run_scoped3A : memref<!tpu.dma_semaphore, #tpu.memory_space<semaphore_mem>>) src(%dma_wait3A_67 : memref<157x128xi32, #tpu.memory_space<hbm>>) dst(%arg7 : memref<157x128xi32, #tpu.memory_space<vmem>>)
      tpu.yield
    }) : () -> ()
    "tpu.region"() ({
      %run_scoped3A = tpu.sem_alloc : memref<!tpu.dma_semaphore, #tpu.memory_space<semaphore_mem>>
      %dma_start3A = arith.constant 0 : i32
      %dma_start3A_54 = arith.constant 0 : i32
      %dma_start3A_55 = tpu.memref_slice %arg4[%add3A, %dma_start3A, %dma_start3A_54] : memref<32x157x128xi32, #tpu.memory_space<hbm>> -> memref<1x157x128xi32, #tpu.memory_space<hbm>>
      %dma_start3A_56 = tpu.memref_squeeze %dma_start3A_55 : memref<1x157x128xi32, #tpu.memory_space<hbm>> -> memref<157x128xi32, #tpu.memory_space<hbm>>
      %dma_start3A_57 = arith.constant 0 : i32
      %dma_start3A_58 = arith.constant 0 : i32
      %dma_start3A_59 = tpu.memref_slice %arg4[%add3A, %dma_start3A_57, %dma_start3A_58] : memref<32x157x128xi32, #tpu.memory_space<hbm>> -> memref<1x157x128xi32, #tpu.memory_space<hbm>>
      %dma_start3A_60 = tpu.memref_squeeze %dma_start3A_59 : memref<1x157x128xi32, #tpu.memory_space<hbm>> -> memref<157x128xi32, #tpu.memory_space<hbm>>
      tpu.enqueue_dma source(%dma_start3A_60 : memref<157x128xi32, #tpu.memory_space<hbm>>) target(%arg8 : memref<157x128xi32, #tpu.memory_space<vmem>>) target_semaphore(%run_scoped3A : memref<!tpu.dma_semaphore, #tpu.memory_space<semaphore_mem>>)
      %dma_wait3A = arith.constant 0 : i32
      %dma_wait3A_61 = arith.constant 0 : i32
      %dma_wait3A_62 = tpu.memref_slice %arg4[%add3A, %dma_wait3A, %dma_wait3A_61] : memref<32x157x128xi32, #tpu.memory_space<hbm>> -> memref<1x157x128xi32, #tpu.memory_space<hbm>>
      %dma_wait3A_63 = tpu.memref_squeeze %dma_wait3A_62 : memref<1x157x128xi32, #tpu.memory_space<hbm>> -> memref<157x128xi32, #tpu.memory_space<hbm>>
      %dma_wait3A_64 = arith.constant 0 : i32
      %dma_wait3A_65 = arith.constant 0 : i32
      %dma_wait3A_66 = tpu.memref_slice %arg4[%add3A, %dma_wait3A_64, %dma_wait3A_65] : memref<32x157x128xi32, #tpu.memory_space<hbm>> -> memref<1x157x128xi32, #tpu.memory_space<hbm>>
      %dma_wait3A_67 = tpu.memref_squeeze %dma_wait3A_66 : memref<1x157x128xi32, #tpu.memory_space<hbm>> -> memref<157x128xi32, #tpu.memory_space<hbm>>
      tpu.wait_dma2 semaphore(%run_scoped3A : memref<!tpu.dma_semaphore, #tpu.memory_space<semaphore_mem>>) src(%dma_wait3A_67 : memref<157x128xi32, #tpu.memory_space<hbm>>) dst(%arg8 : memref<157x128xi32, #tpu.memory_space<vmem>>)
      tpu.yield
    }) : () -> ()
    "tpu.region"() ({
      %run_scoped3A = tpu.sem_alloc : memref<!tpu.dma_semaphore, #tpu.memory_space<semaphore_mem>>
      tpu.enqueue_dma source(%arg2 : memref<10240x8xf32, #tpu.memory_space<hbm>>) target(%arg9 : memref<10240x8xf32, #tpu.memory_space<vmem>>) target_semaphore(%run_scoped3A : memref<!tpu.dma_semaphore, #tpu.memory_space<semaphore_mem>>)
      tpu.wait_dma2 semaphore(%run_scoped3A : memref<!tpu.dma_semaphore, #tpu.memory_space<semaphore_mem>>) src(%arg2 : memref<10240x8xf32, #tpu.memory_space<hbm>>) dst(%arg9 : memref<10240x8xf32, #tpu.memory_space<vmem>>)
      tpu.yield
    }) : () -> ()
    %mul3A_1 = arith.constant 640 : i32
    %mul3A_2 = arith.muli %arg1, %mul3A_1 : i32
    %mul3A_3 = arith.constant 640 : i32
    %mul3A_4 = arith.muli %arg1, %mul3A_3 : i32
    "tpu.region"() ({
      %run_scoped3A = tpu.sem_alloc : memref<!tpu.dma_semaphore, #tpu.memory_space<semaphore_mem>>
      %dma_start3A = arith.constant 0 : i32
      %dma_start3A_54 = tpu.memref_slice %arg11[%mul3A_4, %dma_start3A] : memref<10240x8xf32, #tpu.memory_space<vmem_shared>> -> memref<640x8xf32, #tpu.memory_space<vmem_shared>>
      %dma_start3A_55 = arith.constant 0 : i32
      %dma_start3A_56 = tpu.memref_slice %arg5[%mul3A_2, %dma_start3A_55] : memref<10240x8xf32, #tpu.memory_space<hbm>> -> memref<640x8xf32, #tpu.memory_space<hbm>>
      tpu.enqueue_dma source(%dma_start3A_56 : memref<640x8xf32, #tpu.memory_space<hbm>>) target(%dma_start3A_54 : memref<640x8xf32, #tpu.memory_space<vmem_shared>>) target_semaphore(%run_scoped3A : memref<!tpu.dma_semaphore, #tpu.memory_space<semaphore_mem>>)
      %dma_wait3A = arith.constant 0 : i32
      %dma_wait3A_57 = tpu.memref_slice %arg11[%mul3A_4, %dma_wait3A] : memref<10240x8xf32, #tpu.memory_space<vmem_shared>> -> memref<640x8xf32, #tpu.memory_space<vmem_shared>>
      %dma_wait3A_58 = arith.constant 0 : i32
      %dma_wait3A_59 = tpu.memref_slice %arg5[%mul3A_2, %dma_wait3A_58] : memref<10240x8xf32, #tpu.memory_space<hbm>> -> memref<640x8xf32, #tpu.memory_space<hbm>>
      tpu.wait_dma2 semaphore(%run_scoped3A : memref<!tpu.dma_semaphore, #tpu.memory_space<semaphore_mem>>) src(%dma_wait3A_59 : memref<640x8xf32, #tpu.memory_space<hbm>>) dst(%dma_wait3A_57 : memref<640x8xf32, #tpu.memory_space<vmem_shared>>)
      tpu.yield
    }) : () -> ()
    %barrier3A = arith.constant 0 : index
    tpu.barrier barrier_id(%barrier3A)
    %iota3A = tpu.iota {dimensions = array<i32: 0>} : vector<16xi32>
    %broadcast_in_dim3A = arith.constant 0 : i32
    %broadcast_in_dim3A_5 = vector.broadcast %broadcast_in_dim3A : i32 to vector<16xi32>
    %broadcast_in_dim3A_6 = arith.constant 1 : i32
    %broadcast_in_dim3A_7 = vector.broadcast %broadcast_in_dim3A_6 : i32 to vector<16xi32>
    %broadcast_in_dim3A_8 = arith.constant 2 : i32
    %broadcast_in_dim3A_9 = vector.broadcast %broadcast_in_dim3A_8 : i32 to vector<16xi32>
    %broadcast_in_dim3A_10 = arith.constant 3 : i32
    %broadcast_in_dim3A_11 = vector.broadcast %broadcast_in_dim3A_10 : i32 to vector<16xi32>
    %broadcast_in_dim3A_12 = arith.constant 4 : i32
    %broadcast_in_dim3A_13 = vector.broadcast %broadcast_in_dim3A_12 : i32 to vector<16xi32>
    %broadcast_in_dim3A_14 = arith.constant 5 : i32
    %broadcast_in_dim3A_15 = vector.broadcast %broadcast_in_dim3A_14 : i32 to vector<16xi32>
    %broadcast_in_dim3A_16 = arith.constant 6 : i32
    %broadcast_in_dim3A_17 = vector.broadcast %broadcast_in_dim3A_16 : i32 to vector<16xi32>
    %broadcast_in_dim3A_18 = arith.constant 7 : i32
    %broadcast_in_dim3A_19 = vector.broadcast %broadcast_in_dim3A_18 : i32 to vector<16xi32>
    %add3A_20 = arith.constant 0 : i32
    %add3A_21 = vector.broadcast %add3A_20 : i32 to vector<16xi32>
    %add3A_22 = arith.addi %iota3A, %add3A_21 : vector<16xi32>
    %add3A_23 = arith.constant 16 : i32
    %add3A_24 = vector.broadcast %add3A_23 : i32 to vector<16xi32>
    %add3A_25 = arith.addi %iota3A, %add3A_24 : vector<16xi32>
    %add3A_26 = arith.constant 32 : i32
    %add3A_27 = vector.broadcast %add3A_26 : i32 to vector<16xi32>
    %add3A_28 = arith.addi %iota3A, %add3A_27 : vector<16xi32>
    %add3A_29 = arith.constant 48 : i32
    %add3A_30 = vector.broadcast %add3A_29 : i32 to vector<16xi32>
    %add3A_31 = arith.addi %iota3A, %add3A_30 : vector<16xi32>
    %add3A_32 = arith.constant 64 : i32
    %add3A_33 = vector.broadcast %add3A_32 : i32 to vector<16xi32>
    %add3A_34 = arith.addi %iota3A, %add3A_33 : vector<16xi32>
    %add3A_35 = arith.constant 80 : i32
    %add3A_36 = vector.broadcast %add3A_35 : i32 to vector<16xi32>
    %add3A_37 = arith.addi %iota3A, %add3A_36 : vector<16xi32>
    %add3A_38 = arith.constant 96 : i32
    %add3A_39 = vector.broadcast %add3A_38 : i32 to vector<16xi32>
    %add3A_40 = arith.addi %iota3A, %add3A_39 : vector<16xi32>
    %add3A_41 = arith.constant 112 : i32
    %add3A_42 = vector.broadcast %add3A_41 : i32 to vector<16xi32>
    %add3A_43 = arith.addi %iota3A, %add3A_42 : vector<16xi32>
    %scan3A = arith.constant 0 : i32
    %scan3A_44 = arith.constant 0 : i32
    %scan3A_45 = arith.constant 157 : i32
    %scan3A_46 = arith.addi %scan3A_44, %scan3A_45 : i32
    %scan3A_47 = arith.constant 1 : i32
    scf.for %scan3A_54 = %scan3A_44 to %scan3A_46 step %scan3A_47  : i32 {
      %get3A = arith.index_cast %scan3A_54 : i32 to index
      %get3A_55 = arith.constant 0 : index
      %get3A_56 = tpu.vector_load %arg7[%get3A, %get3A_55] {strides = array<i32>} : memref<157x128xi32, #tpu.memory_space<vmem>>, vector<16xi32>,
      %gather3A = tpu.vector_load_idx %arg9[%get3A_56, %broadcast_in_dim3A_5] : memref<10240x8xf32, #tpu.memory_space<vmem>>[vector<16xi32>, vector<16xi32>], vector<16xf32>,
      tpu.vector_store_idx %arg10[%add3A_22, %broadcast_in_dim3A_5], %gather3A : memref<128x8xf32, #tpu.memory_space<vmem>>[vector<16xi32>, vector<16xi32>], vector<16xf32>,
      %gather3A_57 = tpu.vector_load_idx %arg9[%get3A_56, %broadcast_in_dim3A_7] : memref<10240x8xf32, #tpu.memory_space<vmem>>[vector<16xi32>, vector<16xi32>], vector<16xf32>,
      tpu.vector_store_idx %arg10[%add3A_22, %broadcast_in_dim3A_7], %gather3A_57 : memref<128x8xf32, #tpu.memory_space<vmem>>[vector<16xi32>, vector<16xi32>], vector<16xf32>,
      %gather3A_58 = tpu.vector_load_idx %arg9[%get3A_56, %broadcast_in_dim3A_9] : memref<10240x8xf32, #tpu.memory_space<vmem>>[vector<16xi32>, vector<16xi32>], vector<16xf32>,
      tpu.vector_store_idx %arg10[%add3A_22, %broadcast_in_dim3A_9], %gather3A_58 : memref<128x8xf32, #tpu.memory_space<vmem>>[vector<16xi32>, vector<16xi32>], vector<16xf32>,
      %gather3A_59 = tpu.vector_load_idx %arg9[%get3A_56, %broadcast_in_dim3A_11] : memref<10240x8xf32, #tpu.memory_space<vmem>>[vector<16xi32>, vector<16xi32>], vector<16xf32>,
      tpu.vector_store_idx %arg10[%add3A_22, %broadcast_in_dim3A_11], %gather3A_59 : memref<128x8xf32, #tpu.memory_space<vmem>>[vector<16xi32>, vector<16xi32>], vector<16xf32>,
      %gather3A_60 = tpu.vector_load_idx %arg9[%get3A_56, %broadcast_in_dim3A_13] : memref<10240x8xf32, #tpu.memory_space<vmem>>[vector<16xi32>, vector<16xi32>], vector<16xf32>,
      tpu.vector_store_idx %arg10[%add3A_22, %broadcast_in_dim3A_13], %gather3A_60 : memref<128x8xf32, #tpu.memory_space<vmem>>[vector<16xi32>, vector<16xi32>], vector<16xf32>,
      %gather3A_61 = tpu.vector_load_idx %arg9[%get3A_56, %broadcast_in_dim3A_15] : memref<10240x8xf32, #tpu.memory_space<vmem>>[vector<16xi32>, vector<16xi32>], vector<16xf32>,
      tpu.vector_store_idx %arg10[%add3A_22, %broadcast_in_dim3A_15], %gather3A_61 : memref<128x8xf32, #tpu.memory_space<vmem>>[vector<16xi32>, vector<16xi32>], vector<16xf32>,
      %gather3A_62 = tpu.vector_load_idx %arg9[%get3A_56, %broadcast_in_dim3A_17] : memref<10240x8xf32, #tpu.memory_space<vmem>>[vector<16xi32>, vector<16xi32>], vector<16xf32>,
      tpu.vector_store_idx %arg10[%add3A_22, %broadcast_in_dim3A_17], %gather3A_62 : memref<128x8xf32, #tpu.memory_space<vmem>>[vector<16xi32>, vector<16xi32>], vector<16xf32>,
      %gather3A_63 = tpu.vector_load_idx %arg9[%get3A_56, %broadcast_in_dim3A_19] : memref<10240x8xf32, #tpu.memory_space<vmem>>[vector<16xi32>, vector<16xi32>], vector<16xf32>,
      tpu.vector_store_idx %arg10[%add3A_22, %broadcast_in_dim3A_19], %gather3A_63 : memref<128x8xf32, #tpu.memory_space<vmem>>[vector<16xi32>, vector<16xi32>], vector<16xf32>,
      %get3A_64 = arith.index_cast %scan3A_54 : i32 to index
      %get3A_65 = arith.constant 16 : index
      %get3A_66 = tpu.vector_load %arg7[%get3A_64, %get3A_65] {strides = array<i32>} : memref<157x128xi32, #tpu.memory_space<vmem>>, vector<16xi32>,
      %gather3A_67 = tpu.vector_load_idx %arg9[%get3A_66, %broadcast_in_dim3A_5] : memref<10240x8xf32, #tpu.memory_space<vmem>>[vector<16xi32>, vector<16xi32>], vector<16xf32>,
      tpu.vector_store_idx %arg10[%add3A_25, %broadcast_in_dim3A_5], %gather3A_67 : memref<128x8xf32, #tpu.memory_space<vmem>>[vector<16xi32>, vector<16xi32>], vector<16xf32>,
      %gather3A_68 = tpu.vector_load_idx %arg9[%get3A_66, %broadcast_in_dim3A_7] : memref<10240x8xf32, #tpu.memory_space<vmem>>[vector<16xi32>, vector<16xi32>], vector<16xf32>,
      tpu.vector_store_idx %arg10[%add3A_25, %broadcast_in_dim3A_7], %gather3A_68 : memref<128x8xf32, #tpu.memory_space<vmem>>[vector<16xi32>, vector<16xi32>], vector<16xf32>,
      %gather3A_69 = tpu.vector_load_idx %arg9[%get3A_66, %broadcast_in_dim3A_9] : memref<10240x8xf32, #tpu.memory_space<vmem>>[vector<16xi32>, vector<16xi32>], vector<16xf32>,
      tpu.vector_store_idx %arg10[%add3A_25, %broadcast_in_dim3A_9], %gather3A_69 : memref<128x8xf32, #tpu.memory_space<vmem>>[vector<16xi32>, vector<16xi32>], vector<16xf32>,
      %gather3A_70 = tpu.vector_load_idx %arg9[%get3A_66, %broadcast_in_dim3A_11] : memref<10240x8xf32, #tpu.memory_space<vmem>>[vector<16xi32>, vector<16xi32>], vector<16xf32>,
      tpu.vector_store_idx %arg10[%add3A_25, %broadcast_in_dim3A_11], %gather3A_70 : memref<128x8xf32, #tpu.memory_space<vmem>>[vector<16xi32>, vector<16xi32>], vector<16xf32>,
      %gather3A_71 = tpu.vector_load_idx %arg9[%get3A_66, %broadcast_in_dim3A_13] : memref<10240x8xf32, #tpu.memory_space<vmem>>[vector<16xi32>, vector<16xi32>], vector<16xf32>,
      tpu.vector_store_idx %arg10[%add3A_25, %broadcast_in_dim3A_13], %gather3A_71 : memref<128x8xf32, #tpu.memory_space<vmem>>[vector<16xi32>, vector<16xi32>], vector<16xf32>,
      %gather3A_72 = tpu.vector_load_idx %arg9[%get3A_66, %broadcast_in_dim3A_15] : memref<10240x8xf32, #tpu.memory_space<vmem>>[vector<16xi32>, vector<16xi32>], vector<16xf32>,
      tpu.vector_store_idx %arg10[%add3A_25, %broadcast_in_dim3A_15], %gather3A_72 : memref<128x8xf32, #tpu.memory_space<vmem>>[vector<16xi32>, vector<16xi32>], vector<16xf32>,
      %gather3A_73 = tpu.vector_load_idx %arg9[%get3A_66, %broadcast_in_dim3A_17] : memref<10240x8xf32, #tpu.memory_space<vmem>>[vector<16xi32>, vector<16xi32>], vector<16xf32>,
      tpu.vector_store_idx %arg10[%add3A_25, %broadcast_in_dim3A_17], %gather3A_73 : memref<128x8xf32, #tpu.memory_space<vmem>>[vector<16xi32>, vector<16xi32>], vector<16xf32>,
      %gather3A_74 = tpu.vector_load_idx %arg9[%get3A_66, %broadcast_in_dim3A_19] : memref<10240x8xf32, #tpu.memory_space<vmem>>[vector<16xi32>, vector<16xi32>], vector<16xf32>,
      tpu.vector_store_idx %arg10[%add3A_25, %broadcast_in_dim3A_19], %gather3A_74 : memref<128x8xf32, #tpu.memory_space<vmem>>[vector<16xi32>, vector<16xi32>], vector<16xf32>,
      %get3A_75 = arith.index_cast %scan3A_54 : i32 to index
      %get3A_76 = arith.constant 32 : index
      %get3A_77 = tpu.vector_load %arg7[%get3A_75, %get3A_76] {strides = array<i32>} : memref<157x128xi32, #tpu.memory_space<vmem>>, vector<16xi32>,
      %gather3A_78 = tpu.vector_load_idx %arg9[%get3A_77, %broadcast_in_dim3A_5] : memref<10240x8xf32, #tpu.memory_space<vmem>>[vector<16xi32>, vector<16xi32>], vector<16xf32>,
      tpu.vector_store_idx %arg10[%add3A_28, %broadcast_in_dim3A_5], %gather3A_78 : memref<128x8xf32, #tpu.memory_space<vmem>>[vector<16xi32>, vector<16xi32>], vector<16xf32>,
      %gather3A_79 = tpu.vector_load_idx %arg9[%get3A_77, %broadcast_in_dim3A_7] : memref<10240x8xf32, #tpu.memory_space<vmem>>[vector<16xi32>, vector<16xi32>], vector<16xf32>,
      tpu.vector_store_idx %arg10[%add3A_28, %broadcast_in_dim3A_7], %gather3A_79 : memref<128x8xf32, #tpu.memory_space<vmem>>[vector<16xi32>, vector<16xi32>], vector<16xf32>,
      %gather3A_80 = tpu.vector_load_idx %arg9[%get3A_77, %broadcast_in_dim3A_9] : memref<10240x8xf32, #tpu.memory_space<vmem>>[vector<16xi32>, vector<16xi32>], vector<16xf32>,
      tpu.vector_store_idx %arg10[%add3A_28, %broadcast_in_dim3A_9], %gather3A_80 : memref<128x8xf32, #tpu.memory_space<vmem>>[vector<16xi32>, vector<16xi32>], vector<16xf32>,
      %gather3A_81 = tpu.vector_load_idx %arg9[%get3A_77, %broadcast_in_dim3A_11] : memref<10240x8xf32, #tpu.memory_space<vmem>>[vector<16xi32>, vector<16xi32>], vector<16xf32>,
      tpu.vector_store_idx %arg10[%add3A_28, %broadcast_in_dim3A_11], %gather3A_81 : memref<128x8xf32, #tpu.memory_space<vmem>>[vector<16xi32>, vector<16xi32>], vector<16xf32>,
      %gather3A_82 = tpu.vector_load_idx %arg9[%get3A_77, %broadcast_in_dim3A_13] : memref<10240x8xf32, #tpu.memory_space<vmem>>[vector<16xi32>, vector<16xi32>], vector<16xf32>,
      tpu.vector_store_idx %arg10[%add3A_28, %broadcast_in_dim3A_13], %gather3A_82 : memref<128x8xf32, #tpu.memory_space<vmem>>[vector<16xi32>, vector<16xi32>], vector<16xf32>,
      %gather3A_83 = tpu.vector_load_idx %arg9[%get3A_77, %broadcast_in_dim3A_15] : memref<10240x8xf32, #tpu.memory_space<vmem>>[vector<16xi32>, vector<16xi32>], vector<16xf32>,
      tpu.vector_store_idx %arg10[%add3A_28, %broadcast_in_dim3A_15], %gather3A_83 : memref<128x8xf32, #tpu.memory_space<vmem>>[vector<16xi32>, vector<16xi32>], vector<16xf32>,
      %gather3A_84 = tpu.vector_load_idx %arg9[%get3A_77, %broadcast_in_dim3A_17] : memref<10240x8xf32, #tpu.memory_space<vmem>>[vector<16xi32>, vector<16xi32>], vector<16xf32>,
      tpu.vector_store_idx %arg10[%add3A_28, %broadcast_in_dim3A_17], %gather3A_84 : memref<128x8xf32, #tpu.memory_space<vmem>>[vector<16xi32>, vector<16xi32>], vector<16xf32>,
      %gather3A_85 = tpu.vector_load_idx %arg9[%get3A_77, %broadcast_in_dim3A_19] : memref<10240x8xf32, #tpu.memory_space<vmem>>[vector<16xi32>, vector<16xi32>], vector<16xf32>,
      tpu.vector_store_idx %arg10[%add3A_28, %broadcast_in_dim3A_19], %gather3A_85 : memref<128x8xf32, #tpu.memory_space<vmem>>[vector<16xi32>, vector<16xi32>], vector<16xf32>,
      %get3A_86 = arith.index_cast %scan3A_54 : i32 to index
      %get3A_87 = arith.constant 48 : index
      %get3A_88 = tpu.vector_load %arg7[%get3A_86, %get3A_87] {strides = array<i32>} : memref<157x128xi32, #tpu.memory_space<vmem>>, vector<16xi32>,
      %gather3A_89 = tpu.vector_load_idx %arg9[%get3A_88, %broadcast_in_dim3A_5] : memref<10240x8xf32, #tpu.memory_space<vmem>>[vector<16xi32>, vector<16xi32>], vector<16xf32>,
      tpu.vector_store_idx %arg10[%add3A_31, %broadcast_in_dim3A_5], %gather3A_89 : memref<128x8xf32, #tpu.memory_space<vmem>>[vector<16xi32>, vector<16xi32>], vector<16xf32>,
      %gather3A_90 = tpu.vector_load_idx %arg9[%get3A_88, %broadcast_in_dim3A_7] : memref<10240x8xf32, #tpu.memory_space<vmem>>[vector<16xi32>, vector<16xi32>], vector<16xf32>,
      tpu.vector_store_idx %arg10[%add3A_31, %broadcast_in_dim3A_7], %gather3A_90 : memref<128x8xf32, #tpu.memory_space<vmem>>[vector<16xi32>, vector<16xi32>], vector<16xf32>,
      %gather3A_91 = tpu.vector_load_idx %arg9[%get3A_88, %broadcast_in_dim3A_9] : memref<10240x8xf32, #tpu.memory_space<vmem>>[vector<16xi32>, vector<16xi32>], vector<16xf32>,
      tpu.vector_store_idx %arg10[%add3A_31, %broadcast_in_dim3A_9], %gather3A_91 : memref<128x8xf32, #tpu.memory_space<vmem>>[vector<16xi32>, vector<16xi32>], vector<16xf32>,
      %gather3A_92 = tpu.vector_load_idx %arg9[%get3A_88, %broadcast_in_dim3A_11] : memref<10240x8xf32, #tpu.memory_space<vmem>>[vector<16xi32>, vector<16xi32>], vector<16xf32>,
      tpu.vector_store_idx %arg10[%add3A_31, %broadcast_in_dim3A_11], %gather3A_92 : memref<128x8xf32, #tpu.memory_space<vmem>>[vector<16xi32>, vector<16xi32>], vector<16xf32>,
      %gather3A_93 = tpu.vector_load_idx %arg9[%get3A_88, %broadcast_in_dim3A_13] : memref<10240x8xf32, #tpu.memory_space<vmem>>[vector<16xi32>, vector<16xi32>], vector<16xf32>,
      tpu.vector_store_idx %arg10[%add3A_31, %broadcast_in_dim3A_13], %gather3A_93 : memref<128x8xf32, #tpu.memory_space<vmem>>[vector<16xi32>, vector<16xi32>], vector<16xf32>,
      %gather3A_94 = tpu.vector_load_idx %arg9[%get3A_88, %broadcast_in_dim3A_15] : memref<10240x8xf32, #tpu.memory_space<vmem>>[vector<16xi32>, vector<16xi32>], vector<16xf32>,
      tpu.vector_store_idx %arg10[%add3A_31, %broadcast_in_dim3A_15], %gather3A_94 : memref<128x8xf32, #tpu.memory_space<vmem>>[vector<16xi32>, vector<16xi32>], vector<16xf32>,
      %gather3A_95 = tpu.vector_load_idx %arg9[%get3A_88, %broadcast_in_dim3A_17] : memref<10240x8xf32, #tpu.memory_space<vmem>>[vector<16xi32>, vector<16xi32>], vector<16xf32>,
      tpu.vector_store_idx %arg10[%add3A_31, %broadcast_in_dim3A_17], %gather3A_95 : memref<128x8xf32, #tpu.memory_space<vmem>>[vector<16xi32>, vector<16xi32>], vector<16xf32>,
      %gather3A_96 = tpu.vector_load_idx %arg9[%get3A_88, %broadcast_in_dim3A_19] : memref<10240x8xf32, #tpu.memory_space<vmem>>[vector<16xi32>, vector<16xi32>], vector<16xf32>,
      tpu.vector_store_idx %arg10[%add3A_31, %broadcast_in_dim3A_19], %gather3A_96 : memref<128x8xf32, #tpu.memory_space<vmem>>[vector<16xi32>, vector<16xi32>], vector<16xf32>,
      %get3A_97 = arith.index_cast %scan3A_54 : i32 to index
      %get3A_98 = arith.constant 64 : index
      %get3A_99 = tpu.vector_load %arg7[%get3A_97, %get3A_98] {strides = array<i32>} : memref<157x128xi32, #tpu.memory_space<vmem>>, vector<16xi32>,
      %gather3A_100 = tpu.vector_load_idx %arg9[%get3A_99, %broadcast_in_dim3A_5] : memref<10240x8xf32, #tpu.memory_space<vmem>>[vector<16xi32>, vector<16xi32>], vector<16xf32>,
      tpu.vector_store_idx %arg10[%add3A_34, %broadcast_in_dim3A_5], %gather3A_100 : memref<128x8xf32, #tpu.memory_space<vmem>>[vector<16xi32>, vector<16xi32>], vector<16xf32>,
      %gather3A_101 = tpu.vector_load_idx %arg9[%get3A_99, %broadcast_in_dim3A_7] : memref<10240x8xf32, #tpu.memory_space<vmem>>[vector<16xi32>, vector<16xi32>], vector<16xf32>,
      tpu.vector_store_idx %arg10[%add3A_34, %broadcast_in_dim3A_7], %gather3A_101 : memref<128x8xf32, #tpu.memory_space<vmem>>[vector<16xi32>, vector<16xi32>], vector<16xf32>,
      %gather3A_102 = tpu.vector_load_idx %arg9[%get3A_99, %broadcast_in_dim3A_9] : memref<10240x8xf32, #tpu.memory_space<vmem>>[vector<16xi32>, vector<16xi32>], vector<16xf32>,
      tpu.vector_store_idx %arg10[%add3A_34, %broadcast_in_dim3A_9], %gather3A_102 : memref<128x8xf32, #tpu.memory_space<vmem>>[vector<16xi32>, vector<16xi32>], vector<16xf32>,
      %gather3A_103 = tpu.vector_load_idx %arg9[%get3A_99, %broadcast_in_dim3A_11] : memref<10240x8xf32, #tpu.memory_space<vmem>>[vector<16xi32>, vector<16xi32>], vector<16xf32>,
      tpu.vector_store_idx %arg10[%add3A_34, %broadcast_in_dim3A_11], %gather3A_103 : memref<128x8xf32, #tpu.memory_space<vmem>>[vector<16xi32>, vector<16xi32>], vector<16xf32>,
      %gather3A_104 = tpu.vector_load_idx %arg9[%get3A_99, %broadcast_in_dim3A_13] : memref<10240x8xf32, #tpu.memory_space<vmem>>[vector<16xi32>, vector<16xi32>], vector<16xf32>,
      tpu.vector_store_idx %arg10[%add3A_34, %broadcast_in_dim3A_13], %gather3A_104 : memref<128x8xf32, #tpu.memory_space<vmem>>[vector<16xi32>, vector<16xi32>], vector<16xf32>,
      %gather3A_105 = tpu.vector_load_idx %arg9[%get3A_99, %broadcast_in_dim3A_15] : memref<10240x8xf32, #tpu.memory_space<vmem>>[vector<16xi32>, vector<16xi32>], vector<16xf32>,
      tpu.vector_store_idx %arg10[%add3A_34, %broadcast_in_dim3A_15], %gather3A_105 : memref<128x8xf32, #tpu.memory_space<vmem>>[vector<16xi32>, vector<16xi32>], vector<16xf32>,
      %gather3A_106 = tpu.vector_load_idx %arg9[%get3A_99, %broadcast_in_dim3A_17] : memref<10240x8xf32, #tpu.memory_space<vmem>>[vector<16xi32>, vector<16xi32>], vector<16xf32>,
      tpu.vector_store_idx %arg10[%add3A_34, %broadcast_in_dim3A_17], %gather3A_106 : memref<128x8xf32, #tpu.memory_space<vmem>>[vector<16xi32>, vector<16xi32>], vector<16xf32>,
      %gather3A_107 = tpu.vector_load_idx %arg9[%get3A_99, %broadcast_in_dim3A_19] : memref<10240x8xf32, #tpu.memory_space<vmem>>[vector<16xi32>, vector<16xi32>], vector<16xf32>,
      tpu.vector_store_idx %arg10[%add3A_34, %broadcast_in_dim3A_19], %gather3A_107 : memref<128x8xf32, #tpu.memory_space<vmem>>[vector<16xi32>, vector<16xi32>], vector<16xf32>,
      %get3A_108 = arith.index_cast %scan3A_54 : i32 to index
      %get3A_109 = arith.constant 80 : index
      %get3A_110 = tpu.vector_load %arg7[%get3A_108, %get3A_109] {strides = array<i32>} : memref<157x128xi32, #tpu.memory_space<vmem>>, vector<16xi32>,
      %gather3A_111 = tpu.vector_load_idx %arg9[%get3A_110, %broadcast_in_dim3A_5] : memref<10240x8xf32, #tpu.memory_space<vmem>>[vector<16xi32>, vector<16xi32>], vector<16xf32>,
      tpu.vector_store_idx %arg10[%add3A_37, %broadcast_in_dim3A_5], %gather3A_111 : memref<128x8xf32, #tpu.memory_space<vmem>>[vector<16xi32>, vector<16xi32>], vector<16xf32>,
      %gather3A_112 = tpu.vector_load_idx %arg9[%get3A_110, %broadcast_in_dim3A_7] : memref<10240x8xf32, #tpu.memory_space<vmem>>[vector<16xi32>, vector<16xi32>], vector<16xf32>,
      tpu.vector_store_idx %arg10[%add3A_37, %broadcast_in_dim3A_7], %gather3A_112 : memref<128x8xf32, #tpu.memory_space<vmem>>[vector<16xi32>, vector<16xi32>], vector<16xf32>,
      %gather3A_113 = tpu.vector_load_idx %arg9[%get3A_110, %broadcast_in_dim3A_9] : memref<10240x8xf32, #tpu.memory_space<vmem>>[vector<16xi32>, vector<16xi32>], vector<16xf32>,
      tpu.vector_store_idx %arg10[%add3A_37, %broadcast_in_dim3A_9], %gather3A_113 : memref<128x8xf32, #tpu.memory_space<vmem>>[vector<16xi32>, vector<16xi32>], vector<16xf32>,
      %gather3A_114 = tpu.vector_load_idx %arg9[%get3A_110, %broadcast_in_dim3A_11] : memref<10240x8xf32, #tpu.memory_space<vmem>>[vector<16xi32>, vector<16xi32>], vector<16xf32>,
      tpu.vector_store_idx %arg10[%add3A_37, %broadcast_in_dim3A_11], %gather3A_114 : memref<128x8xf32, #tpu.memory_space<vmem>>[vector<16xi32>, vector<16xi32>], vector<16xf32>,
      %gather3A_115 = tpu.vector_load_idx %arg9[%get3A_110, %broadcast_in_dim3A_13] : memref<10240x8xf32, #tpu.memory_space<vmem>>[vector<16xi32>, vector<16xi32>], vector<16xf32>,
      tpu.vector_store_idx %arg10[%add3A_37, %broadcast_in_dim3A_13], %gather3A_115 : memref<128x8xf32, #tpu.memory_space<vmem>>[vector<16xi32>, vector<16xi32>], vector<16xf32>,
      %gather3A_116 = tpu.vector_load_idx %arg9[%get3A_110, %broadcast_in_dim3A_15] : memref<10240x8xf32, #tpu.memory_space<vmem>>[vector<16xi32>, vector<16xi32>], vector<16xf32>,
      tpu.vector_store_idx %arg10[%add3A_37, %broadcast_in_dim3A_15], %gather3A_116 : memref<128x8xf32, #tpu.memory_space<vmem>>[vector<16xi32>, vector<16xi32>], vector<16xf32>,
      %gather3A_117 = tpu.vector_load_idx %arg9[%get3A_110, %broadcast_in_dim3A_17] : memref<10240x8xf32, #tpu.memory_space<vmem>>[vector<16xi32>, vector<16xi32>], vector<16xf32>,
      tpu.vector_store_idx %arg10[%add3A_37, %broadcast_in_dim3A_17], %gather3A_117 : memref<128x8xf32, #tpu.memory_space<vmem>>[vector<16xi32>, vector<16xi32>], vector<16xf32>,
      %gather3A_118 = tpu.vector_load_idx %arg9[%get3A_110, %broadcast_in_dim3A_19] : memref<10240x8xf32, #tpu.memory_space<vmem>>[vector<16xi32>, vector<16xi32>], vector<16xf32>,
      tpu.vector_store_idx %arg10[%add3A_37, %broadcast_in_dim3A_19], %gather3A_118 : memref<128x8xf32, #tpu.memory_space<vmem>>[vector<16xi32>, vector<16xi32>], vector<16xf32>,
      %get3A_119 = arith.index_cast %scan3A_54 : i32 to index
      %get3A_120 = arith.constant 96 : index
      %get3A_121 = tpu.vector_load %arg7[%get3A_119, %get3A_120] {strides = array<i32>} : memref<157x128xi32, #tpu.memory_space<vmem>>, vector<16xi32>,
      %gather3A_122 = tpu.vector_load_idx %arg9[%get3A_121, %broadcast_in_dim3A_5] : memref<10240x8xf32, #tpu.memory_space<vmem>>[vector<16xi32>, vector<16xi32>], vector<16xf32>,
      tpu.vector_store_idx %arg10[%add3A_40, %broadcast_in_dim3A_5], %gather3A_122 : memref<128x8xf32, #tpu.memory_space<vmem>>[vector<16xi32>, vector<16xi32>], vector<16xf32>,
      %gather3A_123 = tpu.vector_load_idx %arg9[%get3A_121, %broadcast_in_dim3A_7] : memref<10240x8xf32, #tpu.memory_space<vmem>>[vector<16xi32>, vector<16xi32>], vector<16xf32>,
      tpu.vector_store_idx %arg10[%add3A_40, %broadcast_in_dim3A_7], %gather3A_123 : memref<128x8xf32, #tpu.memory_space<vmem>>[vector<16xi32>, vector<16xi32>], vector<16xf32>,
      %gather3A_124 = tpu.vector_load_idx %arg9[%get3A_121, %broadcast_in_dim3A_9] : memref<10240x8xf32, #tpu.memory_space<vmem>>[vector<16xi32>, vector<16xi32>], vector<16xf32>,
      tpu.vector_store_idx %arg10[%add3A_40, %broadcast_in_dim3A_9], %gather3A_124 : memref<128x8xf32, #tpu.memory_space<vmem>>[vector<16xi32>, vector<16xi32>], vector<16xf32>,
      %gather3A_125 = tpu.vector_load_idx %arg9[%get3A_121, %broadcast_in_dim3A_11] : memref<10240x8xf32, #tpu.memory_space<vmem>>[vector<16xi32>, vector<16xi32>], vector<16xf32>,
      tpu.vector_store_idx %arg10[%add3A_40, %broadcast_in_dim3A_11], %gather3A_125 : memref<128x8xf32, #tpu.memory_space<vmem>>[vector<16xi32>, vector<16xi32>], vector<16xf32>,
      %gather3A_126 = tpu.vector_load_idx %arg9[%get3A_121, %broadcast_in_dim3A_13] : memref<10240x8xf32, #tpu.memory_space<vmem>>[vector<16xi32>, vector<16xi32>], vector<16xf32>,
      tpu.vector_store_idx %arg10[%add3A_40, %broadcast_in_dim3A_13], %gather3A_126 : memref<128x8xf32, #tpu.memory_space<vmem>>[vector<16xi32>, vector<16xi32>], vector<16xf32>,
      %gather3A_127 = tpu.vector_load_idx %arg9[%get3A_121, %broadcast_in_dim3A_15] : memref<10240x8xf32, #tpu.memory_space<vmem>>[vector<16xi32>, vector<16xi32>], vector<16xf32>,
      tpu.vector_store_idx %arg10[%add3A_40, %broadcast_in_dim3A_15], %gather3A_127 : memref<128x8xf32, #tpu.memory_space<vmem>>[vector<16xi32>, vector<16xi32>], vector<16xf32>,
      %gather3A_128 = tpu.vector_load_idx %arg9[%get3A_121, %broadcast_in_dim3A_17] : memref<10240x8xf32, #tpu.memory_space<vmem>>[vector<16xi32>, vector<16xi32>], vector<16xf32>,
      tpu.vector_store_idx %arg10[%add3A_40, %broadcast_in_dim3A_17], %gather3A_128 : memref<128x8xf32, #tpu.memory_space<vmem>>[vector<16xi32>, vector<16xi32>], vector<16xf32>,
      %gather3A_129 = tpu.vector_load_idx %arg9[%get3A_121, %broadcast_in_dim3A_19] : memref<10240x8xf32, #tpu.memory_space<vmem>>[vector<16xi32>, vector<16xi32>], vector<16xf32>,
      tpu.vector_store_idx %arg10[%add3A_40, %broadcast_in_dim3A_19], %gather3A_129 : memref<128x8xf32, #tpu.memory_space<vmem>>[vector<16xi32>, vector<16xi32>], vector<16xf32>,
      %get3A_130 = arith.index_cast %scan3A_54 : i32 to index
      %get3A_131 = arith.constant 112 : index
      %get3A_132 = tpu.vector_load %arg7[%get3A_130, %get3A_131] {strides = array<i32>} : memref<157x128xi32, #tpu.memory_space<vmem>>, vector<16xi32>,
      %gather3A_133 = tpu.vector_load_idx %arg9[%get3A_132, %broadcast_in_dim3A_5] : memref<10240x8xf32, #tpu.memory_space<vmem>>[vector<16xi32>, vector<16xi32>], vector<16xf32>,
      tpu.vector_store_idx %arg10[%add3A_43, %broadcast_in_dim3A_5], %gather3A_133 : memref<128x8xf32, #tpu.memory_space<vmem>>[vector<16xi32>, vector<16xi32>], vector<16xf32>,
      %gather3A_134 = tpu.vector_load_idx %arg9[%get3A_132, %broadcast_in_dim3A_7] : memref<10240x8xf32, #tpu.memory_space<vmem>>[vector<16xi32>, vector<16xi32>], vector<16xf32>,
      tpu.vector_store_idx %arg10[%add3A_43, %broadcast_in_dim3A_7], %gather3A_134 : memref<128x8xf32, #tpu.memory_space<vmem>>[vector<16xi32>, vector<16xi32>], vector<16xf32>,
      %gather3A_135 = tpu.vector_load_idx %arg9[%get3A_132, %broadcast_in_dim3A_9] : memref<10240x8xf32, #tpu.memory_space<vmem>>[vector<16xi32>, vector<16xi32>], vector<16xf32>,
      tpu.vector_store_idx %arg10[%add3A_43, %broadcast_in_dim3A_9], %gather3A_135 : memref<128x8xf32, #tpu.memory_space<vmem>>[vector<16xi32>, vector<16xi32>], vector<16xf32>,
      %gather3A_136 = tpu.vector_load_idx %arg9[%get3A_132, %broadcast_in_dim3A_11] : memref<10240x8xf32, #tpu.memory_space<vmem>>[vector<16xi32>, vector<16xi32>], vector<16xf32>,
      tpu.vector_store_idx %arg10[%add3A_43, %broadcast_in_dim3A_11], %gather3A_136 : memref<128x8xf32, #tpu.memory_space<vmem>>[vector<16xi32>, vector<16xi32>], vector<16xf32>,
      %gather3A_137 = tpu.vector_load_idx %arg9[%get3A_132, %broadcast_in_dim3A_13] : memref<10240x8xf32, #tpu.memory_space<vmem>>[vector<16xi32>, vector<16xi32>], vector<16xf32>,
      tpu.vector_store_idx %arg10[%add3A_43, %broadcast_in_dim3A_13], %gather3A_137 : memref<128x8xf32, #tpu.memory_space<vmem>>[vector<16xi32>, vector<16xi32>], vector<16xf32>,
      %gather3A_138 = tpu.vector_load_idx %arg9[%get3A_132, %broadcast_in_dim3A_15] : memref<10240x8xf32, #tpu.memory_space<vmem>>[vector<16xi32>, vector<16xi32>], vector<16xf32>,
      tpu.vector_store_idx %arg10[%add3A_43, %broadcast_in_dim3A_15], %gather3A_138 : memref<128x8xf32, #tpu.memory_space<vmem>>[vector<16xi32>, vector<16xi32>], vector<16xf32>,
      %gather3A_139 = tpu.vector_load_idx %arg9[%get3A_132, %broadcast_in_dim3A_17] : memref<10240x8xf32, #tpu.memory_space<vmem>>[vector<16xi32>, vector<16xi32>], vector<16xf32>,
      tpu.vector_store_idx %arg10[%add3A_43, %broadcast_in_dim3A_17], %gather3A_139 : memref<128x8xf32, #tpu.memory_space<vmem>>[vector<16xi32>, vector<16xi32>], vector<16xf32>,
      %gather3A_140 = tpu.vector_load_idx %arg9[%get3A_132, %broadcast_in_dim3A_19] : memref<10240x8xf32, #tpu.memory_space<vmem>>[vector<16xi32>, vector<16xi32>], vector<16xf32>,
      tpu.vector_store_idx %arg10[%add3A_43, %broadcast_in_dim3A_19], %gather3A_140 : memref<128x8xf32, #tpu.memory_space<vmem>>[vector<16xi32>, vector<16xi32>], vector<16xf32>,
      "tpu.region"() ({
        %run_scoped3A = tpu.sem_alloc : memref<!tpu.dma_semaphore, #tpu.memory_space<semaphore_mem>>
        %dma_start3A = arith.constant 0 : i32
        %dma_start3A_141 = tpu.memref_slice %arg8[%scan3A_54, %dma_start3A] : memref<157x128xi32, #tpu.memory_space<vmem>> -> memref<1x128xi32, #tpu.memory_space<vmem>>
        %dma_start3A_142 = tpu.memref_squeeze %dma_start3A_141 : memref<1x128xi32, #tpu.memory_space<vmem>> -> memref<128xi32, #tpu.memory_space<vmem>>
        %dma_start3A_143 = arith.constant 0 : i32
        %dma_start3A_144 = arith.constant 0 : i32
        %dma_start3A_145 = tpu.memref_slice %arg11[%dma_start3A_143, %dma_start3A_144] : memref<10240x8xf32, #tpu.memory_space<vmem_shared>> -> memref<10240x8xf32, #tpu.memory_space<vmem_shared>>
        tpu.enqueue_indirect_dma source(%arg10 : memref<128x8xf32, #tpu.memory_space<vmem>>) target(%dma_start3A_145 : memref<10240x8xf32, #tpu.memory_space<vmem_shared>>) offsets(%dma_start3A_142 : memref<128xi32, #tpu.memory_space<vmem>>) semaphore(%run_scoped3A : memref<!tpu.dma_semaphore, #tpu.memory_space<semaphore_mem>>) {add = true}
        %dma_wait3A = arith.constant 0 : i32
        %dma_wait3A_146 = tpu.memref_slice %arg8[%scan3A_54, %dma_wait3A] : memref<157x128xi32, #tpu.memory_space<vmem>> -> memref<1x128xi32, #tpu.memory_space<vmem>>
        %dma_wait3A_147 = tpu.memref_squeeze %dma_wait3A_146 : memref<1x128xi32, #tpu.memory_space<vmem>> -> memref<128xi32, #tpu.memory_space<vmem>>
        %dma_wait3A_148 = arith.constant 0 : i32
        %dma_wait3A_149 = arith.constant 0 : i32
        %dma_wait3A_150 = tpu.memref_slice %arg11[%dma_wait3A_148, %dma_wait3A_149] : memref<10240x8xf32, #tpu.memory_space<vmem_shared>> -> memref<10240x8xf32, #tpu.memory_space<vmem_shared>>
        tpu.wait_indirect_dma semaphore(%run_scoped3A : memref<!tpu.dma_semaphore, #tpu.memory_space<semaphore_mem>>) src(%arg10 : memref<128x8xf32, #tpu.memory_space<vmem>>) dst(%dma_wait3A_150 : memref<10240x8xf32, #tpu.memory_space<vmem_shared>>)
        tpu.yield
      }) : () -> ()
    }
    %scan3A_48 = arith.constant 157 : i32
    %barrier3A_49 = arith.constant 0 : index
    tpu.barrier barrier_id(%barrier3A_49)
    %mul3A_50 = arith.constant 640 : i32
    %mul3A_51 = arith.muli %arg1, %mul3A_50 : i32
    %mul3A_52 = arith.constant 640 : i32
    %mul3A_53 = arith.muli %arg1, %mul3A_52 : i32
    "tpu.region"() ({
      %run_scoped3A = tpu.sem_alloc : memref<!tpu.dma_semaphore, #tpu.memory_space<semaphore_mem>>
      %dma_start3A = arith.constant 0 : i32
      %dma_start3A_54 = tpu.memref_slice %arg6[%arg0, %mul3A_53, %dma_start3A] : memref<2x10240x8xf32, #tpu.memory_space<hbm>> -> memref<1x640x8xf32, #tpu.memory_space<hbm>>
      %dma_start3A_55 = tpu.memref_squeeze %dma_start3A_54 : memref<1x640x8xf32, #tpu.memory_space<hbm>> -> memref<640x8xf32, #tpu.memory_space<hbm>>
      %dma_start3A_56 = arith.constant 0 : i32
      %dma_start3A_57 = tpu.memref_slice %arg11[%mul3A_51, %dma_start3A_56] : memref<10240x8xf32, #tpu.memory_space<vmem_shared>> -> memref<640x8xf32, #tpu.memory_space<vmem_shared>>
      tpu.enqueue_dma source(%dma_start3A_57 : memref<640x8xf32, #tpu.memory_space<vmem_shared>>) target(%dma_start3A_55 : memref<640x8xf32, #tpu.memory_space<hbm>>) target_semaphore(%run_scoped3A : memref<!tpu.dma_semaphore, #tpu.memory_space<semaphore_mem>>)
      %dma_wait3A = arith.constant 0 : i32
      %dma_wait3A_58 = tpu.memref_slice %arg6[%arg0, %mul3A_53, %dma_wait3A] : memref<2x10240x8xf32, #tpu.memory_space<hbm>> -> memref<1x640x8xf32, #tpu.memory_space<hbm>>
      %dma_wait3A_59 = tpu.memref_squeeze %dma_wait3A_58 : memref<1x640x8xf32, #tpu.memory_space<hbm>> -> memref<640x8xf32, #tpu.memory_space<hbm>>
      %dma_wait3A_60 = arith.constant 0 : i32
      %dma_wait3A_61 = tpu.memref_slice %arg11[%mul3A_51, %dma_wait3A_60] : memref<10240x8xf32, #tpu.memory_space<vmem_shared>> -> memref<640x8xf32, #tpu.memory_space<vmem_shared>>
      tpu.wait_dma2 semaphore(%run_scoped3A : memref<!tpu.dma_semaphore, #tpu.memory_space<semaphore_mem>>) src(%dma_wait3A_61 : memref<640x8xf32, #tpu.memory_space<vmem_shared>>) dst(%dma_wait3A_59 : memref<640x8xf32, #tpu.memory_space<hbm>>)
      tpu.yield
    }) : () -> ()
    return
  }
}

#map = affine_map<(d0, d1) -> (0, 0)>
#map1 = affine_map<(d0, d1) -> (0, 0, 0)>
module attributes {stable_mosaic.version = 14 : i64} {
  func.func @k(%arg0: i32, %arg1: i32, %arg2: memref<10240x80xf32, #tpu.memory_space<hbm>>, %arg3: memref<32x157x128xi32, #tpu.memory_space<hbm>>, %arg4: memref<32x157x128xi32, #tpu.memory_space<hbm>>, %arg5: memref<10240x80xf32, #tpu.memory_space<hbm>>, %arg6: memref<2x10240x80xf32, #tpu.memory_space<hbm>>, %arg7: memref<157x128xi32, #tpu.memory_space<vmem>>, %arg8: memref<157x128xi32, #tpu.memory_space<vmem>>, %arg9: memref<128x80xf32, #tpu.memory_space<vmem>>, %arg10: memref<10240x80xf32, #tpu.memory_space<vmem_shared>>, %arg11: memref<!tpu.dma_semaphore, #tpu.memory_space<semaphore_mem>>) attributes {dimension_semantics = [#tpu.dimension_semantics<core_parallel>, #tpu.dimension_semantics<subcore_parallel>], iteration_bounds = array<i64: 2, 16>, scalar_prefetch = 0 : i64, scratch_operands = 5 : i64, tpu.core_type = #tpu.core_type<sc_vector_subcore>, window_params = [{transform_indices = #map}, {transform_indices = #map1}, {transform_indices = #map1}, {transform_indices = #map}, {transform_indices = #map1}]} {
    %mul3A = arith.constant 16 : i32
    %mul3A_0 = arith.muli %arg0, %mul3A : i32
    %add3A = arith.addi %mul3A_0, %arg1 : i32
    "tpu.region"() ({
      %run_scoped3A = tpu.sem_alloc : memref<!tpu.dma_semaphore, #tpu.memory_space<semaphore_mem>>
      %dma_start3A = arith.constant 0 : i32
      %dma_start3A_15 = arith.constant 0 : i32
      %dma_start3A_16 = tpu.memref_slice %arg3[%add3A, %dma_start3A, %dma_start3A_15] : memref<32x157x128xi32, #tpu.memory_space<hbm>> -> memref<1x157x128xi32, #tpu.memory_space<hbm>>
      %dma_start3A_17 = tpu.memref_squeeze %dma_start3A_16 : memref<1x157x128xi32, #tpu.memory_space<hbm>> -> memref<157x128xi32, #tpu.memory_space<hbm>>
      %dma_start3A_18 = arith.constant 0 : i32
      %dma_start3A_19 = arith.constant 0 : i32
      %dma_start3A_20 = tpu.memref_slice %arg3[%add3A, %dma_start3A_18, %dma_start3A_19] : memref<32x157x128xi32, #tpu.memory_space<hbm>> -> memref<1x157x128xi32, #tpu.memory_space<hbm>>
      %dma_start3A_21 = tpu.memref_squeeze %dma_start3A_20 : memref<1x157x128xi32, #tpu.memory_space<hbm>> -> memref<157x128xi32, #tpu.memory_space<hbm>>
      tpu.enqueue_dma source(%dma_start3A_21 : memref<157x128xi32, #tpu.memory_space<hbm>>) target(%arg7 : memref<157x128xi32, #tpu.memory_space<vmem>>) target_semaphore(%run_scoped3A : memref<!tpu.dma_semaphore, #tpu.memory_space<semaphore_mem>>)
      %dma_wait3A = arith.constant 0 : i32
      %dma_wait3A_22 = arith.constant 0 : i32
      %dma_wait3A_23 = tpu.memref_slice %arg3[%add3A, %dma_wait3A, %dma_wait3A_22] : memref<32x157x128xi32, #tpu.memory_space<hbm>> -> memref<1x157x128xi32, #tpu.memory_space<hbm>>
      %dma_wait3A_24 = tpu.memref_squeeze %dma_wait3A_23 : memref<1x157x128xi32, #tpu.memory_space<hbm>> -> memref<157x128xi32, #tpu.memory_space<hbm>>
      %dma_wait3A_25 = arith.constant 0 : i32
      %dma_wait3A_26 = arith.constant 0 : i32
      %dma_wait3A_27 = tpu.memref_slice %arg3[%add3A, %dma_wait3A_25, %dma_wait3A_26] : memref<32x157x128xi32, #tpu.memory_space<hbm>> -> memref<1x157x128xi32, #tpu.memory_space<hbm>>
      %dma_wait3A_28 = tpu.memref_squeeze %dma_wait3A_27 : memref<1x157x128xi32, #tpu.memory_space<hbm>> -> memref<157x128xi32, #tpu.memory_space<hbm>>
      tpu.wait_dma2 semaphore(%run_scoped3A : memref<!tpu.dma_semaphore, #tpu.memory_space<semaphore_mem>>) src(%dma_wait3A_28 : memref<157x128xi32, #tpu.memory_space<hbm>>) dst(%arg7 : memref<157x128xi32, #tpu.memory_space<vmem>>)
      tpu.yield
    }) : () -> ()
    "tpu.region"() ({
      %run_scoped3A = tpu.sem_alloc : memref<!tpu.dma_semaphore, #tpu.memory_space<semaphore_mem>>
      %dma_start3A = arith.constant 0 : i32
      %dma_start3A_15 = arith.constant 0 : i32
      %dma_start3A_16 = tpu.memref_slice %arg4[%add3A, %dma_start3A, %dma_start3A_15] : memref<32x157x128xi32, #tpu.memory_space<hbm>> -> memref<1x157x128xi32, #tpu.memory_space<hbm>>
      %dma_start3A_17 = tpu.memref_squeeze %dma_start3A_16 : memref<1x157x128xi32, #tpu.memory_space<hbm>> -> memref<157x128xi32, #tpu.memory_space<hbm>>
      %dma_start3A_18 = arith.constant 0 : i32
      %dma_start3A_19 = arith.constant 0 : i32
      %dma_start3A_20 = tpu.memref_slice %arg4[%add3A, %dma_start3A_18, %dma_start3A_19] : memref<32x157x128xi32, #tpu.memory_space<hbm>> -> memref<1x157x128xi32, #tpu.memory_space<hbm>>
      %dma_start3A_21 = tpu.memref_squeeze %dma_start3A_20 : memref<1x157x128xi32, #tpu.memory_space<hbm>> -> memref<157x128xi32, #tpu.memory_space<hbm>>
      tpu.enqueue_dma source(%dma_start3A_21 : memref<157x128xi32, #tpu.memory_space<hbm>>) target(%arg8 : memref<157x128xi32, #tpu.memory_space<vmem>>) target_semaphore(%run_scoped3A : memref<!tpu.dma_semaphore, #tpu.memory_space<semaphore_mem>>)
      %dma_wait3A = arith.constant 0 : i32
      %dma_wait3A_22 = arith.constant 0 : i32
      %dma_wait3A_23 = tpu.memref_slice %arg4[%add3A, %dma_wait3A, %dma_wait3A_22] : memref<32x157x128xi32, #tpu.memory_space<hbm>> -> memref<1x157x128xi32, #tpu.memory_space<hbm>>
      %dma_wait3A_24 = tpu.memref_squeeze %dma_wait3A_23 : memref<1x157x128xi32, #tpu.memory_space<hbm>> -> memref<157x128xi32, #tpu.memory_space<hbm>>
      %dma_wait3A_25 = arith.constant 0 : i32
      %dma_wait3A_26 = arith.constant 0 : i32
      %dma_wait3A_27 = tpu.memref_slice %arg4[%add3A, %dma_wait3A_25, %dma_wait3A_26] : memref<32x157x128xi32, #tpu.memory_space<hbm>> -> memref<1x157x128xi32, #tpu.memory_space<hbm>>
      %dma_wait3A_28 = tpu.memref_squeeze %dma_wait3A_27 : memref<1x157x128xi32, #tpu.memory_space<hbm>> -> memref<157x128xi32, #tpu.memory_space<hbm>>
      tpu.wait_dma2 semaphore(%run_scoped3A : memref<!tpu.dma_semaphore, #tpu.memory_space<semaphore_mem>>) src(%dma_wait3A_28 : memref<157x128xi32, #tpu.memory_space<hbm>>) dst(%arg8 : memref<157x128xi32, #tpu.memory_space<vmem>>)
      tpu.yield
    }) : () -> ()
    %mul3A_1 = arith.constant 640 : i32
    %mul3A_2 = arith.muli %arg1, %mul3A_1 : i32
    %mul3A_3 = arith.constant 640 : i32
    %mul3A_4 = arith.muli %arg1, %mul3A_3 : i32
    "tpu.region"() ({
      %run_scoped3A = tpu.sem_alloc : memref<!tpu.dma_semaphore, #tpu.memory_space<semaphore_mem>>
      %dma_start3A = arith.constant 0 : i32
      %dma_start3A_15 = tpu.memref_slice %arg10[%mul3A_4, %dma_start3A] : memref<10240x80xf32, #tpu.memory_space<vmem_shared>> -> memref<640x80xf32, #tpu.memory_space<vmem_shared>>
      %dma_start3A_16 = arith.constant 0 : i32
      %dma_start3A_17 = tpu.memref_slice %arg5[%mul3A_2, %dma_start3A_16] : memref<10240x80xf32, #tpu.memory_space<hbm>> -> memref<640x80xf32, #tpu.memory_space<hbm>>
      tpu.enqueue_dma source(%dma_start3A_17 : memref<640x80xf32, #tpu.memory_space<hbm>>) target(%dma_start3A_15 : memref<640x80xf32, #tpu.memory_space<vmem_shared>>) target_semaphore(%run_scoped3A : memref<!tpu.dma_semaphore, #tpu.memory_space<semaphore_mem>>)
      %dma_wait3A = arith.constant 0 : i32
      %dma_wait3A_18 = tpu.memref_slice %arg10[%mul3A_4, %dma_wait3A] : memref<10240x80xf32, #tpu.memory_space<vmem_shared>> -> memref<640x80xf32, #tpu.memory_space<vmem_shared>>
      %dma_wait3A_19 = arith.constant 0 : i32
      %dma_wait3A_20 = tpu.memref_slice %arg5[%mul3A_2, %dma_wait3A_19] : memref<10240x80xf32, #tpu.memory_space<hbm>> -> memref<640x80xf32, #tpu.memory_space<hbm>>
      tpu.wait_dma2 semaphore(%run_scoped3A : memref<!tpu.dma_semaphore, #tpu.memory_space<semaphore_mem>>) src(%dma_wait3A_20 : memref<640x80xf32, #tpu.memory_space<hbm>>) dst(%dma_wait3A_18 : memref<640x80xf32, #tpu.memory_space<vmem_shared>>)
      tpu.yield
    }) : () -> ()
    %barrier3A = arith.constant 0 : index
    tpu.barrier barrier_id(%barrier3A)
    %scan3A = arith.constant 0 : i32
    %scan3A_5 = arith.constant 0 : i32
    %scan3A_6 = arith.constant 157 : i32
    %scan3A_7 = arith.addi %scan3A_5, %scan3A_6 : i32
    %scan3A_8 = arith.constant 1 : i32
    scf.for %scan3A_15 = %scan3A_5 to %scan3A_7 step %scan3A_8  : i32 {
      %dma_start3A = arith.constant 0 : i32
      %dma_start3A_16 = tpu.memref_slice %arg7[%scan3A_15, %dma_start3A] : memref<157x128xi32, #tpu.memory_space<vmem>> -> memref<1x128xi32, #tpu.memory_space<vmem>>
      %dma_start3A_17 = tpu.memref_squeeze %dma_start3A_16 : memref<1x128xi32, #tpu.memory_space<vmem>> -> memref<128xi32, #tpu.memory_space<vmem>>
      %dma_start3A_18 = arith.constant 0 : i32
      %dma_start3A_19 = arith.constant 0 : i32
      %dma_start3A_20 = tpu.memref_slice %arg2[%dma_start3A_18, %dma_start3A_19] : memref<10240x80xf32, #tpu.memory_space<hbm>> -> memref<10240x80xf32, #tpu.memory_space<hbm>>
      tpu.enqueue_indirect_dma source(%dma_start3A_20 : memref<10240x80xf32, #tpu.memory_space<hbm>>) target(%arg9 : memref<128x80xf32, #tpu.memory_space<vmem>>) offsets(%dma_start3A_17 : memref<128xi32, #tpu.memory_space<vmem>>) semaphore(%arg11 : memref<!tpu.dma_semaphore, #tpu.memory_space<semaphore_mem>>)
      %dma_wait3A = arith.constant 0 : i32
      %dma_wait3A_21 = tpu.memref_slice %arg7[%scan3A_15, %dma_wait3A] : memref<157x128xi32, #tpu.memory_space<vmem>> -> memref<1x128xi32, #tpu.memory_space<vmem>>
      %dma_wait3A_22 = tpu.memref_squeeze %dma_wait3A_21 : memref<1x128xi32, #tpu.memory_space<vmem>> -> memref<128xi32, #tpu.memory_space<vmem>>
      %dma_wait3A_23 = arith.constant 0 : i32
      %dma_wait3A_24 = arith.constant 0 : i32
      %dma_wait3A_25 = tpu.memref_slice %arg2[%dma_wait3A_23, %dma_wait3A_24] : memref<10240x80xf32, #tpu.memory_space<hbm>> -> memref<10240x80xf32, #tpu.memory_space<hbm>>
      tpu.wait_indirect_dma semaphore(%arg11 : memref<!tpu.dma_semaphore, #tpu.memory_space<semaphore_mem>>) src(%dma_wait3A_25 : memref<10240x80xf32, #tpu.memory_space<hbm>>) dst(%arg9 : memref<128x80xf32, #tpu.memory_space<vmem>>)
      "tpu.region"() ({
        %run_scoped3A = tpu.sem_alloc : memref<!tpu.dma_semaphore, #tpu.memory_space<semaphore_mem>>
        %dma_start3A_26 = arith.constant 0 : i32
        %dma_start3A_27 = tpu.memref_slice %arg8[%scan3A_15, %dma_start3A_26] : memref<157x128xi32, #tpu.memory_space<vmem>> -> memref<1x128xi32, #tpu.memory_space<vmem>>
        %dma_start3A_28 = tpu.memref_squeeze %dma_start3A_27 : memref<1x128xi32, #tpu.memory_space<vmem>> -> memref<128xi32, #tpu.memory_space<vmem>>
        %dma_start3A_29 = arith.constant 0 : i32
        %dma_start3A_30 = arith.constant 0 : i32
        %dma_start3A_31 = tpu.memref_slice %arg10[%dma_start3A_29, %dma_start3A_30] : memref<10240x80xf32, #tpu.memory_space<vmem_shared>> -> memref<10240x80xf32, #tpu.memory_space<vmem_shared>>
        tpu.enqueue_indirect_dma source(%arg9 : memref<128x80xf32, #tpu.memory_space<vmem>>) target(%dma_start3A_31 : memref<10240x80xf32, #tpu.memory_space<vmem_shared>>) offsets(%dma_start3A_28 : memref<128xi32, #tpu.memory_space<vmem>>) semaphore(%run_scoped3A : memref<!tpu.dma_semaphore, #tpu.memory_space<semaphore_mem>>) {add = true}
        %dma_wait3A_32 = arith.constant 0 : i32
        %dma_wait3A_33 = tpu.memref_slice %arg8[%scan3A_15, %dma_wait3A_32] : memref<157x128xi32, #tpu.memory_space<vmem>> -> memref<1x128xi32, #tpu.memory_space<vmem>>
        %dma_wait3A_34 = tpu.memref_squeeze %dma_wait3A_33 : memref<1x128xi32, #tpu.memory_space<vmem>> -> memref<128xi32, #tpu.memory_space<vmem>>
        %dma_wait3A_35 = arith.constant 0 : i32
        %dma_wait3A_36 = arith.constant 0 : i32
        %dma_wait3A_37 = tpu.memref_slice %arg10[%dma_wait3A_35, %dma_wait3A_36] : memref<10240x80xf32, #tpu.memory_space<vmem_shared>> -> memref<10240x80xf32, #tpu.memory_space<vmem_shared>>
        tpu.wait_indirect_dma semaphore(%run_scoped3A : memref<!tpu.dma_semaphore, #tpu.memory_space<semaphore_mem>>) src(%arg9 : memref<128x80xf32, #tpu.memory_space<vmem>>) dst(%dma_wait3A_37 : memref<10240x80xf32, #tpu.memory_space<vmem_shared>>)
        tpu.yield
      }) : () -> ()
    }
    %scan3A_9 = arith.constant 157 : i32
    %barrier3A_10 = arith.constant 0 : index
    tpu.barrier barrier_id(%barrier3A_10)
    %mul3A_11 = arith.constant 640 : i32
    %mul3A_12 = arith.muli %arg1, %mul3A_11 : i32
    %mul3A_13 = arith.constant 640 : i32
    %mul3A_14 = arith.muli %arg1, %mul3A_13 : i32
    "tpu.region"() ({
      %run_scoped3A = tpu.sem_alloc : memref<!tpu.dma_semaphore, #tpu.memory_space<semaphore_mem>>
      %dma_start3A = arith.constant 0 : i32
      %dma_start3A_15 = tpu.memref_slice %arg6[%arg0, %mul3A_14, %dma_start3A] : memref<2x10240x80xf32, #tpu.memory_space<hbm>> -> memref<1x640x80xf32, #tpu.memory_space<hbm>>
      %dma_start3A_16 = tpu.memref_squeeze %dma_start3A_15 : memref<1x640x80xf32, #tpu.memory_space<hbm>> -> memref<640x80xf32, #tpu.memory_space<hbm>>
      %dma_start3A_17 = arith.constant 0 : i32
      %dma_start3A_18 = tpu.memref_slice %arg10[%mul3A_12, %dma_start3A_17] : memref<10240x80xf32, #tpu.memory_space<vmem_shared>> -> memref<640x80xf32, #tpu.memory_space<vmem_shared>>
      tpu.enqueue_dma source(%dma_start3A_18 : memref<640x80xf32, #tpu.memory_space<vmem_shared>>) target(%dma_start3A_16 : memref<640x80xf32, #tpu.memory_space<hbm>>) target_semaphore(%run_scoped3A : memref<!tpu.dma_semaphore, #tpu.memory_space<semaphore_mem>>)
      %dma_wait3A = arith.constant 0 : i32
      %dma_wait3A_19 = tpu.memref_slice %arg6[%arg0, %mul3A_14, %dma_wait3A] : memref<2x10240x80xf32, #tpu.memory_space<hbm>> -> memref<1x640x80xf32, #tpu.memory_space<hbm>>
      %dma_wait3A_20 = tpu.memref_squeeze %dma_wait3A_19 : memref<1x640x80xf32, #tpu.memory_space<hbm>> -> memref<640x80xf32, #tpu.memory_space<hbm>>
      %dma_wait3A_21 = arith.constant 0 : i32
      %dma_wait3A_22 = tpu.memref_slice %arg10[%mul3A_12, %dma_wait3A_21] : memref<10240x80xf32, #tpu.memory_space<vmem_shared>> -> memref<640x80xf32, #tpu.memory_space<vmem_shared>>
      tpu.wait_dma2 semaphore(%run_scoped3A : memref<!tpu.dma_semaphore, #tpu.memory_space<semaphore_mem>>) src(%dma_wait3A_22 : memref<640x80xf32, #tpu.memory_space<vmem_shared>>) dst(%dma_wait3A_20 : memref<640x80xf32, #tpu.memory_space<hbm>>)
      tpu.yield
    }) : () -> ()
    return
  }
}

#map = affine_map<(d0, d1) -> (0, 0, 0)>
#map1 = affine_map<(d0, d1) -> (0)>
#map2 = affine_map<(d0, d1) -> (0, 0)>
module attributes {stable_mosaic.version = 14 : i64} {
  func.func @k(%arg0: i32, %arg1: i32, %arg2: memref<32x157x128xi32, #tpu.memory_space<hbm>>, %arg3: memref<10240xf32, #tpu.memory_space<hbm>>, %arg4: memref<2x10240xf32, #tpu.memory_space<hbm>>, %arg5: memref<157x128xi32, #tpu.memory_space<vmem>>, %arg6: memref<128xf32, #tpu.memory_space<vmem>>, %arg7: memref<10240xf32, #tpu.memory_space<vmem_shared>>) attributes {dimension_semantics = [#tpu.dimension_semantics<core_parallel>, #tpu.dimension_semantics<subcore_parallel>], iteration_bounds = array<i64: 2, 16>, scalar_prefetch = 0 : i64, scratch_operands = 3 : i64, tpu.core_type = #tpu.core_type<sc_vector_subcore>, window_params = [{transform_indices = #map}, {transform_indices = #map1}, {transform_indices = #map2}]} {
    %mul3A = arith.constant 16 : i32
    %mul3A_0 = arith.muli %arg0, %mul3A : i32
    %add3A = arith.addi %mul3A_0, %arg1 : i32
    "tpu.region"() ({
      %run_scoped3A = tpu.sem_alloc : memref<!tpu.dma_semaphore, #tpu.memory_space<semaphore_mem>>
      %dma_start3A = arith.constant 0 : i32
      %dma_start3A_47 = arith.constant 0 : i32
      %dma_start3A_48 = tpu.memref_slice %arg2[%add3A, %dma_start3A, %dma_start3A_47] : memref<32x157x128xi32, #tpu.memory_space<hbm>> -> memref<1x157x128xi32, #tpu.memory_space<hbm>>
      %dma_start3A_49 = tpu.memref_squeeze %dma_start3A_48 : memref<1x157x128xi32, #tpu.memory_space<hbm>> -> memref<157x128xi32, #tpu.memory_space<hbm>>
      %dma_start3A_50 = arith.constant 0 : i32
      %dma_start3A_51 = arith.constant 0 : i32
      %dma_start3A_52 = tpu.memref_slice %arg2[%add3A, %dma_start3A_50, %dma_start3A_51] : memref<32x157x128xi32, #tpu.memory_space<hbm>> -> memref<1x157x128xi32, #tpu.memory_space<hbm>>
      %dma_start3A_53 = tpu.memref_squeeze %dma_start3A_52 : memref<1x157x128xi32, #tpu.memory_space<hbm>> -> memref<157x128xi32, #tpu.memory_space<hbm>>
      tpu.enqueue_dma source(%dma_start3A_53 : memref<157x128xi32, #tpu.memory_space<hbm>>) target(%arg5 : memref<157x128xi32, #tpu.memory_space<vmem>>) target_semaphore(%run_scoped3A : memref<!tpu.dma_semaphore, #tpu.memory_space<semaphore_mem>>)
      %dma_wait3A = arith.constant 0 : i32
      %dma_wait3A_54 = arith.constant 0 : i32
      %dma_wait3A_55 = tpu.memref_slice %arg2[%add3A, %dma_wait3A, %dma_wait3A_54] : memref<32x157x128xi32, #tpu.memory_space<hbm>> -> memref<1x157x128xi32, #tpu.memory_space<hbm>>
      %dma_wait3A_56 = tpu.memref_squeeze %dma_wait3A_55 : memref<1x157x128xi32, #tpu.memory_space<hbm>> -> memref<157x128xi32, #tpu.memory_space<hbm>>
      %dma_wait3A_57 = arith.constant 0 : i32
      %dma_wait3A_58 = arith.constant 0 : i32
      %dma_wait3A_59 = tpu.memref_slice %arg2[%add3A, %dma_wait3A_57, %dma_wait3A_58] : memref<32x157x128xi32, #tpu.memory_space<hbm>> -> memref<1x157x128xi32, #tpu.memory_space<hbm>>
      %dma_wait3A_60 = tpu.memref_squeeze %dma_wait3A_59 : memref<1x157x128xi32, #tpu.memory_space<hbm>> -> memref<157x128xi32, #tpu.memory_space<hbm>>
      tpu.wait_dma2 semaphore(%run_scoped3A : memref<!tpu.dma_semaphore, #tpu.memory_space<semaphore_mem>>) src(%dma_wait3A_60 : memref<157x128xi32, #tpu.memory_space<hbm>>) dst(%arg5 : memref<157x128xi32, #tpu.memory_space<vmem>>)
      tpu.yield
    }) : () -> ()
    %broadcast_in_dim3A = arith.constant 1.000000e+00 : f32
    %broadcast_in_dim3A_1 = vector.broadcast %broadcast_in_dim3A : f32 to vector<16xf32>
    %swap3A = arith.constant 0 : index
    %swap3A_2 = tpu.vector_load %arg6[%swap3A] {strides = array<i32>} : memref<128xf32, #tpu.memory_space<vmem>>, vector<16xf32>,
    %swap3A_3 = vector.shape_cast %swap3A_2 : vector<16xf32> to vector<16xf32>
    %swap3A_4 = vector.shape_cast %broadcast_in_dim3A_1 : vector<16xf32> to vector<16xf32>
    tpu.vector_store %arg6[%swap3A], %swap3A_4 {strides = array<i32>} : memref<128xf32, #tpu.memory_space<vmem>>, vector<16xf32>,
    %swap3A_5 = arith.constant 16 : index
    %swap3A_6 = tpu.vector_load %arg6[%swap3A_5] {strides = array<i32>} : memref<128xf32, #tpu.memory_space<vmem>>, vector<16xf32>,
    %swap3A_7 = vector.shape_cast %swap3A_6 : vector<16xf32> to vector<16xf32>
    %swap3A_8 = vector.shape_cast %broadcast_in_dim3A_1 : vector<16xf32> to vector<16xf32>
    tpu.vector_store %arg6[%swap3A_5], %swap3A_8 {strides = array<i32>} : memref<128xf32, #tpu.memory_space<vmem>>, vector<16xf32>,
    %swap3A_9 = arith.constant 32 : index
    %swap3A_10 = tpu.vector_load %arg6[%swap3A_9] {strides = array<i32>} : memref<128xf32, #tpu.memory_space<vmem>>, vector<16xf32>,
    %swap3A_11 = vector.shape_cast %swap3A_10 : vector<16xf32> to vector<16xf32>
    %swap3A_12 = vector.shape_cast %broadcast_in_dim3A_1 : vector<16xf32> to vector<16xf32>
    tpu.vector_store %arg6[%swap3A_9], %swap3A_12 {strides = array<i32>} : memref<128xf32, #tpu.memory_space<vmem>>, vector<16xf32>,
    %swap3A_13 = arith.constant 48 : index
    %swap3A_14 = tpu.vector_load %arg6[%swap3A_13] {strides = array<i32>} : memref<128xf32, #tpu.memory_space<vmem>>, vector<16xf32>,
    %swap3A_15 = vector.shape_cast %swap3A_14 : vector<16xf32> to vector<16xf32>
    %swap3A_16 = vector.shape_cast %broadcast_in_dim3A_1 : vector<16xf32> to vector<16xf32>
    tpu.vector_store %arg6[%swap3A_13], %swap3A_16 {strides = array<i32>} : memref<128xf32, #tpu.memory_space<vmem>>, vector<16xf32>,
    %swap3A_17 = arith.constant 64 : index
    %swap3A_18 = tpu.vector_load %arg6[%swap3A_17] {strides = array<i32>} : memref<128xf32, #tpu.memory_space<vmem>>, vector<16xf32>,
    %swap3A_19 = vector.shape_cast %swap3A_18 : vector<16xf32> to vector<16xf32>
    %swap3A_20 = vector.shape_cast %broadcast_in_dim3A_1 : vector<16xf32> to vector<16xf32>
    tpu.vector_store %arg6[%swap3A_17], %swap3A_20 {strides = array<i32>} : memref<128xf32, #tpu.memory_space<vmem>>, vector<16xf32>,
    %swap3A_21 = arith.constant 80 : index
    %swap3A_22 = tpu.vector_load %arg6[%swap3A_21] {strides = array<i32>} : memref<128xf32, #tpu.memory_space<vmem>>, vector<16xf32>,
    %swap3A_23 = vector.shape_cast %swap3A_22 : vector<16xf32> to vector<16xf32>
    %swap3A_24 = vector.shape_cast %broadcast_in_dim3A_1 : vector<16xf32> to vector<16xf32>
    tpu.vector_store %arg6[%swap3A_21], %swap3A_24 {strides = array<i32>} : memref<128xf32, #tpu.memory_space<vmem>>, vector<16xf32>,
    %swap3A_25 = arith.constant 96 : index
    %swap3A_26 = tpu.vector_load %arg6[%swap3A_25] {strides = array<i32>} : memref<128xf32, #tpu.memory_space<vmem>>, vector<16xf32>,
    %swap3A_27 = vector.shape_cast %swap3A_26 : vector<16xf32> to vector<16xf32>
    %swap3A_28 = vector.shape_cast %broadcast_in_dim3A_1 : vector<16xf32> to vector<16xf32>
    tpu.vector_store %arg6[%swap3A_25], %swap3A_28 {strides = array<i32>} : memref<128xf32, #tpu.memory_space<vmem>>, vector<16xf32>,
    %swap3A_29 = arith.constant 112 : index
    %swap3A_30 = tpu.vector_load %arg6[%swap3A_29] {strides = array<i32>} : memref<128xf32, #tpu.memory_space<vmem>>, vector<16xf32>,
    %swap3A_31 = vector.shape_cast %swap3A_30 : vector<16xf32> to vector<16xf32>
    %swap3A_32 = vector.shape_cast %broadcast_in_dim3A_1 : vector<16xf32> to vector<16xf32>
    tpu.vector_store %arg6[%swap3A_29], %swap3A_32 {strides = array<i32>} : memref<128xf32, #tpu.memory_space<vmem>>, vector<16xf32>,
    %mul3A_33 = arith.constant 640 : i32
    %mul3A_34 = arith.muli %arg1, %mul3A_33 : i32
    %mul3A_35 = arith.constant 640 : i32
    %mul3A_36 = arith.muli %arg1, %mul3A_35 : i32
    "tpu.region"() ({
      %run_scoped3A = tpu.sem_alloc : memref<!tpu.dma_semaphore, #tpu.memory_space<semaphore_mem>>
      %dma_start3A = tpu.memref_slice %arg7[%mul3A_36] : memref<10240xf32, #tpu.memory_space<vmem_shared>> -> memref<640xf32, #tpu.memory_space<vmem_shared>>
      %dma_start3A_47 = tpu.memref_slice %arg3[%mul3A_34] : memref<10240xf32, #tpu.memory_space<hbm>> -> memref<640xf32, #tpu.memory_space<hbm>>
      tpu.enqueue_dma source(%dma_start3A_47 : memref<640xf32, #tpu.memory_space<hbm>>) target(%dma_start3A : memref<640xf32, #tpu.memory_space<vmem_shared>>) target_semaphore(%run_scoped3A : memref<!tpu.dma_semaphore, #tpu.memory_space<semaphore_mem>>)
      %dma_wait3A = tpu.memref_slice %arg7[%mul3A_36] : memref<10240xf32, #tpu.memory_space<vmem_shared>> -> memref<640xf32, #tpu.memory_space<vmem_shared>>
      %dma_wait3A_48 = tpu.memref_slice %arg3[%mul3A_34] : memref<10240xf32, #tpu.memory_space<hbm>> -> memref<640xf32, #tpu.memory_space<hbm>>
      tpu.wait_dma2 semaphore(%run_scoped3A : memref<!tpu.dma_semaphore, #tpu.memory_space<semaphore_mem>>) src(%dma_wait3A_48 : memref<640xf32, #tpu.memory_space<hbm>>) dst(%dma_wait3A : memref<640xf32, #tpu.memory_space<vmem_shared>>)
      tpu.yield
    }) : () -> ()
    %barrier3A = arith.constant 0 : index
    tpu.barrier barrier_id(%barrier3A)
    %scan3A = arith.constant 0 : i32
    %scan3A_37 = arith.constant 0 : i32
    %scan3A_38 = arith.constant 157 : i32
    %scan3A_39 = arith.addi %scan3A_37, %scan3A_38 : i32
    %scan3A_40 = arith.constant 1 : i32
    scf.for %scan3A_47 = %scan3A_37 to %scan3A_39 step %scan3A_40  : i32 {
      "tpu.region"() ({
        %run_scoped3A = tpu.sem_alloc : memref<!tpu.dma_semaphore, #tpu.memory_space<semaphore_mem>>
        %dma_start3A = arith.constant 0 : i32
        %dma_start3A_48 = tpu.memref_slice %arg5[%scan3A_47, %dma_start3A] : memref<157x128xi32, #tpu.memory_space<vmem>> -> memref<1x128xi32, #tpu.memory_space<vmem>>
        %dma_start3A_49 = tpu.memref_squeeze %dma_start3A_48 : memref<1x128xi32, #tpu.memory_space<vmem>> -> memref<128xi32, #tpu.memory_space<vmem>>
        %dma_start3A_50 = arith.constant 0 : i32
        %dma_start3A_51 = tpu.memref_slice %arg7[%dma_start3A_50] : memref<10240xf32, #tpu.memory_space<vmem_shared>> -> memref<10240xf32, #tpu.memory_space<vmem_shared>>
        tpu.enqueue_indirect_dma source(%arg6 : memref<128xf32, #tpu.memory_space<vmem>>) target(%dma_start3A_51 : memref<10240xf32, #tpu.memory_space<vmem_shared>>) offsets(%dma_start3A_49 : memref<128xi32, #tpu.memory_space<vmem>>) semaphore(%run_scoped3A : memref<!tpu.dma_semaphore, #tpu.memory_space<semaphore_mem>>) {add = true}
        %dma_wait3A = arith.constant 0 : i32
        %dma_wait3A_52 = tpu.memref_slice %arg5[%scan3A_47, %dma_wait3A] : memref<157x128xi32, #tpu.memory_space<vmem>> -> memref<1x128xi32, #tpu.memory_space<vmem>>
        %dma_wait3A_53 = tpu.memref_squeeze %dma_wait3A_52 : memref<1x128xi32, #tpu.memory_space<vmem>> -> memref<128xi32, #tpu.memory_space<vmem>>
        %dma_wait3A_54 = arith.constant 0 : i32
        %dma_wait3A_55 = tpu.memref_slice %arg7[%dma_wait3A_54] : memref<10240xf32, #tpu.memory_space<vmem_shared>> -> memref<10240xf32, #tpu.memory_space<vmem_shared>>
        tpu.wait_indirect_dma semaphore(%run_scoped3A : memref<!tpu.dma_semaphore, #tpu.memory_space<semaphore_mem>>) src(%arg6 : memref<128xf32, #tpu.memory_space<vmem>>) dst(%dma_wait3A_55 : memref<10240xf32, #tpu.memory_space<vmem_shared>>)
        tpu.yield
      }) : () -> ()
    }
    %scan3A_41 = arith.constant 157 : i32
    %barrier3A_42 = arith.constant 0 : index
    tpu.barrier barrier_id(%barrier3A_42)
    %mul3A_43 = arith.constant 640 : i32
    %mul3A_44 = arith.muli %arg1, %mul3A_43 : i32
    %mul3A_45 = arith.constant 640 : i32
    %mul3A_46 = arith.muli %arg1, %mul3A_45 : i32
    "tpu.region"() ({
      %run_scoped3A = tpu.sem_alloc : memref<!tpu.dma_semaphore, #tpu.memory_space<semaphore_mem>>
      %dma_start3A = tpu.memref_slice %arg4[%arg0, %mul3A_46] : memref<2x10240xf32, #tpu.memory_space<hbm>> -> memref<1x640xf32, #tpu.memory_space<hbm>>
      %dma_start3A_47 = tpu.memref_squeeze %dma_start3A : memref<1x640xf32, #tpu.memory_space<hbm>> -> memref<640xf32, #tpu.memory_space<hbm>>
      %dma_start3A_48 = tpu.memref_slice %arg7[%mul3A_44] : memref<10240xf32, #tpu.memory_space<vmem_shared>> -> memref<640xf32, #tpu.memory_space<vmem_shared>>
      tpu.enqueue_dma source(%dma_start3A_48 : memref<640xf32, #tpu.memory_space<vmem_shared>>) target(%dma_start3A_47 : memref<640xf32, #tpu.memory_space<hbm>>) target_semaphore(%run_scoped3A : memref<!tpu.dma_semaphore, #tpu.memory_space<semaphore_mem>>)
      %dma_wait3A = tpu.memref_slice %arg4[%arg0, %mul3A_46] : memref<2x10240xf32, #tpu.memory_space<hbm>> -> memref<1x640xf32, #tpu.memory_space<hbm>>
      %dma_wait3A_49 = tpu.memref_squeeze %dma_wait3A : memref<1x640xf32, #tpu.memory_space<hbm>> -> memref<640xf32, #tpu.memory_space<hbm>>
      %dma_wait3A_50 = tpu.memref_slice %arg7[%mul3A_44] : memref<10240xf32, #tpu.memory_space<vmem_shared>> -> memref<640xf32, #tpu.memory_space<vmem_shared>>
      tpu.wait_dma2 semaphore(%run_scoped3A : memref<!tpu.dma_semaphore, #tpu.memory_space<semaphore_mem>>) src(%dma_wait3A_50 : memref<640xf32, #tpu.memory_space<vmem_shared>>) dst(%dma_wait3A_49 : memref<640xf32, #tpu.memory_space<hbm>>)
      tpu.yield
    }) : () -> ()
    return
  }
}

#map = affine_map<(d0, d1) -> (0, 0)>
#map1 = affine_map<(d0, d1) -> (0, 0, 0)>
module attributes {stable_mosaic.version = 14 : i64} {
  func.func @k(%arg0: i32, %arg1: i32, %arg2: memref<10240x8xf32, #tpu.memory_space<hbm>>, %arg3: memref<32x157x128xi32, #tpu.memory_space<hbm>>, %arg4: memref<32x157x128xi32, #tpu.memory_space<hbm>>, %arg5: memref<10240x8xf32, #tpu.memory_space<hbm>>, %arg6: memref<2x10240x8xf32, #tpu.memory_space<hbm>>, %arg7: memref<157x128xi32, #tpu.memory_space<vmem>>, %arg8: memref<157x128xi32, #tpu.memory_space<vmem>>, %arg9: memref<10240x8xf32, #tpu.memory_space<vmem>>, %arg10: memref<128x8xf32, #tpu.memory_space<vmem>>, %arg11: memref<10240x8xf32, #tpu.memory_space<vmem_shared>>) attributes {dimension_semantics = [#tpu.dimension_semantics<core_parallel>, #tpu.dimension_semantics<subcore_parallel>], iteration_bounds = array<i64: 2, 16>, scalar_prefetch = 0 : i64, scratch_operands = 5 : i64, tpu.core_type = #tpu.core_type<sc_vector_subcore>, window_params = [{transform_indices = #map}, {transform_indices = #map1}, {transform_indices = #map1}, {transform_indices = #map}, {transform_indices = #map1}]} {
    %mul3A = arith.constant 16 : i32
    %mul3A_0 = arith.muli %arg0, %mul3A : i32
    %add3A = arith.addi %mul3A_0, %arg1 : i32
    "tpu.region"() ({
      %run_scoped3A = tpu.sem_alloc : memref<!tpu.dma_semaphore, #tpu.memory_space<semaphore_mem>>
      %dma_start3A = arith.constant 0 : i32
      %dma_start3A_54 = arith.constant 0 : i32
      %dma_start3A_55 = tpu.memref_slice %arg3[%add3A, %dma_start3A, %dma_start3A_54] : memref<32x157x128xi32, #tpu.memory_space<hbm>> -> memref<1x157x128xi32, #tpu.memory_space<hbm>>
      %dma_start3A_56 = tpu.memref_squeeze %dma_start3A_55 : memref<1x157x128xi32, #tpu.memory_space<hbm>> -> memref<157x128xi32, #tpu.memory_space<hbm>>
      %dma_start3A_57 = arith.constant 0 : i32
      %dma_start3A_58 = arith.constant 0 : i32
      %dma_start3A_59 = tpu.memref_slice %arg3[%add3A, %dma_start3A_57, %dma_start3A_58] : memref<32x157x128xi32, #tpu.memory_space<hbm>> -> memref<1x157x128xi32, #tpu.memory_space<hbm>>
      %dma_start3A_60 = tpu.memref_squeeze %dma_start3A_59 : memref<1x157x128xi32, #tpu.memory_space<hbm>> -> memref<157x128xi32, #tpu.memory_space<hbm>>
      tpu.enqueue_dma source(%dma_start3A_60 : memref<157x128xi32, #tpu.memory_space<hbm>>) target(%arg7 : memref<157x128xi32, #tpu.memory_space<vmem>>) target_semaphore(%run_scoped3A : memref<!tpu.dma_semaphore, #tpu.memory_space<semaphore_mem>>)
      %dma_wait3A = arith.constant 0 : i32
      %dma_wait3A_61 = arith.constant 0 : i32
      %dma_wait3A_62 = tpu.memref_slice %arg3[%add3A, %dma_wait3A, %dma_wait3A_61] : memref<32x157x128xi32, #tpu.memory_space<hbm>> -> memref<1x157x128xi32, #tpu.memory_space<hbm>>
      %dma_wait3A_63 = tpu.memref_squeeze %dma_wait3A_62 : memref<1x157x128xi32, #tpu.memory_space<hbm>> -> memref<157x128xi32, #tpu.memory_space<hbm>>
      %dma_wait3A_64 = arith.constant 0 : i32
      %dma_wait3A_65 = arith.constant 0 : i32
      %dma_wait3A_66 = tpu.memref_slice %arg3[%add3A, %dma_wait3A_64, %dma_wait3A_65] : memref<32x157x128xi32, #tpu.memory_space<hbm>> -> memref<1x157x128xi32, #tpu.memory_space<hbm>>
      %dma_wait3A_67 = tpu.memref_squeeze %dma_wait3A_66 : memref<1x157x128xi32, #tpu.memory_space<hbm>> -> memref<157x128xi32, #tpu.memory_space<hbm>>
      tpu.wait_dma2 semaphore(%run_scoped3A : memref<!tpu.dma_semaphore, #tpu.memory_space<semaphore_mem>>) src(%dma_wait3A_67 : memref<157x128xi32, #tpu.memory_space<hbm>>) dst(%arg7 : memref<157x128xi32, #tpu.memory_space<vmem>>)
      tpu.yield
    }) : () -> ()
    "tpu.region"() ({
      %run_scoped3A = tpu.sem_alloc : memref<!tpu.dma_semaphore, #tpu.memory_space<semaphore_mem>>
      %dma_start3A = arith.constant 0 : i32
      %dma_start3A_54 = arith.constant 0 : i32
      %dma_start3A_55 = tpu.memref_slice %arg4[%add3A, %dma_start3A, %dma_start3A_54] : memref<32x157x128xi32, #tpu.memory_space<hbm>> -> memref<1x157x128xi32, #tpu.memory_space<hbm>>
      %dma_start3A_56 = tpu.memref_squeeze %dma_start3A_55 : memref<1x157x128xi32, #tpu.memory_space<hbm>> -> memref<157x128xi32, #tpu.memory_space<hbm>>
      %dma_start3A_57 = arith.constant 0 : i32
      %dma_start3A_58 = arith.constant 0 : i32
      %dma_start3A_59 = tpu.memref_slice %arg4[%add3A, %dma_start3A_57, %dma_start3A_58] : memref<32x157x128xi32, #tpu.memory_space<hbm>> -> memref<1x157x128xi32, #tpu.memory_space<hbm>>
      %dma_start3A_60 = tpu.memref_squeeze %dma_start3A_59 : memref<1x157x128xi32, #tpu.memory_space<hbm>> -> memref<157x128xi32, #tpu.memory_space<hbm>>
      tpu.enqueue_dma source(%dma_start3A_60 : memref<157x128xi32, #tpu.memory_space<hbm>>) target(%arg8 : memref<157x128xi32, #tpu.memory_space<vmem>>) target_semaphore(%run_scoped3A : memref<!tpu.dma_semaphore, #tpu.memory_space<semaphore_mem>>)
      %dma_wait3A = arith.constant 0 : i32
      %dma_wait3A_61 = arith.constant 0 : i32
      %dma_wait3A_62 = tpu.memref_slice %arg4[%add3A, %dma_wait3A, %dma_wait3A_61] : memref<32x157x128xi32, #tpu.memory_space<hbm>> -> memref<1x157x128xi32, #tpu.memory_space<hbm>>
      %dma_wait3A_63 = tpu.memref_squeeze %dma_wait3A_62 : memref<1x157x128xi32, #tpu.memory_space<hbm>> -> memref<157x128xi32, #tpu.memory_space<hbm>>
      %dma_wait3A_64 = arith.constant 0 : i32
      %dma_wait3A_65 = arith.constant 0 : i32
      %dma_wait3A_66 = tpu.memref_slice %arg4[%add3A, %dma_wait3A_64, %dma_wait3A_65] : memref<32x157x128xi32, #tpu.memory_space<hbm>> -> memref<1x157x128xi32, #tpu.memory_space<hbm>>
      %dma_wait3A_67 = tpu.memref_squeeze %dma_wait3A_66 : memref<1x157x128xi32, #tpu.memory_space<hbm>> -> memref<157x128xi32, #tpu.memory_space<hbm>>
      tpu.wait_dma2 semaphore(%run_scoped3A : memref<!tpu.dma_semaphore, #tpu.memory_space<semaphore_mem>>) src(%dma_wait3A_67 : memref<157x128xi32, #tpu.memory_space<hbm>>) dst(%arg8 : memref<157x128xi32, #tpu.memory_space<vmem>>)
      tpu.yield
    }) : () -> ()
    "tpu.region"() ({
      %run_scoped3A = tpu.sem_alloc : memref<!tpu.dma_semaphore, #tpu.memory_space<semaphore_mem>>
      tpu.enqueue_dma source(%arg2 : memref<10240x8xf32, #tpu.memory_space<hbm>>) target(%arg9 : memref<10240x8xf32, #tpu.memory_space<vmem>>) target_semaphore(%run_scoped3A : memref<!tpu.dma_semaphore, #tpu.memory_space<semaphore_mem>>)
      tpu.wait_dma2 semaphore(%run_scoped3A : memref<!tpu.dma_semaphore, #tpu.memory_space<semaphore_mem>>) src(%arg2 : memref<10240x8xf32, #tpu.memory_space<hbm>>) dst(%arg9 : memref<10240x8xf32, #tpu.memory_space<vmem>>)
      tpu.yield
    }) : () -> ()
    %mul3A_1 = arith.constant 640 : i32
    %mul3A_2 = arith.muli %arg1, %mul3A_1 : i32
    %mul3A_3 = arith.constant 640 : i32
    %mul3A_4 = arith.muli %arg1, %mul3A_3 : i32
    "tpu.region"() ({
      %run_scoped3A = tpu.sem_alloc : memref<!tpu.dma_semaphore, #tpu.memory_space<semaphore_mem>>
      %dma_start3A = arith.constant 0 : i32
      %dma_start3A_54 = tpu.memref_slice %arg11[%mul3A_4, %dma_start3A] : memref<10240x8xf32, #tpu.memory_space<vmem_shared>> -> memref<640x8xf32, #tpu.memory_space<vmem_shared>>
      %dma_start3A_55 = arith.constant 0 : i32
      %dma_start3A_56 = tpu.memref_slice %arg5[%mul3A_2, %dma_start3A_55] : memref<10240x8xf32, #tpu.memory_space<hbm>> -> memref<640x8xf32, #tpu.memory_space<hbm>>
      tpu.enqueue_dma source(%dma_start3A_56 : memref<640x8xf32, #tpu.memory_space<hbm>>) target(%dma_start3A_54 : memref<640x8xf32, #tpu.memory_space<vmem_shared>>) target_semaphore(%run_scoped3A : memref<!tpu.dma_semaphore, #tpu.memory_space<semaphore_mem>>)
      %dma_wait3A = arith.constant 0 : i32
      %dma_wait3A_57 = tpu.memref_slice %arg11[%mul3A_4, %dma_wait3A] : memref<10240x8xf32, #tpu.memory_space<vmem_shared>> -> memref<640x8xf32, #tpu.memory_space<vmem_shared>>
      %dma_wait3A_58 = arith.constant 0 : i32
      %dma_wait3A_59 = tpu.memref_slice %arg5[%mul3A_2, %dma_wait3A_58] : memref<10240x8xf32, #tpu.memory_space<hbm>> -> memref<640x8xf32, #tpu.memory_space<hbm>>
      tpu.wait_dma2 semaphore(%run_scoped3A : memref<!tpu.dma_semaphore, #tpu.memory_space<semaphore_mem>>) src(%dma_wait3A_59 : memref<640x8xf32, #tpu.memory_space<hbm>>) dst(%dma_wait3A_57 : memref<640x8xf32, #tpu.memory_space<vmem_shared>>)
      tpu.yield
    }) : () -> ()
    %barrier3A = arith.constant 0 : index
    tpu.barrier barrier_id(%barrier3A)
    %iota3A = tpu.iota {dimensions = array<i32: 0>} : vector<16xi32>
    %broadcast_in_dim3A = arith.constant 0 : i32
    %broadcast_in_dim3A_5 = vector.broadcast %broadcast_in_dim3A : i32 to vector<16xi32>
    %broadcast_in_dim3A_6 = arith.constant 1 : i32
    %broadcast_in_dim3A_7 = vector.broadcast %broadcast_in_dim3A_6 : i32 to vector<16xi32>
    %broadcast_in_dim3A_8 = arith.constant 2 : i32
    %broadcast_in_dim3A_9 = vector.broadcast %broadcast_in_dim3A_8 : i32 to vector<16xi32>
    %broadcast_in_dim3A_10 = arith.constant 3 : i32
    %broadcast_in_dim3A_11 = vector.broadcast %broadcast_in_dim3A_10 : i32 to vector<16xi32>
    %broadcast_in_dim3A_12 = arith.constant 4 : i32
    %broadcast_in_dim3A_13 = vector.broadcast %broadcast_in_dim3A_12 : i32 to vector<16xi32>
    %broadcast_in_dim3A_14 = arith.constant 5 : i32
    %broadcast_in_dim3A_15 = vector.broadcast %broadcast_in_dim3A_14 : i32 to vector<16xi32>
    %broadcast_in_dim3A_16 = arith.constant 6 : i32
    %broadcast_in_dim3A_17 = vector.broadcast %broadcast_in_dim3A_16 : i32 to vector<16xi32>
    %broadcast_in_dim3A_18 = arith.constant 7 : i32
    %broadcast_in_dim3A_19 = vector.broadcast %broadcast_in_dim3A_18 : i32 to vector<16xi32>
    %add3A_20 = arith.constant 0 : i32
    %add3A_21 = vector.broadcast %add3A_20 : i32 to vector<16xi32>
    %add3A_22 = arith.addi %iota3A, %add3A_21 : vector<16xi32>
    %add3A_23 = arith.constant 16 : i32
    %add3A_24 = vector.broadcast %add3A_23 : i32 to vector<16xi32>
    %add3A_25 = arith.addi %iota3A, %add3A_24 : vector<16xi32>
    %add3A_26 = arith.constant 32 : i32
    %add3A_27 = vector.broadcast %add3A_26 : i32 to vector<16xi32>
    %add3A_28 = arith.addi %iota3A, %add3A_27 : vector<16xi32>
    %add3A_29 = arith.constant 48 : i32
    %add3A_30 = vector.broadcast %add3A_29 : i32 to vector<16xi32>
    %add3A_31 = arith.addi %iota3A, %add3A_30 : vector<16xi32>
    %add3A_32 = arith.constant 64 : i32
    %add3A_33 = vector.broadcast %add3A_32 : i32 to vector<16xi32>
    %add3A_34 = arith.addi %iota3A, %add3A_33 : vector<16xi32>
    %add3A_35 = arith.constant 80 : i32
    %add3A_36 = vector.broadcast %add3A_35 : i32 to vector<16xi32>
    %add3A_37 = arith.addi %iota3A, %add3A_36 : vector<16xi32>
    %add3A_38 = arith.constant 96 : i32
    %add3A_39 = vector.broadcast %add3A_38 : i32 to vector<16xi32>
    %add3A_40 = arith.addi %iota3A, %add3A_39 : vector<16xi32>
    %add3A_41 = arith.constant 112 : i32
    %add3A_42 = vector.broadcast %add3A_41 : i32 to vector<16xi32>
    %add3A_43 = arith.addi %iota3A, %add3A_42 : vector<16xi32>
    %scan3A = arith.constant 0 : i32
    %scan3A_44 = arith.constant 0 : i32
    %scan3A_45 = arith.constant 157 : i32
    %scan3A_46 = arith.addi %scan3A_44, %scan3A_45 : i32
    %scan3A_47 = arith.constant 1 : i32
    scf.for %scan3A_54 = %scan3A_44 to %scan3A_46 step %scan3A_47  : i32 {
      %get3A = arith.index_cast %scan3A_54 : i32 to index
      %get3A_55 = arith.constant 0 : index
      %get3A_56 = tpu.vector_load %arg7[%get3A, %get3A_55] {strides = array<i32>} : memref<157x128xi32, #tpu.memory_space<vmem>>, vector<16xi32>,
      %gather3A = tpu.vector_load_idx %arg9[%get3A_56, %broadcast_in_dim3A_5] : memref<10240x8xf32, #tpu.memory_space<vmem>>[vector<16xi32>, vector<16xi32>], vector<16xf32>,
      tpu.vector_store_idx %arg10[%add3A_22, %broadcast_in_dim3A_5], %gather3A : memref<128x8xf32, #tpu.memory_space<vmem>>[vector<16xi32>, vector<16xi32>], vector<16xf32>,
      %gather3A_57 = tpu.vector_load_idx %arg9[%get3A_56, %broadcast_in_dim3A_7] : memref<10240x8xf32, #tpu.memory_space<vmem>>[vector<16xi32>, vector<16xi32>], vector<16xf32>,
      tpu.vector_store_idx %arg10[%add3A_22, %broadcast_in_dim3A_7], %gather3A_57 : memref<128x8xf32, #tpu.memory_space<vmem>>[vector<16xi32>, vector<16xi32>], vector<16xf32>,
      %gather3A_58 = tpu.vector_load_idx %arg9[%get3A_56, %broadcast_in_dim3A_9] : memref<10240x8xf32, #tpu.memory_space<vmem>>[vector<16xi32>, vector<16xi32>], vector<16xf32>,
      tpu.vector_store_idx %arg10[%add3A_22, %broadcast_in_dim3A_9], %gather3A_58 : memref<128x8xf32, #tpu.memory_space<vmem>>[vector<16xi32>, vector<16xi32>], vector<16xf32>,
      %gather3A_59 = tpu.vector_load_idx %arg9[%get3A_56, %broadcast_in_dim3A_11] : memref<10240x8xf32, #tpu.memory_space<vmem>>[vector<16xi32>, vector<16xi32>], vector<16xf32>,
      tpu.vector_store_idx %arg10[%add3A_22, %broadcast_in_dim3A_11], %gather3A_59 : memref<128x8xf32, #tpu.memory_space<vmem>>[vector<16xi32>, vector<16xi32>], vector<16xf32>,
      %gather3A_60 = tpu.vector_load_idx %arg9[%get3A_56, %broadcast_in_dim3A_13] : memref<10240x8xf32, #tpu.memory_space<vmem>>[vector<16xi32>, vector<16xi32>], vector<16xf32>,
      tpu.vector_store_idx %arg10[%add3A_22, %broadcast_in_dim3A_13], %gather3A_60 : memref<128x8xf32, #tpu.memory_space<vmem>>[vector<16xi32>, vector<16xi32>], vector<16xf32>,
      %gather3A_61 = tpu.vector_load_idx %arg9[%get3A_56, %broadcast_in_dim3A_15] : memref<10240x8xf32, #tpu.memory_space<vmem>>[vector<16xi32>, vector<16xi32>], vector<16xf32>,
      tpu.vector_store_idx %arg10[%add3A_22, %broadcast_in_dim3A_15], %gather3A_61 : memref<128x8xf32, #tpu.memory_space<vmem>>[vector<16xi32>, vector<16xi32>], vector<16xf32>,
      %gather3A_62 = tpu.vector_load_idx %arg9[%get3A_56, %broadcast_in_dim3A_17] : memref<10240x8xf32, #tpu.memory_space<vmem>>[vector<16xi32>, vector<16xi32>], vector<16xf32>,
      tpu.vector_store_idx %arg10[%add3A_22, %broadcast_in_dim3A_17], %gather3A_62 : memref<128x8xf32, #tpu.memory_space<vmem>>[vector<16xi32>, vector<16xi32>], vector<16xf32>,
      %gather3A_63 = tpu.vector_load_idx %arg9[%get3A_56, %broadcast_in_dim3A_19] : memref<10240x8xf32, #tpu.memory_space<vmem>>[vector<16xi32>, vector<16xi32>], vector<16xf32>,
      tpu.vector_store_idx %arg10[%add3A_22, %broadcast_in_dim3A_19], %gather3A_63 : memref<128x8xf32, #tpu.memory_space<vmem>>[vector<16xi32>, vector<16xi32>], vector<16xf32>,
      %get3A_64 = arith.index_cast %scan3A_54 : i32 to index
      %get3A_65 = arith.constant 16 : index
      %get3A_66 = tpu.vector_load %arg7[%get3A_64, %get3A_65] {strides = array<i32>} : memref<157x128xi32, #tpu.memory_space<vmem>>, vector<16xi32>,
      %gather3A_67 = tpu.vector_load_idx %arg9[%get3A_66, %broadcast_in_dim3A_5] : memref<10240x8xf32, #tpu.memory_space<vmem>>[vector<16xi32>, vector<16xi32>], vector<16xf32>,
      tpu.vector_store_idx %arg10[%add3A_25, %broadcast_in_dim3A_5], %gather3A_67 : memref<128x8xf32, #tpu.memory_space<vmem>>[vector<16xi32>, vector<16xi32>], vector<16xf32>,
      %gather3A_68 = tpu.vector_load_idx %arg9[%get3A_66, %broadcast_in_dim3A_7] : memref<10240x8xf32, #tpu.memory_space<vmem>>[vector<16xi32>, vector<16xi32>], vector<16xf32>,
      tpu.vector_store_idx %arg10[%add3A_25, %broadcast_in_dim3A_7], %gather3A_68 : memref<128x8xf32, #tpu.memory_space<vmem>>[vector<16xi32>, vector<16xi32>], vector<16xf32>,
      %gather3A_69 = tpu.vector_load_idx %arg9[%get3A_66, %broadcast_in_dim3A_9] : memref<10240x8xf32, #tpu.memory_space<vmem>>[vector<16xi32>, vector<16xi32>], vector<16xf32>,
      tpu.vector_store_idx %arg10[%add3A_25, %broadcast_in_dim3A_9], %gather3A_69 : memref<128x8xf32, #tpu.memory_space<vmem>>[vector<16xi32>, vector<16xi32>], vector<16xf32>,
      %gather3A_70 = tpu.vector_load_idx %arg9[%get3A_66, %broadcast_in_dim3A_11] : memref<10240x8xf32, #tpu.memory_space<vmem>>[vector<16xi32>, vector<16xi32>], vector<16xf32>,
      tpu.vector_store_idx %arg10[%add3A_25, %broadcast_in_dim3A_11], %gather3A_70 : memref<128x8xf32, #tpu.memory_space<vmem>>[vector<16xi32>, vector<16xi32>], vector<16xf32>,
      %gather3A_71 = tpu.vector_load_idx %arg9[%get3A_66, %broadcast_in_dim3A_13] : memref<10240x8xf32, #tpu.memory_space<vmem>>[vector<16xi32>, vector<16xi32>], vector<16xf32>,
      tpu.vector_store_idx %arg10[%add3A_25, %broadcast_in_dim3A_13], %gather3A_71 : memref<128x8xf32, #tpu.memory_space<vmem>>[vector<16xi32>, vector<16xi32>], vector<16xf32>,
      %gather3A_72 = tpu.vector_load_idx %arg9[%get3A_66, %broadcast_in_dim3A_15] : memref<10240x8xf32, #tpu.memory_space<vmem>>[vector<16xi32>, vector<16xi32>], vector<16xf32>,
      tpu.vector_store_idx %arg10[%add3A_25, %broadcast_in_dim3A_15], %gather3A_72 : memref<128x8xf32, #tpu.memory_space<vmem>>[vector<16xi32>, vector<16xi32>], vector<16xf32>,
      %gather3A_73 = tpu.vector_load_idx %arg9[%get3A_66, %broadcast_in_dim3A_17] : memref<10240x8xf32, #tpu.memory_space<vmem>>[vector<16xi32>, vector<16xi32>], vector<16xf32>,
      tpu.vector_store_idx %arg10[%add3A_25, %broadcast_in_dim3A_17], %gather3A_73 : memref<128x8xf32, #tpu.memory_space<vmem>>[vector<16xi32>, vector<16xi32>], vector<16xf32>,
      %gather3A_74 = tpu.vector_load_idx %arg9[%get3A_66, %broadcast_in_dim3A_19] : memref<10240x8xf32, #tpu.memory_space<vmem>>[vector<16xi32>, vector<16xi32>], vector<16xf32>,
      tpu.vector_store_idx %arg10[%add3A_25, %broadcast_in_dim3A_19], %gather3A_74 : memref<128x8xf32, #tpu.memory_space<vmem>>[vector<16xi32>, vector<16xi32>], vector<16xf32>,
      %get3A_75 = arith.index_cast %scan3A_54 : i32 to index
      %get3A_76 = arith.constant 32 : index
      %get3A_77 = tpu.vector_load %arg7[%get3A_75, %get3A_76] {strides = array<i32>} : memref<157x128xi32, #tpu.memory_space<vmem>>, vector<16xi32>,
      %gather3A_78 = tpu.vector_load_idx %arg9[%get3A_77, %broadcast_in_dim3A_5] : memref<10240x8xf32, #tpu.memory_space<vmem>>[vector<16xi32>, vector<16xi32>], vector<16xf32>,
      tpu.vector_store_idx %arg10[%add3A_28, %broadcast_in_dim3A_5], %gather3A_78 : memref<128x8xf32, #tpu.memory_space<vmem>>[vector<16xi32>, vector<16xi32>], vector<16xf32>,
      %gather3A_79 = tpu.vector_load_idx %arg9[%get3A_77, %broadcast_in_dim3A_7] : memref<10240x8xf32, #tpu.memory_space<vmem>>[vector<16xi32>, vector<16xi32>], vector<16xf32>,
      tpu.vector_store_idx %arg10[%add3A_28, %broadcast_in_dim3A_7], %gather3A_79 : memref<128x8xf32, #tpu.memory_space<vmem>>[vector<16xi32>, vector<16xi32>], vector<16xf32>,
      %gather3A_80 = tpu.vector_load_idx %arg9[%get3A_77, %broadcast_in_dim3A_9] : memref<10240x8xf32, #tpu.memory_space<vmem>>[vector<16xi32>, vector<16xi32>], vector<16xf32>,
      tpu.vector_store_idx %arg10[%add3A_28, %broadcast_in_dim3A_9], %gather3A_80 : memref<128x8xf32, #tpu.memory_space<vmem>>[vector<16xi32>, vector<16xi32>], vector<16xf32>,
      %gather3A_81 = tpu.vector_load_idx %arg9[%get3A_77, %broadcast_in_dim3A_11] : memref<10240x8xf32, #tpu.memory_space<vmem>>[vector<16xi32>, vector<16xi32>], vector<16xf32>,
      tpu.vector_store_idx %arg10[%add3A_28, %broadcast_in_dim3A_11], %gather3A_81 : memref<128x8xf32, #tpu.memory_space<vmem>>[vector<16xi32>, vector<16xi32>], vector<16xf32>,
      %gather3A_82 = tpu.vector_load_idx %arg9[%get3A_77, %broadcast_in_dim3A_13] : memref<10240x8xf32, #tpu.memory_space<vmem>>[vector<16xi32>, vector<16xi32>], vector<16xf32>,
      tpu.vector_store_idx %arg10[%add3A_28, %broadcast_in_dim3A_13], %gather3A_82 : memref<128x8xf32, #tpu.memory_space<vmem>>[vector<16xi32>, vector<16xi32>], vector<16xf32>,
      %gather3A_83 = tpu.vector_load_idx %arg9[%get3A_77, %broadcast_in_dim3A_15] : memref<10240x8xf32, #tpu.memory_space<vmem>>[vector<16xi32>, vector<16xi32>], vector<16xf32>,
      tpu.vector_store_idx %arg10[%add3A_28, %broadcast_in_dim3A_15], %gather3A_83 : memref<128x8xf32, #tpu.memory_space<vmem>>[vector<16xi32>, vector<16xi32>], vector<16xf32>,
      %gather3A_84 = tpu.vector_load_idx %arg9[%get3A_77, %broadcast_in_dim3A_17] : memref<10240x8xf32, #tpu.memory_space<vmem>>[vector<16xi32>, vector<16xi32>], vector<16xf32>,
      tpu.vector_store_idx %arg10[%add3A_28, %broadcast_in_dim3A_17], %gather3A_84 : memref<128x8xf32, #tpu.memory_space<vmem>>[vector<16xi32>, vector<16xi32>], vector<16xf32>,
      %gather3A_85 = tpu.vector_load_idx %arg9[%get3A_77, %broadcast_in_dim3A_19] : memref<10240x8xf32, #tpu.memory_space<vmem>>[vector<16xi32>, vector<16xi32>], vector<16xf32>,
      tpu.vector_store_idx %arg10[%add3A_28, %broadcast_in_dim3A_19], %gather3A_85 : memref<128x8xf32, #tpu.memory_space<vmem>>[vector<16xi32>, vector<16xi32>], vector<16xf32>,
      %get3A_86 = arith.index_cast %scan3A_54 : i32 to index
      %get3A_87 = arith.constant 48 : index
      %get3A_88 = tpu.vector_load %arg7[%get3A_86, %get3A_87] {strides = array<i32>} : memref<157x128xi32, #tpu.memory_space<vmem>>, vector<16xi32>,
      %gather3A_89 = tpu.vector_load_idx %arg9[%get3A_88, %broadcast_in_dim3A_5] : memref<10240x8xf32, #tpu.memory_space<vmem>>[vector<16xi32>, vector<16xi32>], vector<16xf32>,
      tpu.vector_store_idx %arg10[%add3A_31, %broadcast_in_dim3A_5], %gather3A_89 : memref<128x8xf32, #tpu.memory_space<vmem>>[vector<16xi32>, vector<16xi32>], vector<16xf32>,
      %gather3A_90 = tpu.vector_load_idx %arg9[%get3A_88, %broadcast_in_dim3A_7] : memref<10240x8xf32, #tpu.memory_space<vmem>>[vector<16xi32>, vector<16xi32>], vector<16xf32>,
      tpu.vector_store_idx %arg10[%add3A_31, %broadcast_in_dim3A_7], %gather3A_90 : memref<128x8xf32, #tpu.memory_space<vmem>>[vector<16xi32>, vector<16xi32>], vector<16xf32>,
      %gather3A_91 = tpu.vector_load_idx %arg9[%get3A_88, %broadcast_in_dim3A_9] : memref<10240x8xf32, #tpu.memory_space<vmem>>[vector<16xi32>, vector<16xi32>], vector<16xf32>,
      tpu.vector_store_idx %arg10[%add3A_31, %broadcast_in_dim3A_9], %gather3A_91 : memref<128x8xf32, #tpu.memory_space<vmem>>[vector<16xi32>, vector<16xi32>], vector<16xf32>,
      %gather3A_92 = tpu.vector_load_idx %arg9[%get3A_88, %broadcast_in_dim3A_11] : memref<10240x8xf32, #tpu.memory_space<vmem>>[vector<16xi32>, vector<16xi32>], vector<16xf32>,
      tpu.vector_store_idx %arg10[%add3A_31, %broadcast_in_dim3A_11], %gather3A_92 : memref<128x8xf32, #tpu.memory_space<vmem>>[vector<16xi32>, vector<16xi32>], vector<16xf32>,
      %gather3A_93 = tpu.vector_load_idx %arg9[%get3A_88, %broadcast_in_dim3A_13] : memref<10240x8xf32, #tpu.memory_space<vmem>>[vector<16xi32>, vector<16xi32>], vector<16xf32>,
      tpu.vector_store_idx %arg10[%add3A_31, %broadcast_in_dim3A_13], %gather3A_93 : memref<128x8xf32, #tpu.memory_space<vmem>>[vector<16xi32>, vector<16xi32>], vector<16xf32>,
      %gather3A_94 = tpu.vector_load_idx %arg9[%get3A_88, %broadcast_in_dim3A_15] : memref<10240x8xf32, #tpu.memory_space<vmem>>[vector<16xi32>, vector<16xi32>], vector<16xf32>,
      tpu.vector_store_idx %arg10[%add3A_31, %broadcast_in_dim3A_15], %gather3A_94 : memref<128x8xf32, #tpu.memory_space<vmem>>[vector<16xi32>, vector<16xi32>], vector<16xf32>,
      %gather3A_95 = tpu.vector_load_idx %arg9[%get3A_88, %broadcast_in_dim3A_17] : memref<10240x8xf32, #tpu.memory_space<vmem>>[vector<16xi32>, vector<16xi32>], vector<16xf32>,
      tpu.vector_store_idx %arg10[%add3A_31, %broadcast_in_dim3A_17], %gather3A_95 : memref<128x8xf32, #tpu.memory_space<vmem>>[vector<16xi32>, vector<16xi32>], vector<16xf32>,
      %gather3A_96 = tpu.vector_load_idx %arg9[%get3A_88, %broadcast_in_dim3A_19] : memref<10240x8xf32, #tpu.memory_space<vmem>>[vector<16xi32>, vector<16xi32>], vector<16xf32>,
      tpu.vector_store_idx %arg10[%add3A_31, %broadcast_in_dim3A_19], %gather3A_96 : memref<128x8xf32, #tpu.memory_space<vmem>>[vector<16xi32>, vector<16xi32>], vector<16xf32>,
      %get3A_97 = arith.index_cast %scan3A_54 : i32 to index
      %get3A_98 = arith.constant 64 : index
      %get3A_99 = tpu.vector_load %arg7[%get3A_97, %get3A_98] {strides = array<i32>} : memref<157x128xi32, #tpu.memory_space<vmem>>, vector<16xi32>,
      %gather3A_100 = tpu.vector_load_idx %arg9[%get3A_99, %broadcast_in_dim3A_5] : memref<10240x8xf32, #tpu.memory_space<vmem>>[vector<16xi32>, vector<16xi32>], vector<16xf32>,
      tpu.vector_store_idx %arg10[%add3A_34, %broadcast_in_dim3A_5], %gather3A_100 : memref<128x8xf32, #tpu.memory_space<vmem>>[vector<16xi32>, vector<16xi32>], vector<16xf32>,
      %gather3A_101 = tpu.vector_load_idx %arg9[%get3A_99, %broadcast_in_dim3A_7] : memref<10240x8xf32, #tpu.memory_space<vmem>>[vector<16xi32>, vector<16xi32>], vector<16xf32>,
      tpu.vector_store_idx %arg10[%add3A_34, %broadcast_in_dim3A_7], %gather3A_101 : memref<128x8xf32, #tpu.memory_space<vmem>>[vector<16xi32>, vector<16xi32>], vector<16xf32>,
      %gather3A_102 = tpu.vector_load_idx %arg9[%get3A_99, %broadcast_in_dim3A_9] : memref<10240x8xf32, #tpu.memory_space<vmem>>[vector<16xi32>, vector<16xi32>], vector<16xf32>,
      tpu.vector_store_idx %arg10[%add3A_34, %broadcast_in_dim3A_9], %gather3A_102 : memref<128x8xf32, #tpu.memory_space<vmem>>[vector<16xi32>, vector<16xi32>], vector<16xf32>,
      %gather3A_103 = tpu.vector_load_idx %arg9[%get3A_99, %broadcast_in_dim3A_11] : memref<10240x8xf32, #tpu.memory_space<vmem>>[vector<16xi32>, vector<16xi32>], vector<16xf32>,
      tpu.vector_store_idx %arg10[%add3A_34, %broadcast_in_dim3A_11], %gather3A_103 : memref<128x8xf32, #tpu.memory_space<vmem>>[vector<16xi32>, vector<16xi32>], vector<16xf32>,
      %gather3A_104 = tpu.vector_load_idx %arg9[%get3A_99, %broadcast_in_dim3A_13] : memref<10240x8xf32, #tpu.memory_space<vmem>>[vector<16xi32>, vector<16xi32>], vector<16xf32>,
      tpu.vector_store_idx %arg10[%add3A_34, %broadcast_in_dim3A_13], %gather3A_104 : memref<128x8xf32, #tpu.memory_space<vmem>>[vector<16xi32>, vector<16xi32>], vector<16xf32>,
      %gather3A_105 = tpu.vector_load_idx %arg9[%get3A_99, %broadcast_in_dim3A_15] : memref<10240x8xf32, #tpu.memory_space<vmem>>[vector<16xi32>, vector<16xi32>], vector<16xf32>,
      tpu.vector_store_idx %arg10[%add3A_34, %broadcast_in_dim3A_15], %gather3A_105 : memref<128x8xf32, #tpu.memory_space<vmem>>[vector<16xi32>, vector<16xi32>], vector<16xf32>,
      %gather3A_106 = tpu.vector_load_idx %arg9[%get3A_99, %broadcast_in_dim3A_17] : memref<10240x8xf32, #tpu.memory_space<vmem>>[vector<16xi32>, vector<16xi32>], vector<16xf32>,
      tpu.vector_store_idx %arg10[%add3A_34, %broadcast_in_dim3A_17], %gather3A_106 : memref<128x8xf32, #tpu.memory_space<vmem>>[vector<16xi32>, vector<16xi32>], vector<16xf32>,
      %gather3A_107 = tpu.vector_load_idx %arg9[%get3A_99, %broadcast_in_dim3A_19] : memref<10240x8xf32, #tpu.memory_space<vmem>>[vector<16xi32>, vector<16xi32>], vector<16xf32>,
      tpu.vector_store_idx %arg10[%add3A_34, %broadcast_in_dim3A_19], %gather3A_107 : memref<128x8xf32, #tpu.memory_space<vmem>>[vector<16xi32>, vector<16xi32>], vector<16xf32>,
      %get3A_108 = arith.index_cast %scan3A_54 : i32 to index
      %get3A_109 = arith.constant 80 : index
      %get3A_110 = tpu.vector_load %arg7[%get3A_108, %get3A_109] {strides = array<i32>} : memref<157x128xi32, #tpu.memory_space<vmem>>, vector<16xi32>,
      %gather3A_111 = tpu.vector_load_idx %arg9[%get3A_110, %broadcast_in_dim3A_5] : memref<10240x8xf32, #tpu.memory_space<vmem>>[vector<16xi32>, vector<16xi32>], vector<16xf32>,
      tpu.vector_store_idx %arg10[%add3A_37, %broadcast_in_dim3A_5], %gather3A_111 : memref<128x8xf32, #tpu.memory_space<vmem>>[vector<16xi32>, vector<16xi32>], vector<16xf32>,
      %gather3A_112 = tpu.vector_load_idx %arg9[%get3A_110, %broadcast_in_dim3A_7] : memref<10240x8xf32, #tpu.memory_space<vmem>>[vector<16xi32>, vector<16xi32>], vector<16xf32>,
      tpu.vector_store_idx %arg10[%add3A_37, %broadcast_in_dim3A_7], %gather3A_112 : memref<128x8xf32, #tpu.memory_space<vmem>>[vector<16xi32>, vector<16xi32>], vector<16xf32>,
      %gather3A_113 = tpu.vector_load_idx %arg9[%get3A_110, %broadcast_in_dim3A_9] : memref<10240x8xf32, #tpu.memory_space<vmem>>[vector<16xi32>, vector<16xi32>], vector<16xf32>,
      tpu.vector_store_idx %arg10[%add3A_37, %broadcast_in_dim3A_9], %gather3A_113 : memref<128x8xf32, #tpu.memory_space<vmem>>[vector<16xi32>, vector<16xi32>], vector<16xf32>,
      %gather3A_114 = tpu.vector_load_idx %arg9[%get3A_110, %broadcast_in_dim3A_11] : memref<10240x8xf32, #tpu.memory_space<vmem>>[vector<16xi32>, vector<16xi32>], vector<16xf32>,
      tpu.vector_store_idx %arg10[%add3A_37, %broadcast_in_dim3A_11], %gather3A_114 : memref<128x8xf32, #tpu.memory_space<vmem>>[vector<16xi32>, vector<16xi32>], vector<16xf32>,
      %gather3A_115 = tpu.vector_load_idx %arg9[%get3A_110, %broadcast_in_dim3A_13] : memref<10240x8xf32, #tpu.memory_space<vmem>>[vector<16xi32>, vector<16xi32>], vector<16xf32>,
      tpu.vector_store_idx %arg10[%add3A_37, %broadcast_in_dim3A_13], %gather3A_115 : memref<128x8xf32, #tpu.memory_space<vmem>>[vector<16xi32>, vector<16xi32>], vector<16xf32>,
      %gather3A_116 = tpu.vector_load_idx %arg9[%get3A_110, %broadcast_in_dim3A_15] : memref<10240x8xf32, #tpu.memory_space<vmem>>[vector<16xi32>, vector<16xi32>], vector<16xf32>,
      tpu.vector_store_idx %arg10[%add3A_37, %broadcast_in_dim3A_15], %gather3A_116 : memref<128x8xf32, #tpu.memory_space<vmem>>[vector<16xi32>, vector<16xi32>], vector<16xf32>,
      %gather3A_117 = tpu.vector_load_idx %arg9[%get3A_110, %broadcast_in_dim3A_17] : memref<10240x8xf32, #tpu.memory_space<vmem>>[vector<16xi32>, vector<16xi32>], vector<16xf32>,
      tpu.vector_store_idx %arg10[%add3A_37, %broadcast_in_dim3A_17], %gather3A_117 : memref<128x8xf32, #tpu.memory_space<vmem>>[vector<16xi32>, vector<16xi32>], vector<16xf32>,
      %gather3A_118 = tpu.vector_load_idx %arg9[%get3A_110, %broadcast_in_dim3A_19] : memref<10240x8xf32, #tpu.memory_space<vmem>>[vector<16xi32>, vector<16xi32>], vector<16xf32>,
      tpu.vector_store_idx %arg10[%add3A_37, %broadcast_in_dim3A_19], %gather3A_118 : memref<128x8xf32, #tpu.memory_space<vmem>>[vector<16xi32>, vector<16xi32>], vector<16xf32>,
      %get3A_119 = arith.index_cast %scan3A_54 : i32 to index
      %get3A_120 = arith.constant 96 : index
      %get3A_121 = tpu.vector_load %arg7[%get3A_119, %get3A_120] {strides = array<i32>} : memref<157x128xi32, #tpu.memory_space<vmem>>, vector<16xi32>,
      %gather3A_122 = tpu.vector_load_idx %arg9[%get3A_121, %broadcast_in_dim3A_5] : memref<10240x8xf32, #tpu.memory_space<vmem>>[vector<16xi32>, vector<16xi32>], vector<16xf32>,
      tpu.vector_store_idx %arg10[%add3A_40, %broadcast_in_dim3A_5], %gather3A_122 : memref<128x8xf32, #tpu.memory_space<vmem>>[vector<16xi32>, vector<16xi32>], vector<16xf32>,
      %gather3A_123 = tpu.vector_load_idx %arg9[%get3A_121, %broadcast_in_dim3A_7] : memref<10240x8xf32, #tpu.memory_space<vmem>>[vector<16xi32>, vector<16xi32>], vector<16xf32>,
      tpu.vector_store_idx %arg10[%add3A_40, %broadcast_in_dim3A_7], %gather3A_123 : memref<128x8xf32, #tpu.memory_space<vmem>>[vector<16xi32>, vector<16xi32>], vector<16xf32>,
      %gather3A_124 = tpu.vector_load_idx %arg9[%get3A_121, %broadcast_in_dim3A_9] : memref<10240x8xf32, #tpu.memory_space<vmem>>[vector<16xi32>, vector<16xi32>], vector<16xf32>,
      tpu.vector_store_idx %arg10[%add3A_40, %broadcast_in_dim3A_9], %gather3A_124 : memref<128x8xf32, #tpu.memory_space<vmem>>[vector<16xi32>, vector<16xi32>], vector<16xf32>,
      %gather3A_125 = tpu.vector_load_idx %arg9[%get3A_121, %broadcast_in_dim3A_11] : memref<10240x8xf32, #tpu.memory_space<vmem>>[vector<16xi32>, vector<16xi32>], vector<16xf32>,
      tpu.vector_store_idx %arg10[%add3A_40, %broadcast_in_dim3A_11], %gather3A_125 : memref<128x8xf32, #tpu.memory_space<vmem>>[vector<16xi32>, vector<16xi32>], vector<16xf32>,
      %gather3A_126 = tpu.vector_load_idx %arg9[%get3A_121, %broadcast_in_dim3A_13] : memref<10240x8xf32, #tpu.memory_space<vmem>>[vector<16xi32>, vector<16xi32>], vector<16xf32>,
      tpu.vector_store_idx %arg10[%add3A_40, %broadcast_in_dim3A_13], %gather3A_126 : memref<128x8xf32, #tpu.memory_space<vmem>>[vector<16xi32>, vector<16xi32>], vector<16xf32>,
      %gather3A_127 = tpu.vector_load_idx %arg9[%get3A_121, %broadcast_in_dim3A_15] : memref<10240x8xf32, #tpu.memory_space<vmem>>[vector<16xi32>, vector<16xi32>], vector<16xf32>,
      tpu.vector_store_idx %arg10[%add3A_40, %broadcast_in_dim3A_15], %gather3A_127 : memref<128x8xf32, #tpu.memory_space<vmem>>[vector<16xi32>, vector<16xi32>], vector<16xf32>,
      %gather3A_128 = tpu.vector_load_idx %arg9[%get3A_121, %broadcast_in_dim3A_17] : memref<10240x8xf32, #tpu.memory_space<vmem>>[vector<16xi32>, vector<16xi32>], vector<16xf32>,
      tpu.vector_store_idx %arg10[%add3A_40, %broadcast_in_dim3A_17], %gather3A_128 : memref<128x8xf32, #tpu.memory_space<vmem>>[vector<16xi32>, vector<16xi32>], vector<16xf32>,
      %gather3A_129 = tpu.vector_load_idx %arg9[%get3A_121, %broadcast_in_dim3A_19] : memref<10240x8xf32, #tpu.memory_space<vmem>>[vector<16xi32>, vector<16xi32>], vector<16xf32>,
      tpu.vector_store_idx %arg10[%add3A_40, %broadcast_in_dim3A_19], %gather3A_129 : memref<128x8xf32, #tpu.memory_space<vmem>>[vector<16xi32>, vector<16xi32>], vector<16xf32>,
      %get3A_130 = arith.index_cast %scan3A_54 : i32 to index
      %get3A_131 = arith.constant 112 : index
      %get3A_132 = tpu.vector_load %arg7[%get3A_130, %get3A_131] {strides = array<i32>} : memref<157x128xi32, #tpu.memory_space<vmem>>, vector<16xi32>,
      %gather3A_133 = tpu.vector_load_idx %arg9[%get3A_132, %broadcast_in_dim3A_5] : memref<10240x8xf32, #tpu.memory_space<vmem>>[vector<16xi32>, vector<16xi32>], vector<16xf32>,
      tpu.vector_store_idx %arg10[%add3A_43, %broadcast_in_dim3A_5], %gather3A_133 : memref<128x8xf32, #tpu.memory_space<vmem>>[vector<16xi32>, vector<16xi32>], vector<16xf32>,
      %gather3A_134 = tpu.vector_load_idx %arg9[%get3A_132, %broadcast_in_dim3A_7] : memref<10240x8xf32, #tpu.memory_space<vmem>>[vector<16xi32>, vector<16xi32>], vector<16xf32>,
      tpu.vector_store_idx %arg10[%add3A_43, %broadcast_in_dim3A_7], %gather3A_134 : memref<128x8xf32, #tpu.memory_space<vmem>>[vector<16xi32>, vector<16xi32>], vector<16xf32>,
      %gather3A_135 = tpu.vector_load_idx %arg9[%get3A_132, %broadcast_in_dim3A_9] : memref<10240x8xf32, #tpu.memory_space<vmem>>[vector<16xi32>, vector<16xi32>], vector<16xf32>,
      tpu.vector_store_idx %arg10[%add3A_43, %broadcast_in_dim3A_9], %gather3A_135 : memref<128x8xf32, #tpu.memory_space<vmem>>[vector<16xi32>, vector<16xi32>], vector<16xf32>,
      %gather3A_136 = tpu.vector_load_idx %arg9[%get3A_132, %broadcast_in_dim3A_11] : memref<10240x8xf32, #tpu.memory_space<vmem>>[vector<16xi32>, vector<16xi32>], vector<16xf32>,
      tpu.vector_store_idx %arg10[%add3A_43, %broadcast_in_dim3A_11], %gather3A_136 : memref<128x8xf32, #tpu.memory_space<vmem>>[vector<16xi32>, vector<16xi32>], vector<16xf32>,
      %gather3A_137 = tpu.vector_load_idx %arg9[%get3A_132, %broadcast_in_dim3A_13] : memref<10240x8xf32, #tpu.memory_space<vmem>>[vector<16xi32>, vector<16xi32>], vector<16xf32>,
      tpu.vector_store_idx %arg10[%add3A_43, %broadcast_in_dim3A_13], %gather3A_137 : memref<128x8xf32, #tpu.memory_space<vmem>>[vector<16xi32>, vector<16xi32>], vector<16xf32>,
      %gather3A_138 = tpu.vector_load_idx %arg9[%get3A_132, %broadcast_in_dim3A_15] : memref<10240x8xf32, #tpu.memory_space<vmem>>[vector<16xi32>, vector<16xi32>], vector<16xf32>,
      tpu.vector_store_idx %arg10[%add3A_43, %broadcast_in_dim3A_15], %gather3A_138 : memref<128x8xf32, #tpu.memory_space<vmem>>[vector<16xi32>, vector<16xi32>], vector<16xf32>,
      %gather3A_139 = tpu.vector_load_idx %arg9[%get3A_132, %broadcast_in_dim3A_17] : memref<10240x8xf32, #tpu.memory_space<vmem>>[vector<16xi32>, vector<16xi32>], vector<16xf32>,
      tpu.vector_store_idx %arg10[%add3A_43, %broadcast_in_dim3A_17], %gather3A_139 : memref<128x8xf32, #tpu.memory_space<vmem>>[vector<16xi32>, vector<16xi32>], vector<16xf32>,
      %gather3A_140 = tpu.vector_load_idx %arg9[%get3A_132, %broadcast_in_dim3A_19] : memref<10240x8xf32, #tpu.memory_space<vmem>>[vector<16xi32>, vector<16xi32>], vector<16xf32>,
      tpu.vector_store_idx %arg10[%add3A_43, %broadcast_in_dim3A_19], %gather3A_140 : memref<128x8xf32, #tpu.memory_space<vmem>>[vector<16xi32>, vector<16xi32>], vector<16xf32>,
      "tpu.region"() ({
        %run_scoped3A = tpu.sem_alloc : memref<!tpu.dma_semaphore, #tpu.memory_space<semaphore_mem>>
        %dma_start3A = arith.constant 0 : i32
        %dma_start3A_141 = tpu.memref_slice %arg8[%scan3A_54, %dma_start3A] : memref<157x128xi32, #tpu.memory_space<vmem>> -> memref<1x128xi32, #tpu.memory_space<vmem>>
        %dma_start3A_142 = tpu.memref_squeeze %dma_start3A_141 : memref<1x128xi32, #tpu.memory_space<vmem>> -> memref<128xi32, #tpu.memory_space<vmem>>
        %dma_start3A_143 = arith.constant 0 : i32
        %dma_start3A_144 = arith.constant 0 : i32
        %dma_start3A_145 = tpu.memref_slice %arg11[%dma_start3A_143, %dma_start3A_144] : memref<10240x8xf32, #tpu.memory_space<vmem_shared>> -> memref<10240x8xf32, #tpu.memory_space<vmem_shared>>
        tpu.enqueue_indirect_dma source(%arg10 : memref<128x8xf32, #tpu.memory_space<vmem>>) target(%dma_start3A_145 : memref<10240x8xf32, #tpu.memory_space<vmem_shared>>) offsets(%dma_start3A_142 : memref<128xi32, #tpu.memory_space<vmem>>) semaphore(%run_scoped3A : memref<!tpu.dma_semaphore, #tpu.memory_space<semaphore_mem>>) {add = true}
        %dma_wait3A = arith.constant 0 : i32
        %dma_wait3A_146 = tpu.memref_slice %arg8[%scan3A_54, %dma_wait3A] : memref<157x128xi32, #tpu.memory_space<vmem>> -> memref<1x128xi32, #tpu.memory_space<vmem>>
        %dma_wait3A_147 = tpu.memref_squeeze %dma_wait3A_146 : memref<1x128xi32, #tpu.memory_space<vmem>> -> memref<128xi32, #tpu.memory_space<vmem>>
        %dma_wait3A_148 = arith.constant 0 : i32
        %dma_wait3A_149 = arith.constant 0 : i32
        %dma_wait3A_150 = tpu.memref_slice %arg11[%dma_wait3A_148, %dma_wait3A_149] : memref<10240x8xf32, #tpu.memory_space<vmem_shared>> -> memref<10240x8xf32, #tpu.memory_space<vmem_shared>>
        tpu.wait_indirect_dma semaphore(%run_scoped3A : memref<!tpu.dma_semaphore, #tpu.memory_space<semaphore_mem>>) src(%arg10 : memref<128x8xf32, #tpu.memory_space<vmem>>) dst(%dma_wait3A_150 : memref<10240x8xf32, #tpu.memory_space<vmem_shared>>)
        tpu.yield
      }) : () -> ()
    }
    %scan3A_48 = arith.constant 157 : i32
    %barrier3A_49 = arith.constant 0 : index
    tpu.barrier barrier_id(%barrier3A_49)
    %mul3A_50 = arith.constant 640 : i32
    %mul3A_51 = arith.muli %arg1, %mul3A_50 : i32
    %mul3A_52 = arith.constant 640 : i32
    %mul3A_53 = arith.muli %arg1, %mul3A_52 : i32
    "tpu.region"() ({
      %run_scoped3A = tpu.sem_alloc : memref<!tpu.dma_semaphore, #tpu.memory_space<semaphore_mem>>
      %dma_start3A = arith.constant 0 : i32
      %dma_start3A_54 = tpu.memref_slice %arg6[%arg0, %mul3A_53, %dma_start3A] : memref<2x10240x8xf32, #tpu.memory_space<hbm>> -> memref<1x640x8xf32, #tpu.memory_space<hbm>>
      %dma_start3A_55 = tpu.memref_squeeze %dma_start3A_54 : memref<1x640x8xf32, #tpu.memory_space<hbm>> -> memref<640x8xf32, #tpu.memory_space<hbm>>
      %dma_start3A_56 = arith.constant 0 : i32
      %dma_start3A_57 = tpu.memref_slice %arg11[%mul3A_51, %dma_start3A_56] : memref<10240x8xf32, #tpu.memory_space<vmem_shared>> -> memref<640x8xf32, #tpu.memory_space<vmem_shared>>
      tpu.enqueue_dma source(%dma_start3A_57 : memref<640x8xf32, #tpu.memory_space<vmem_shared>>) target(%dma_start3A_55 : memref<640x8xf32, #tpu.memory_space<hbm>>) target_semaphore(%run_scoped3A : memref<!tpu.dma_semaphore, #tpu.memory_space<semaphore_mem>>)
      %dma_wait3A = arith.constant 0 : i32
      %dma_wait3A_58 = tpu.memref_slice %arg6[%arg0, %mul3A_53, %dma_wait3A] : memref<2x10240x8xf32, #tpu.memory_space<hbm>> -> memref<1x640x8xf32, #tpu.memory_space<hbm>>
      %dma_wait3A_59 = tpu.memref_squeeze %dma_wait3A_58 : memref<1x640x8xf32, #tpu.memory_space<hbm>> -> memref<640x8xf32, #tpu.memory_space<hbm>>
      %dma_wait3A_60 = arith.constant 0 : i32
      %dma_wait3A_61 = tpu.memref_slice %arg11[%mul3A_51, %dma_wait3A_60] : memref<10240x8xf32, #tpu.memory_space<vmem_shared>> -> memref<640x8xf32, #tpu.memory_space<vmem_shared>>
      tpu.wait_dma2 semaphore(%run_scoped3A : memref<!tpu.dma_semaphore, #tpu.memory_space<semaphore_mem>>) src(%dma_wait3A_61 : memref<640x8xf32, #tpu.memory_space<vmem_shared>>) dst(%dma_wait3A_59 : memref<640x8xf32, #tpu.memory_space<hbm>>)
      tpu.yield
    }) : () -> ()
    return
  }
}

module attributes {stable_mosaic.version = 14 : i64} {
  func.func @body(%arg0: memref<10240x128xf32, #tpu.memory_space<vmem>>, %arg1: memref<128x80xf32, #tpu.memory_space<vmem>>, %arg2: memref<10240x2xf32, #tpu.memory_space<vmem>>, %arg3: memref<10240x80xf32, #tpu.memory_space<vmem>>, %arg4: memref<10240x1xf32, #tpu.memory_space<vmem>>) attributes {dimension_semantics = [], scalar_prefetch = 0 : i64, scratch_operands = 0 : i64, tpu.core_type = #tpu.core_type<tc>} {
    %get3A = arith.constant 0 : index
    %get3A_0 = arith.constant 0 : index
    %get3A_1 = vector.load %arg2[%get3A, %get3A_0] : memref<10240x2xf32, #tpu.memory_space<vmem>>, vector<10240x1xf32>
    %get3A_2 = arith.constant 0 : index
    %get3A_3 = arith.constant 1 : index
    %get3A_4 = vector.load %arg2[%get3A_2, %get3A_3] : memref<10240x2xf32, #tpu.memory_space<vmem>>, vector<10240x1xf32>
    %add3A = arith.addf %get3A_1, %get3A_4 : vector<10240x1xf32>
    %add3A_5 = arith.constant 1.000000e+00 : f32
    %add3A_6 = vector.broadcast %add3A_5 : f32 to vector<10240x1xf32>
    %add3A_7 = arith.addf %add3A, %add3A_6 : vector<10240x1xf32>
    %rsqrt3A = math.rsqrt %add3A_7 : vector<10240x1xf32>
    %get3A_8 = arith.constant 0 : index
    %get3A_9 = arith.constant 0 : index
    %get3A_10 = vector.load %arg0[%get3A_8, %get3A_9] : memref<10240x128xf32, #tpu.memory_space<vmem>>, vector<10240x128xf32>
    %get3A_11 = arith.constant 0 : index
    %get3A_12 = arith.constant 0 : index
    %get3A_13 = vector.load %arg1[%get3A_11, %get3A_12] : memref<128x80xf32, #tpu.memory_space<vmem>>, vector<128x80xf32>
    %dot_general3A = arith.constant dense<0.000000e+00> : vector<10240x80xf32>
    %dot_general3A_14 = tpu.matmul %get3A_10, %get3A_13, %dot_general3A {dimension_numbers = #tpu.dot_dimension_numbers<[1], [0], [0], [1], [0, 0, 1, 1], [], []>, transpose_lhs_hint = false} : vector<10240x128xf32>, vector<128x80xf32>, vector<10240x80xf32> -> vector<10240x80xf32>
    %mul3A = vector.broadcast %rsqrt3A : vector<10240x1xf32> to vector<10240x80xf32>
    %mul3A_15 = arith.mulf %dot_general3A_14, %mul3A : vector<10240x80xf32>
    %swap3A = arith.constant 0 : index
    %swap3A_16 = arith.constant 0 : index
    %swap3A_17 = vector.load %arg3[%swap3A, %swap3A_16] : memref<10240x80xf32, #tpu.memory_space<vmem>>, vector<10240x80xf32>
    tpu.vector_store %arg3[%swap3A, %swap3A_16], %mul3A_15 {strides = array<i32>} : memref<10240x80xf32, #tpu.memory_space<vmem>>, vector<10240x80xf32>,
    %swap3A_18 = arith.constant 0 : index
    %swap3A_19 = arith.constant 0 : index
    %swap3A_20 = vector.load %arg4[%swap3A_18, %swap3A_19] : memref<10240x1xf32, #tpu.memory_space<vmem>>, vector<10240x1xf32>
    tpu.vector_store %arg4[%swap3A_18, %swap3A_19], %rsqrt3A {strides = array<i32>} : memref<10240x1xf32, #tpu.memory_space<vmem>>, vector<10240x1xf32>,
    return
  }
}

module attributes {stable_mosaic.version = 14 : i64} {
  func.func @body(%arg0: memref<10240x80xf32, #tpu.memory_space<vmem>>, %arg1: memref<10240x80xf32, #tpu.memory_space<vmem>>, %arg2: memref<10240x80xf32, #tpu.memory_space<vmem>>, %arg3: memref<10240x1xf32, #tpu.memory_space<vmem>>, %arg4: memref<1x80xf32, #tpu.memory_space<vmem>>, %arg5: memref<80x8xf32, #tpu.memory_space<vmem>>, %arg6: memref<10240x8xf32, #tpu.memory_space<vmem>>) attributes {dimension_semantics = [], scalar_prefetch = 0 : i64, scratch_operands = 0 : i64, tpu.core_type = #tpu.core_type<tc>} {
    %get3A = arith.constant 0 : index
    %get3A_0 = arith.constant 0 : index
    %get3A_1 = vector.load %arg0[%get3A, %get3A_0] : memref<10240x80xf32, #tpu.memory_space<vmem>>, vector<10240x80xf32>
    %get3A_2 = arith.constant 0 : index
    %get3A_3 = arith.constant 0 : index
    %get3A_4 = vector.load %arg1[%get3A_2, %get3A_3] : memref<10240x80xf32, #tpu.memory_space<vmem>>, vector<10240x80xf32>
    %add3A = arith.addf %get3A_1, %get3A_4 : vector<10240x80xf32>
    %get3A_5 = arith.constant 0 : index
    %get3A_6 = arith.constant 0 : index
    %get3A_7 = vector.load %arg2[%get3A_5, %get3A_6] : memref<10240x80xf32, #tpu.memory_space<vmem>>, vector<10240x80xf32>
    %add3A_8 = arith.addf %add3A, %get3A_7 : vector<10240x80xf32>
    %get3A_9 = arith.constant 0 : index
    %get3A_10 = arith.constant 0 : index
    %get3A_11 = vector.load %arg3[%get3A_9, %get3A_10] : memref<10240x1xf32, #tpu.memory_space<vmem>>, vector<10240x1xf32>
    %mul3A = vector.broadcast %get3A_11 : vector<10240x1xf32> to vector<10240x80xf32>
    %mul3A_12 = arith.mulf %mul3A, %add3A_8 : vector<10240x80xf32>
    %get3A_13 = arith.constant 0 : index
    %get3A_14 = arith.constant 0 : index
    %get3A_15 = vector.load %arg4[%get3A_13, %get3A_14] : memref<1x80xf32, #tpu.memory_space<vmem>>, vector<1x80xf32>
    %add3A_16 = vector.broadcast %get3A_15 : vector<1x80xf32> to vector<10240x80xf32>
    %add3A_17 = arith.addf %mul3A_12, %add3A_16 : vector<10240x80xf32>
    %tanh3A = math.tanh %add3A_17 : vector<10240x80xf32>
    %iota3A = tpu.iota {dimensions = array<i32: 0>} : vector<10240x1xi32>
    %lt3A = arith.constant 10000 : i32
    %lt3A_18 = vector.broadcast %lt3A : i32 to vector<10240x1xi32>
    %lt3A_19 = arith.cmpi slt, %iota3A, %lt3A_18 : vector<10240x1xi32>
    %jit3A = arith.constant 0.000000e+00 : f32
    %broadcast_in_dim3A = vector.shape_cast %lt3A_19 : vector<10240x1xi1> to vector<10240x1xi1>
    %broadcast_in_dim3A_20 = vector.broadcast %broadcast_in_dim3A : vector<10240x1xi1> to vector<10240x80xi1>
    %broadcast_in_dim3A_21 = vector.broadcast %jit3A : f32 to vector<10240x80xf32>
    %select_n3A = arith.select %broadcast_in_dim3A_20, %tanh3A, %broadcast_in_dim3A_21 : vector<10240x80xi1>, vector<10240x80xf32>
    %get3A_22 = arith.constant 0 : index
    %get3A_23 = arith.constant 0 : index
    %get3A_24 = vector.load %arg3[%get3A_22, %get3A_23] : memref<10240x1xf32, #tpu.memory_space<vmem>>, vector<10240x1xf32>
    %get3A_25 = arith.constant 0 : index
    %get3A_26 = arith.constant 0 : index
    %get3A_27 = vector.load %arg5[%get3A_25, %get3A_26] : memref<80x8xf32, #tpu.memory_space<vmem>>, vector<80x8xf32>
    %dot_general3A = arith.constant dense<0.000000e+00> : vector<10240x8xf32>
    %dot_general3A_28 = tpu.matmul %select_n3A, %get3A_27, %dot_general3A {dimension_numbers = #tpu.dot_dimension_numbers<[1], [0], [0], [1], [0, 0, 1, 1], [], []>, transpose_lhs_hint = false} : vector<10240x80xf32>, vector<80x8xf32>, vector<10240x8xf32> -> vector<10240x8xf32>
    %mul3A_29 = vector.broadcast %get3A_24 : vector<10240x1xf32> to vector<10240x8xf32>
    %mul3A_30 = arith.mulf %mul3A_29, %dot_general3A_28 : vector<10240x8xf32>
    %swap3A = arith.constant 0 : index
    %swap3A_31 = arith.constant 0 : index
    %swap3A_32 = vector.load %arg6[%swap3A, %swap3A_31] : memref<10240x8xf32, #tpu.memory_space<vmem>>, vector<10240x8xf32>
    tpu.vector_store %arg6[%swap3A, %swap3A_31], %mul3A_30 {strides = array<i32>} : memref<10240x8xf32, #tpu.memory_space<vmem>>, vector<10240x8xf32>,
    return
  }
}

module attributes {stable_mosaic.version = 14 : i64} {
  func.func @body(%arg0: memref<10240x8xf32, #tpu.memory_space<vmem>>, %arg1: memref<10240x8xf32, #tpu.memory_space<vmem>>, %arg2: memref<10240x8xf32, #tpu.memory_space<vmem>>, %arg3: memref<10240x1xf32, #tpu.memory_space<vmem>>, %arg4: memref<1x8xf32, #tpu.memory_space<vmem>>, %arg5: memref<8x8xf32, #tpu.memory_space<vmem>>, %arg6: memref<10240x8xf32, #tpu.memory_space<vmem>>) attributes {dimension_semantics = [], scalar_prefetch = 0 : i64, scratch_operands = 0 : i64, tpu.core_type = #tpu.core_type<tc>} {
    %get3A = arith.constant 0 : index
    %get3A_0 = arith.constant 0 : index
    %get3A_1 = vector.load %arg0[%get3A, %get3A_0] : memref<10240x8xf32, #tpu.memory_space<vmem>>, vector<10240x8xf32>
    %get3A_2 = arith.constant 0 : index
    %get3A_3 = arith.constant 0 : index
    %get3A_4 = vector.load %arg1[%get3A_2, %get3A_3] : memref<10240x8xf32, #tpu.memory_space<vmem>>, vector<10240x8xf32>
    %add3A = arith.addf %get3A_1, %get3A_4 : vector<10240x8xf32>
    %get3A_5 = arith.constant 0 : index
    %get3A_6 = arith.constant 0 : index
    %get3A_7 = vector.load %arg2[%get3A_5, %get3A_6] : memref<10240x8xf32, #tpu.memory_space<vmem>>, vector<10240x8xf32>
    %add3A_8 = arith.addf %add3A, %get3A_7 : vector<10240x8xf32>
    %get3A_9 = arith.constant 0 : index
    %get3A_10 = arith.constant 0 : index
    %get3A_11 = vector.load %arg3[%get3A_9, %get3A_10] : memref<10240x1xf32, #tpu.memory_space<vmem>>, vector<10240x1xf32>
    %mul3A = vector.broadcast %get3A_11 : vector<10240x1xf32> to vector<10240x8xf32>
    %mul3A_12 = arith.mulf %mul3A, %add3A_8 : vector<10240x8xf32>
    %get3A_13 = arith.constant 0 : index
    %get3A_14 = arith.constant 0 : index
    %get3A_15 = vector.load %arg4[%get3A_13, %get3A_14] : memref<1x8xf32, #tpu.memory_space<vmem>>, vector<1x8xf32>
    %add3A_16 = vector.broadcast %get3A_15 : vector<1x8xf32> to vector<10240x8xf32>
    %add3A_17 = arith.addf %mul3A_12, %add3A_16 : vector<10240x8xf32>
    %tanh3A = math.tanh %add3A_17 : vector<10240x8xf32>
    %iota3A = tpu.iota {dimensions = array<i32: 0>} : vector<10240x1xi32>
    %lt3A = arith.constant 10000 : i32
    %lt3A_18 = vector.broadcast %lt3A : i32 to vector<10240x1xi32>
    %lt3A_19 = arith.cmpi slt, %iota3A, %lt3A_18 : vector<10240x1xi32>
    %jit3A = arith.constant 0.000000e+00 : f32
    %broadcast_in_dim3A = vector.shape_cast %lt3A_19 : vector<10240x1xi1> to vector<10240x1xi1>
    %broadcast_in_dim3A_20 = vector.broadcast %broadcast_in_dim3A : vector<10240x1xi1> to vector<10240x8xi1>
    %broadcast_in_dim3A_21 = vector.broadcast %jit3A : f32 to vector<10240x8xf32>
    %select_n3A = arith.select %broadcast_in_dim3A_20, %tanh3A, %broadcast_in_dim3A_21 : vector<10240x8xi1>, vector<10240x8xf32>
    %get3A_22 = arith.constant 0 : index
    %get3A_23 = arith.constant 0 : index
    %get3A_24 = vector.load %arg3[%get3A_22, %get3A_23] : memref<10240x1xf32, #tpu.memory_space<vmem>>, vector<10240x1xf32>
    %get3A_25 = arith.constant 0 : index
    %get3A_26 = arith.constant 0 : index
    %get3A_27 = vector.load %arg5[%get3A_25, %get3A_26] : memref<8x8xf32, #tpu.memory_space<vmem>>, vector<8x8xf32>
    %dot_general3A = arith.constant dense<0.000000e+00> : vector<10240x8xf32>
    %dot_general3A_28 = tpu.matmul %select_n3A, %get3A_27, %dot_general3A {dimension_numbers = #tpu.dot_dimension_numbers<[1], [0], [0], [1], [0, 0, 1, 1], [], []>, transpose_lhs_hint = false} : vector<10240x8xf32>, vector<8x8xf32>, vector<10240x8xf32> -> vector<10240x8xf32>
    %mul3A_29 = vector.broadcast %get3A_24 : vector<10240x1xf32> to vector<10240x8xf32>
    %mul3A_30 = arith.mulf %mul3A_29, %dot_general3A_28 : vector<10240x8xf32>
    %swap3A = arith.constant 0 : index
    %swap3A_31 = arith.constant 0 : index
    %swap3A_32 = vector.load %arg6[%swap3A, %swap3A_31] : memref<10240x8xf32, #tpu.memory_space<vmem>>, vector<10240x8xf32>
    tpu.vector_store %arg6[%swap3A, %swap3A_31], %mul3A_30 {strides = array<i32>} : memref<10240x8xf32, #tpu.memory_space<vmem>>, vector<10240x8xf32>,
    return
  }
}

module attributes {stable_mosaic.version = 14 : i64} {
  func.func @body(%arg0: memref<10240x8xf32, #tpu.memory_space<vmem>>, %arg1: memref<10240x8xf32, #tpu.memory_space<vmem>>, %arg2: memref<10240x8xf32, #tpu.memory_space<vmem>>, %arg3: memref<10240x1xf32, #tpu.memory_space<vmem>>, %arg4: memref<1x8xf32, #tpu.memory_space<vmem>>, %arg5: memref<8x12xf32, #tpu.memory_space<vmem>>, %arg6: memref<1x12xf32, #tpu.memory_space<vmem>>, %arg7: memref<10240x8xf32, #tpu.memory_space<vmem>>, %arg8: memref<10240x12xf32, #tpu.memory_space<vmem>>) attributes {dimension_semantics = [], scalar_prefetch = 0 : i64, scratch_operands = 0 : i64, tpu.core_type = #tpu.core_type<tc>} {
    %get3A = arith.constant 0 : index
    %get3A_0 = arith.constant 0 : index
    %get3A_1 = vector.load %arg0[%get3A, %get3A_0] : memref<10240x8xf32, #tpu.memory_space<vmem>>, vector<10240x8xf32>
    %get3A_2 = arith.constant 0 : index
    %get3A_3 = arith.constant 0 : index
    %get3A_4 = vector.load %arg1[%get3A_2, %get3A_3] : memref<10240x8xf32, #tpu.memory_space<vmem>>, vector<10240x8xf32>
    %add3A = arith.addf %get3A_1, %get3A_4 : vector<10240x8xf32>
    %get3A_5 = arith.constant 0 : index
    %get3A_6 = arith.constant 0 : index
    %get3A_7 = vector.load %arg2[%get3A_5, %get3A_6] : memref<10240x8xf32, #tpu.memory_space<vmem>>, vector<10240x8xf32>
    %add3A_8 = arith.addf %add3A, %get3A_7 : vector<10240x8xf32>
    %get3A_9 = arith.constant 0 : index
    %get3A_10 = arith.constant 0 : index
    %get3A_11 = vector.load %arg3[%get3A_9, %get3A_10] : memref<10240x1xf32, #tpu.memory_space<vmem>>, vector<10240x1xf32>
    %mul3A = vector.broadcast %get3A_11 : vector<10240x1xf32> to vector<10240x8xf32>
    %mul3A_12 = arith.mulf %mul3A, %add3A_8 : vector<10240x8xf32>
    %get3A_13 = arith.constant 0 : index
    %get3A_14 = arith.constant 0 : index
    %get3A_15 = vector.load %arg4[%get3A_13, %get3A_14] : memref<1x8xf32, #tpu.memory_space<vmem>>, vector<1x8xf32>
    %add3A_16 = vector.broadcast %get3A_15 : vector<1x8xf32> to vector<10240x8xf32>
    %add3A_17 = arith.addf %mul3A_12, %add3A_16 : vector<10240x8xf32>
    %tanh3A = math.tanh %add3A_17 : vector<10240x8xf32>
    %iota3A = tpu.iota {dimensions = array<i32: 0>} : vector<10240x1xi32>
    %lt3A = arith.constant 10000 : i32
    %lt3A_18 = vector.broadcast %lt3A : i32 to vector<10240x1xi32>
    %lt3A_19 = arith.cmpi slt, %iota3A, %lt3A_18 : vector<10240x1xi32>
    %jit3A = arith.constant 0.000000e+00 : f32
    %broadcast_in_dim3A = vector.shape_cast %lt3A_19 : vector<10240x1xi1> to vector<10240x1xi1>
    %broadcast_in_dim3A_20 = vector.broadcast %broadcast_in_dim3A : vector<10240x1xi1> to vector<10240x8xi1>
    %broadcast_in_dim3A_21 = vector.broadcast %jit3A : f32 to vector<10240x8xf32>
    %select_n3A = arith.select %broadcast_in_dim3A_20, %tanh3A, %broadcast_in_dim3A_21 : vector<10240x8xi1>, vector<10240x8xf32>
    %swap3A = arith.constant 0 : index
    %swap3A_22 = arith.constant 0 : index
    %swap3A_23 = vector.load %arg7[%swap3A, %swap3A_22] : memref<10240x8xf32, #tpu.memory_space<vmem>>, vector<10240x8xf32>
    tpu.vector_store %arg7[%swap3A, %swap3A_22], %select_n3A {strides = array<i32>} : memref<10240x8xf32, #tpu.memory_space<vmem>>, vector<10240x8xf32>,
    %get3A_24 = arith.constant 0 : index
    %get3A_25 = arith.constant 0 : index
    %get3A_26 = vector.load %arg5[%get3A_24, %get3A_25] : memref<8x12xf32, #tpu.memory_space<vmem>>, vector<8x12xf32>
    %dot_general3A = arith.constant dense<0.000000e+00> : vector<10240x12xf32>
    %dot_general3A_27 = tpu.matmul %select_n3A, %get3A_26, %dot_general3A {dimension_numbers = #tpu.dot_dimension_numbers<[1], [0], [0], [1], [0, 0, 1, 1], [], []>, transpose_lhs_hint = false} : vector<10240x8xf32>, vector<8x12xf32>, vector<10240x12xf32> -> vector<10240x12xf32>
    %get3A_28 = arith.constant 0 : index
    %get3A_29 = arith.constant 0 : index
    %get3A_30 = vector.load %arg6[%get3A_28, %get3A_29] : memref<1x12xf32, #tpu.memory_space<vmem>>, vector<1x12xf32>
    %add3A_31 = vector.broadcast %get3A_30 : vector<1x12xf32> to vector<10240x12xf32>
    %add3A_32 = arith.addf %dot_general3A_27, %add3A_31 : vector<10240x12xf32>
    %swap3A_33 = arith.constant 0 : index
    %swap3A_34 = arith.constant 0 : index
    %swap3A_35 = vector.load %arg8[%swap3A_33, %swap3A_34] : memref<10240x12xf32, #tpu.memory_space<vmem>>, vector<10240x12xf32>
    tpu.vector_store %arg8[%swap3A_33, %swap3A_34], %add3A_32 {strides = array<i32>} : memref<10240x12xf32, #tpu.memory_space<vmem>>, vector<10240x12xf32>,
    return
  }
}

</mosaic_0001>

<sc_bundles>
// kernel: kernel.10.cloned.1.call-start
scs
__scs_entry_jumppad:
0x0: {  	(pc) =	sbr.rel $0x88, $3  }
0x1: {  	(tag) =	ssettag $0x0;
	lr =	simm.s32 $0x1  }
0x2: {  	[smem:$0x3F97] =	sst lr;
	_ =	strace $0xD0000000  }
0x3: {  	_ = 	snop  }
0x4: {  	_ = 	snop  }
0x5: {  	_ = 	snop  }
0x6: {  	_ = 	snop  }
0x7: {  	_ = 	snop  }
__scs_overlays_trampoline_lowered:
0x8: {  	[smem:$0x3FA6] =	sst s0  }
0x9: {  	[smem:$0x3FA7] =	sst s1  }
0xa: {  	[smem:$0x3FA8] =	sst s2  }
0xb: {  	[smem:$0x3FA9] =	sst s3  }
0xc: {  	[smem:$0x3FAA] =	sst s4  }
0xd: {  	[smem:$0x3FAB] =	sst s5  }
0xe: {  	[smem:$0x3FAC] =	sst s6  }
0xf: {  	[smem:$0x3FAD] =	sst s7  }
0x10: {  	[smem:$0x3FAE] =	sst s8  }
0x11: {  	[smem:$0x3FAF] =	sst s9;
	s0 =	simm.s32 @!p0 $0x0  }
0x12: {  	s1 =	sld [smem:$0x3F95];
	s0 =	simm.s32 @p0 $0x1  }
0x13: {  	[smem:$0x3FB0] =	sst s0;
	s0 =	simm.s32 @!p1 $0x0  }
0x14: {  	s2 =	sld [smem:$0x3F94];
	s0 =	simm.s32 @p1 $0x1  }
0x15: {  	[smem:$0x3FB1] =	sst s0;
	s0 =	simm.s32 @!p2 $0x0  }
0x16: {  	s3 =	sld [smem:$0x3FDB];
	s0 =	simm.s32 @p2 $0x1  }
0x17: {  	s4 =	simm.s32 $0x1BF5;
	[smem:$0x3FB3] =	sst s0  }
0x18: {  	s0 =	sld [smem:$0x3F96];
	_ =	swait.ge [sflag:s4], $0x0  }
0x19: {  	s7 =	sld [smem:$0x3F97]  }
0x1a: {  	s8 =	sadd.s32 $0xFFFFE003, lr  }
0x1b: {  	s9 =	sadd.s32 $0xFFFFFEF7, lr;
	s5 =	simm.s32 $0xFFFFFFFF;
	p2 =	slt.u32 s8, $0xFFFFF086  }
0x1c: {  	p1 =	slt.u32 s9, $0xF7A;
	s5 =	simm.s32 @!p2 $0x0  }
0x1d: {  	s5 =	simm.s32 @p1 $0x1;
	p0 =	seq.s32 s7, s2  }
0x1e: {  	s7 =	smul.u32 @!p0 $0xF7A, s2;
	p2 =	seq.s32 @!p0 s5, $0x0  }
0x1f: {  	s9 =	smul.u32 $0xF7A, s1;
	s8 =	simm.s32 @!p0 $0x1BF5;
	p2 =	por !p2, p0  }
0x20: {  	[sflag:s8] =	ssyncset.s32 @!p0 $0xFFFFF086;
	s6 =	sadd.s32 @!p0 s3, s7;
	s7 =	simm.s32 @!p0 $0x108  }
0x21: {  	s3 =	sadd.s32 s3, s9;
	s6 =	sadd.s32 @!p0 $0x88, s6;
	s7 =	simm.s32 @p2 $0x1082  }
0x22: {  	[simem:s7], [sflag:s8] =	dma.local @!p0 [hbm:s6], $0xF7A  }
0x23: {  	s9 =	sor.u32 $0xD0000000, s2;
	s6 =	simm.s32 $0x108;
	_ =	swait.ge @!p0 [sflag:s8], $0x0  }
0x24: {  	s3 =	sadd.s32 $0x88, s3;
	s6 =	simm.s32 @!p1 $0x1082;
	[sflag:s4] =	ssyncset.s32 $0xFFFFF086  }
0x25: {  	[simem:s6], [sflag:s4] =	dma.local [hbm:s3], $0xF7A  }
0x26: {  	[smem:$0x3F97] =	sst s1;
	(tag) =	ssettag s2;
	_ =	strace s9  }
0x27: {  	s1 =	sld [smem:$0x3FA7]  }
0x28: {  	s2 =	sld [smem:$0x3FA8]  }
0x29: {  	s4 =	sld [smem:$0x3FAA]  }
0x2a: {  	p0 =	seq.s32 s5, $0x0;
	s5 =	sld [smem:$0x3FAB]  }
0x2b: {  	s6 =	sld [smem:$0x3FAC]  }
0x2c: {  	s7 =	sld [smem:$0x3FAD]  }
0x2d: {  	s3 =	simm.s32 $0x108;
	s8 =	sld [smem:$0x3FAE]  }
0x2e: {  	s3 =	simm.s32 @!p0 $0x1082;
	s9 =	sld [smem:$0x3FAF]  }
0x2f: {  	lr =	sadd.s32 s0, s3;
	s0 =	sld [smem:$0x3FA6]  }
0x30: {  	s3 =	sld [smem:$0x3FA9]  }
0x31: {  	[smem:$0x3FB2] =	sst s10  }
0x32: {  	s10 =	sld [smem:$0x3FB0];
	_ =	sdelay $0x3  }
0x33: {  	p0 =	seq.s32 s10, $0x1;
	s10 =	sld [smem:$0x3FB2];
	_ =	sdelay $0x3  }
0x34: {  	[smem:$0x3FB2] =	sst s10  }
0x35: {  	s10 =	sld [smem:$0x3FB1];
	_ =	sdelay $0x3  }
0x36: {  	p1 =	seq.s32 s10, $0x1;
	s10 =	sld [smem:$0x3FB2];
	_ =	sdelay $0x3  }
0x37: {  	[smem:$0x3FB2] =	sst s10  }
0x38: {  	s10 =	sld [smem:$0x3FB3]  }
0x39: {  	_ = 	snop;
	(pc) =	sbr.ind lr, $3  }
0x3a: {  	_ = 	snop  }
0x3b: {  	_ = 	snop  }
0x3c: {  	p2 =	seq.s32 s10, $0x1;
	s10 =	sld [smem:$0x3FB2]  }
0x3d: {  	_ =	shalt  }
0x3e: {  	_ =	shalt  }
0x3f: {  	_ =	shalt  }
0x40: {  	_ =	shalt  }
0x41: {  	_ =	shalt  }
0x42: {  	_ =	shalt  }
0x43: {  	_ =	shalt  }
0x44: {  	_ =	shalt  }
0x45: {  	_ =	shalt  }
0x46: {  	_ =	shalt  }
0x47: {  	_ =	shalt  }
0x48: {  	_ =	shalt  }
0x49: {  	_ =	shalt  }
0x4a: {  	_ =	shalt  }
0x4b: {  	_ =	shalt  }
0x4c: {  	_ =	shalt  }
0x4d: {  	_ =	shalt  }
0x4e: {  	_ =	shalt  }
0x4f: {  	_ =	shalt  }
0x50: {  	_ =	shalt  }
0x51: {  	_ =	shalt  }
0x52: {  	_ =	shalt  }
0x53: {  	_ =	shalt  }
0x54: {  	_ =	shalt  }
0x55: {  	_ =	shalt  }
0x56: {  	_ =	shalt  }
0x57: {  	_ =	shalt  }
0x58: {  	_ =	shalt  }
0x59: {  	_ =	shalt  }
0x5a: {  	_ =	shalt  }
0x5b: {  	_ =	shalt  }
0x5c: {  	_ =	shalt  }
0x5d: {  	_ =	shalt  }
0x5e: {  	_ =	shalt  }
0x5f: {  	_ =	shalt  }
0x60: {  	_ =	shalt  }
0x61: {  	_ =	shalt  }
0x62: {  	_ =	shalt  }
0x63: {  	_ =	shalt  }
0x64: {  	_ =	shalt  }
0x65: {  	_ =	shalt  }
0x66: {  	_ =	shalt  }
0x67: {  	_ =	shalt  }
0x68: {  	_ =	shalt  }
0x69: {  	_ =	shalt  }
0x6a: {  	_ =	shalt  }
0x6b: {  	_ =	shalt  }
0x6c: {  	_ =	shalt  }
0x6d: {  	_ =	shalt  }
0x6e: {  	_ =	shalt  }
0x6f: {  	_ =	shalt  }
0x70: {  	_ =	shalt  }
0x71: {  	_ =	shalt  }
0x72: {  	_ =	shalt  }
0x73: {  	_ =	shalt  }
0x74: {  	_ =	shalt  }
0x75: {  	_ =	shalt  }
0x76: {  	_ =	shalt  }
0x77: {  	_ =	shalt  }
0x78: {  	_ =	shalt  }
0x79: {  	_ =	shalt  }
0x7a: {  	_ =	shalt  }
0x7b: {  	_ =	shalt  }
0x7c: {  	_ =	shalt  }
0x7d: {  	_ =	shalt  }
0x7e: {  	_ =	shalt  }
0x7f: {  	_ =	shalt  }
0x80: {  	_ =	shalt  }
0x81: {  	_ =	shalt  }
0x82: {  	_ =	shalt  }
0x83: {  	_ =	shalt  }
0x84: {  	_ =	shalt  }
0x85: {  	_ =	shalt  }
0x86: {  	_ =	shalt  }
0x87: {  	_ =	shalt  }
.Lfunc_end0:
.L_simem_size_0:
called_computation_lowered:
.L_overlay_start_0:
0x88: {  	s2 =	sld [smem:$0x3FD9]  }
0x89: {  	s3 =	sld [smem:$0x3FFE];
	_ =	sdelay $0x1  }
0x8a: {  	s1 =	srdreg.scid  }
0x8b: {  	s0 =	sand.u32 $0x1, s1  }
0x8c: {  	s14 =	sshll.u32 s0, $0xA;
	s2 =	sadd.s32 s3, s2  }
0x8d: {  	s2 =	sadd.s32 s2, s14  }
0x8e: {  	[smem:$0x3FBE] =	sst s2  }
0x8f: {  	_ = 	snop  }
0x90: {  	s2 =	sld [smem:$0x3FD0];
	_ =	sdelay $0x2  }
0x91: {  	s15 =	simm.s32 $0xA;
	s4 =	simm.s32 $0x10  }
0x92: {  	[smem:s4], [sflag:s15] =	dma.local [hbm:s2], $0x1  }
0x93: {  	_ =	swait.eq [sflag:s15], $0x1  }
0x94: {  	[sflag:s15] =	ssyncset.done $0x0  }
0x95: {  	s16 =	sld [smem:$0x10];
	[sflag:s15] =	ssyncadd.s32 $0xFFFFFFFF  }
0x96: {  	s17 =	sld [smem:$0x11];
	(tm) =	ssettm $0x1  }
0x97: {  	s18 =	sld [smem:$0x3FFB];
	_ =	sdelay $0x3  }
0x98: {  	_ =	strace s18  }
0x99: {  	s4 =	sld [smem:$0x3FFC];
	_ =	sdelay $0x3  }
0x9a: {  	_ =	strace s4  }
0x9b: {  	s4 =	sld [smem:$0x3FFD];
	_ =	sdelay $0x3  }
0x9c: {  	_ =	strace s4  }
0x9d: {  	_ =	strace $0x8FFFFFFF  }
0x9e: {  	s19 =	sld [smem:$0x3FDB];
	_ =	sdelay $0x1  }
0x9f: {  	s5 =	simm.s32 $_scs_section_size  }
0xa0: {  	s6 =	simm.s32 $_size__tile_overlayer_lowered;
	s7 =	simm.s32 $_tile_overlayer_lowered  }
0xa1: {  	s22 =	simm.s32 $0x1BFF;
	s21 =	sshll.u32 s7, $0x1;
	s4 =	sadd.s32 s5, s19  }
0xa2: {  	s8 =	simm.s32 $0x0;
	s20 =	sshll.u32 s6, $0x1;
	s6 =	sadd.s32 s21, s4  }
0xa3: {  	[timem:s8], [sflag:s22] =	dma.local [hbm:s6], s20  }
0xa4: {  	_ =	swait.ge [sflag:s22], s20  }
0xa5: {  	s5 =	ssub.s32 $0x0, s20;
	[sflag:s22] =	ssyncset.done $0x0  }
0xa6: {  	[sflag:s22] =	ssyncadd.s32 s5;
	_ =	sdelay $0x1  }
0xa7: {  	s23 =	simm.s32 $0x1B8B  }
0xa8: {  	_ =	swait.ge [sflag:s23], $0x1  }
0xa9: {  	[sflag:s23] =	ssyncset.done $0x0  }
0xaa: {  	s25 =	simm.s32 $0x1B8E;
	s24 =	sld [smem:$0x3FFE];
	[sflag:s23] =	ssyncadd.s32 $0xFFFFFFFF  }
0xab: {  	s26 =	simm.s32 $execute0_lowered;
	[smem:$0x3FD2] =	sst s25  }
0xac: {  	s6 =	sshll.u32 s26, $0x1;
	_ =	strace $0x80000046;
	[dreg:$0x1] =	wrdreg $0xFFFFFFFF  }
0xad: {  	s28 =	simm.s32 $_size_execute0_lowered;
	s4 =	sadd.s32 s4, s6;
	[dreg:$0x0] =	wrdreg $0x0  }
0xae: {  	s6 =	sshll.u32 s28, $0x1;
	[dreg:$0x2] =	wrdreg s4  }
0xaf: {  	[dreg:$0x3] =	wrdreg s6  }
0xb0: {  	[dreg:$0x4] =	wrdreg $0xC0  }
0xb1: {  	_ =	task [dreg:s8], $0x5FFFF  }
0xb2: {  	[dreg:$0x1] =	wrdreg $0xFFFFFFFF  }
0xb3: {  	[dreg:$0x0] =	wrdreg $0x60  }
0xb4: {  	[dreg:$0x2] =	wrdreg s24  }
0xb5: {  	[dreg:$0x3] =	wrdreg s16  }
0xb6: {  	[dreg:$0x4] =	wrdreg s17  }
0xb7: {  	[dreg:$0x5] =	wrdreg $0x4F000  }
0xb8: {  	[dreg:$0x6] =	wrdreg $0x9  }
0xb9: {  	_ =	task.clear_ibuf [dreg:s8], $0x7FFFF;
	_ =	strace $0x90000046  }
0xba: {  	s29 =	simm.s32 $0x9;
	_ =	strace $0x80000048  }
0xbb: {  	_ =	swait.ge [sflag:s29], $0x1  }
0xbc: {  	[sflag:s29] =	ssyncadd.s32 $0xFFFFFFFF  }
0xbd: {  	_ =	strace $0x90000048  }
0xbe: {  	_ =	sfence  }
0xbf: {  	s30 =	sld [smem:$0x0];
	_ =	sdelay $0x2  }
0xc0: {  	s31 =	sshll.u32 s1, $0xD;
	s1 =	sshrl.u32 s1, $0x2  }
0xc1: {  	s3 =	sand.u32 $0x4000, s31;
	s1 =	sadd.s32 s1, s30  }
0xc2: {  	s0 =	sor.u32 s3, s0;
	s1 =	sshll.u32 s1, $0x11  }
0xc3: {  	s0 =	sor.u32 s1, s0  }
0xc4: {  	s0 =	sadd.s32 $0x8F2B, s0  }
0xc5: {  	[sflag:s0] =	ssyncadd.remote.s32 $0x1  }
0xc6: {  	_ =	sfence.sel $0xFFFF  }
0xc7: {  	[dreg:$0x0] =	wrdreg $0xFFFFFFFF;
	(pc) =	sbr.abs _section_cstart, $3  }
0xc8: {  	[dreg:$0x1] =	wrdreg $0xFFFFFFFF  }
0xc9: {  	_ =	task.clear_ibuf [dreg:s8], $0x2FFFF;
	_ =	strace $0x9FFFFFFF  }
0xca: {  	(tm) =	ssettm $0x7FFFFFFF  }
0xcb: {  	_ =	shalt  }
tec
execute0_lowered:
.L_overlay_start_1:
0x0: {  	(tag) =	ssettag $0x1  }
0x1: {  	s4 =	rddreg [dreg:$0x0]  }
0x2: {  	s5 =	rddreg [dreg:$0x1]  }
0x3: {  	s7 =	rddreg [dreg:$0x2]  }
0x4: {  	s0 =	srdreg.scid;
	s2 =	rddreg [dreg:$0x3]  }
0x5: {  	s12 =	simm.s32 $0x4E80;
	s6 =	sand.u32 $0x1, s0;
	s0 =	stileid.u32  }
0x6: {  	s13 =	simm.s32 $0x0;
	s1 =	sshll.u32 s6, $0x4;
	s10 =	smul.u32 $0x280, s0  }
0x7: {  	s9 =	ssub.s32 $0x2, s6;
	s6 =	smul.u32 $0x2800, s6;
	s31 =	sshll.u32 s0, $0x6  }
0x8: {  	s3 =	sor.u32 s0, s1;
	s1 =	rddreg [dreg:$0x4];
	s11 =	sshrl.u32 s9, $0x1  }
0x9: {  	s8 =	smul.u32 $0x9D0, s3;
	s3 =	simm.s32 $0x0;
	s29 =	ssub.s32 s9, s11  }
0xa: {  	s30 =	sshrl.u32 s10, $0x3;
	s6 =	sadd.s32 s10, s6;
	s10 =	sadd.s32 s10, s2  }
0xb: {  	s9 =	sor.u32 $0x1C01, s31;
	s11 =	simm.s32 $0x80;
	[smem:$0x7FF] =	sst s3  }
0xc: {  	s5 =	sadd.s32 s5, s30;
	s6 =	sshrl.u32 s6, $0x3;
	s10 =	sshrl.u32 s10, $0x3  }
0xd: {  	_ =	strace $0x80000047;
	s4 =	sadd.s32 s8, s4;
	s6 =	sadd.s32 s7, s6  }
0xe: {  	v0 =	vimm.f32 $1.000000000e+00;
	s7 =	smax.u32 s29, $0x1;
	s8 =	simm.s32 $0x1;
	s4 =	sadd.s32 $0x4200, s4  }
.LBB2_1:
0xf: {  	[tilespmem:s3], [sflag:$0x1] =	stream.linear.gather [hbm4b:s4+s3], $0x4E80, $0x38;
	[tilespmem:$0x5180] =	vst v63  }
0x10: {  	_ =	swait.ge [sflag:s8], $0x4E80  }
0x11: {  	[sflag:s8] =	ssyncset.done $0x0  }
0x12: {  	[sflag:s8] =	ssyncadd.s32 $0xFFFFB180  }
0x13: {  	[tilespmem:$0x4E80] =	vst v0  }
0x14: {  	[tilespmem:$0x4E90] =	vst v0  }
0x15: {  	[tilespmem:$0x4EA0] =	vst v0  }
0x16: {  	[tilespmem:$0x4EB0] =	vst v0  }
0x17: {  	[tilespmem:$0x4EC0] =	vst v0  }
0x18: {  	[tilespmem:$0x4ED0] =	vst v0  }
0x19: {  	[tilespmem:$0x4EE0] =	vst v0  }
0x1a: {  	[tilespmem:$0x4EF0] =	vst v0  }
0x1b: {  	[spmem:s10], [sflag:s9] =	dma.local [hbm:s5], $0x50  }
0x1c: {  	_ =	swait.ge [sflag:s8], $0x50  }
0x1d: {  	[sflag:s8] =	ssyncset.done $0x0  }
0x1e: {  	[sflag:s8] =	ssyncadd.s32 $0xFFFFFFB0  }
0x1f: {  	s14 =	simm.s32 $0x0;
	[bflag:$0x0] =	sbarrier.arrive $0xFFFF  }
0x20: {  	[spmem:s2] =	stream.indirect.scatter.add.f32 [tilespmem:s12], [sflag:$0x1], $0x1, s14, s11, $0xb8;
	[tilespmem:$0x5180] =	vst v63  }
0x21: {  	_ =	swait.ge [sflag:s8], $0x80  }
0x22: {  	s14 =	simm.s32 $0x200;
	[sflag:s8] =	ssyncset.done $0x0  }
.LBB2_2:
0x23: {  	s15 =	sshra.s32 s14, $0x2;
	[sflag:s8] =	ssyncadd.s32 $0xFFFFFF80;
	p0 =	sne.s32 s14, $0x13800  }
0x24: {  	[spmem:s2] =	stream.indirect.scatter.add.f32 [tilespmem:s12], [sflag:$0x1], $0x1, s15, s11, $0xb8;
	[tilespmem:$0x5180] =	vst v63  }
.Ltmp0:
0x25: {  	_ = 	snop;
	(pc) =	sbr.rel @p0 .LBB2_2-.Ltmp0, $4  }
0x26: {  	_ = 	snop  }
0x27: {  	s14 =	sadd.s32 $0x200, s14  }
0x28: {  	_ =	swait.ge [sflag:s8], $0x80  }
0x29: {  	[sflag:s8] =	ssyncset.done $0x0  }
0x2a: {  	s13 =	sadd.s32 $0x1, s13  }
0x2b: {  	[sflag:s8] =	ssyncadd.s32 $0xFFFFFF80;
	p0 =	sne.s32 s13, s7  }
.Ltmp1:
0x2c: {  	[bflag:$0x0] =	sbarrier.arrive $0xFFFF;
	(pc) =	sbr.rel @p0 .LBB2_1-.Ltmp1, $4  }
0x2d: {  	[hbm:s6], [sflag:s9] =	dma.local [spmem:s10], $0x50  }
0x2e: {  	_ =	swait.ge [sflag:s8], $0x50  }
0x2f: {  	[sflag:s8] =	ssyncset.done $0x0  }
0x30: {  	[sflag:s8] =	ssyncadd.s32 $0xFFFFFFB0  }
0x31: {  	_ =	sfence.sel $0x180000  }
0x32: {  	[bflag:$0x0] =	sbarrier.arrive $0xFFFF  }
0x33: {  	p0 =	sne.s32 s0, $0x0;
	_ =	strace $0x90000047  }
0x34: {  	s0 =	sadd.s32 @!p0 $0x100000, s1;
	[bflag:$0x2] =	sbarrier.arrive $0xFFFF  }
0x35: {  	[sflag:s0] =	ssyncadd.tile.s32 @!p0 $0x1;
	_ =	shalt  }
.Lfunc_end2:
_tile_overlayer_lowered:
.L_overlay_start_2:
0x36: {  	(tag) =	ssettag $0x2  }
0x37: {  	s0 =	rddreg [dreg:$0x0];
	s2 =	stileid.u32  }
0x38: {  	s1 =	rddreg [dreg:$0x1];
	p0 =	sne.s32 s2, $0x0  }
0x39: {  	s3 =	rddreg [dreg:$0x2];
	[bflag:$0x3] =	sbarrier.arrive $0xFFFF;
	s2 =	simm.s32 @!p0 $0x1C01  }
0x3a: {  	[timem:s3], [sflag:s2] =	dma.local @!p0 [hbm:s0], s1  }
0x3b: {  	s0 =	simm.s32 @!p0 $0x1  }
0x3c: {  	_ =	swait.ge @!p0 [sflag:s0], s1  }
0x3d: {  	s1 =	ssub.s32 @!p0 $0x0, s1;
	[sflag:s0] =	ssyncset.done @!p0 $0x0  }
0x3e: {  	[sflag:s0] =	ssyncadd.s32 @!p0 s1  }
0x3f: {  	[bflag:$0x3] =	sbarrier.arrive $0xFFFF  }
0x40: {  	_ =	shalt  }

// kernel: kernel.13.cloned.1.call-start
scs
__scs_entry_jumppad:
0x0: {  	(pc) =	sbr.rel $0x88, $3  }
0x1: {  	(tag) =	ssettag $0x0;
	lr =	simm.s32 $0x1  }
0x2: {  	[smem:$0x3F97] =	sst lr;
	_ =	strace $0xD0000000  }
0x3: {  	_ = 	snop  }
0x4: {  	_ = 	snop  }
0x5: {  	_ = 	snop  }
0x6: {  	_ = 	snop  }
0x7: {  	_ = 	snop  }
__scs_overlays_trampoline_lowered:
0x8: {  	[smem:$0x3FA6] =	sst s0  }
0x9: {  	[smem:$0x3FA7] =	sst s1  }
0xa: {  	[smem:$0x3FA8] =	sst s2  }
0xb: {  	[smem:$0x3FA9] =	sst s3  }
0xc: {  	[smem:$0x3FAA] =	sst s4  }
0xd: {  	[smem:$0x3FAB] =	sst s5  }
0xe: {  	[smem:$0x3FAC] =	sst s6  }
0xf: {  	[smem:$0x3FAD] =	sst s7  }
0x10: {  	[smem:$0x3FAE] =	sst s8  }
0x11: {  	[smem:$0x3FAF] =	sst s9;
	s0 =	simm.s32 @!p0 $0x0  }
0x12: {  	s1 =	sld [smem:$0x3F95];
	s0 =	simm.s32 @p0 $0x1  }
0x13: {  	[smem:$0x3FB0] =	sst s0;
	s0 =	simm.s32 @!p1 $0x0  }
0x14: {  	s2 =	sld [smem:$0x3F94];
	s0 =	simm.s32 @p1 $0x1  }
0x15: {  	[smem:$0x3FB1] =	sst s0;
	s0 =	simm.s32 @!p2 $0x0  }
0x16: {  	s3 =	sld [smem:$0x3FDB];
	s0 =	simm.s32 @p2 $0x1  }
0x17: {  	s4 =	simm.s32 $0x1BF5;
	[smem:$0x3FB3] =	sst s0  }
0x18: {  	s0 =	sld [smem:$0x3F96];
	_ =	swait.ge [sflag:s4], $0x0  }
0x19: {  	s7 =	sld [smem:$0x3F97]  }
0x1a: {  	s8 =	sadd.s32 $0xFFFFE003, lr  }
0x1b: {  	s9 =	sadd.s32 $0xFFFFFEF7, lr;
	s5 =	simm.s32 $0xFFFFFFFF;
	p2 =	slt.u32 s8, $0xFFFFF086  }
0x1c: {  	p1 =	slt.u32 s9, $0xF7A;
	s5 =	simm.s32 @!p2 $0x0  }
0x1d: {  	s5 =	simm.s32 @p1 $0x1;
	p0 =	seq.s32 s7, s2  }
0x1e: {  	s7 =	smul.u32 @!p0 $0xF7A, s2;
	p2 =	seq.s32 @!p0 s5, $0x0  }
0x1f: {  	s9 =	smul.u32 $0xF7A, s1;
	s8 =	simm.s32 @!p0 $0x1BF5;
	p2 =	por !p2, p0  }
0x20: {  	[sflag:s8] =	ssyncset.s32 @!p0 $0xFFFFF086;
	s6 =	sadd.s32 @!p0 s3, s7;
	s7 =	simm.s32 @!p0 $0x108  }
0x21: {  	s3 =	sadd.s32 s3, s9;
	s6 =	sadd.s32 @!p0 $0x88, s6;
	s7 =	simm.s32 @p2 $0x1082  }
0x22: {  	[simem:s7], [sflag:s8] =	dma.local @!p0 [hbm:s6], $0xF7A  }
0x23: {  	s9 =	sor.u32 $0xD0000000, s2;
	s6 =	simm.s32 $0x108;
	_ =	swait.ge @!p0 [sflag:s8], $0x0  }
0x24: {  	s3 =	sadd.s32 $0x88, s3;
	s6 =	simm.s32 @!p1 $0x1082;
	[sflag:s4] =	ssyncset.s32 $0xFFFFF086  }
0x25: {  	[simem:s6], [sflag:s4] =	dma.local [hbm:s3], $0xF7A  }
0x26: {  	[smem:$0x3F97] =	sst s1;
	(tag) =	ssettag s2;
	_ =	strace s9  }
0x27: {  	s1 =	sld [smem:$0x3FA7]  }
0x28: {  	s2 =	sld [smem:$0x3FA8]  }
0x29: {  	s4 =	sld [smem:$0x3FAA]  }
0x2a: {  	p0 =	seq.s32 s5, $0x0;
	s5 =	sld [smem:$0x3FAB]  }
0x2b: {  	s6 =	sld [smem:$0x3FAC]  }
0x2c: {  	s7 =	sld [smem:$0x3FAD]  }
0x2d: {  	s3 =	simm.s32 $0x108;
	s8 =	sld [smem:$0x3FAE]  }
0x2e: {  	s3 =	simm.s32 @!p0 $0x1082;
	s9 =	sld [smem:$0x3FAF]  }
0x2f: {  	lr =	sadd.s32 s0, s3;
	s0 =	sld [smem:$0x3FA6]  }
0x30: {  	s3 =	sld [smem:$0x3FA9]  }
0x31: {  	[smem:$0x3FB2] =	sst s10  }
0x32: {  	s10 =	sld [smem:$0x3FB0];
	_ =	sdelay $0x3  }
0x33: {  	p0 =	seq.s32 s10, $0x1;
	s10 =	sld [smem:$0x3FB2];
	_ =	sdelay $0x3  }
0x34: {  	[smem:$0x3FB2] =	sst s10  }
0x35: {  	s10 =	sld [smem:$0x3FB1];
	_ =	sdelay $0x3  }
0x36: {  	p1 =	seq.s32 s10, $0x1;
	s10 =	sld [smem:$0x3FB2];
	_ =	sdelay $0x3  }
0x37: {  	[smem:$0x3FB2] =	sst s10  }
0x38: {  	s10 =	sld [smem:$0x3FB3]  }
0x39: {  	_ = 	snop;
	(pc) =	sbr.ind lr, $3  }
0x3a: {  	_ = 	snop  }
0x3b: {  	_ = 	snop  }
0x3c: {  	p2 =	seq.s32 s10, $0x1;
	s10 =	sld [smem:$0x3FB2]  }
0x3d: {  	_ =	shalt  }
0x3e: {  	_ =	shalt  }
0x3f: {  	_ =	shalt  }
0x40: {  	_ =	shalt  }
0x41: {  	_ =	shalt  }
0x42: {  	_ =	shalt  }
0x43: {  	_ =	shalt  }
0x44: {  	_ =	shalt  }
0x45: {  	_ =	shalt  }
0x46: {  	_ =	shalt  }
0x47: {  	_ =	shalt  }
0x48: {  	_ =	shalt  }
0x49: {  	_ =	shalt  }
0x4a: {  	_ =	shalt  }
0x4b: {  	_ =	shalt  }
0x4c: {  	_ =	shalt  }
0x4d: {  	_ =	shalt  }
0x4e: {  	_ =	shalt  }
0x4f: {  	_ =	shalt  }
0x50: {  	_ =	shalt  }
0x51: {  	_ =	shalt  }
0x52: {  	_ =	shalt  }
0x53: {  	_ =	shalt  }
0x54: {  	_ =	shalt  }
0x55: {  	_ =	shalt  }
0x56: {  	_ =	shalt  }
0x57: {  	_ =	shalt  }
0x58: {  	_ =	shalt  }
0x59: {  	_ =	shalt  }
0x5a: {  	_ =	shalt  }
0x5b: {  	_ =	shalt  }
0x5c: {  	_ =	shalt  }
0x5d: {  	_ =	shalt  }
0x5e: {  	_ =	shalt  }
0x5f: {  	_ =	shalt  }
0x60: {  	_ =	shalt  }
0x61: {  	_ =	shalt  }
0x62: {  	_ =	shalt  }
0x63: {  	_ =	shalt  }
0x64: {  	_ =	shalt  }
0x65: {  	_ =	shalt  }
0x66: {  	_ =	shalt  }
0x67: {  	_ =	shalt  }
0x68: {  	_ =	shalt  }
0x69: {  	_ =	shalt  }
0x6a: {  	_ =	shalt  }
0x6b: {  	_ =	shalt  }
0x6c: {  	_ =	shalt  }
0x6d: {  	_ =	shalt  }
0x6e: {  	_ =	shalt  }
0x6f: {  	_ =	shalt  }
0x70: {  	_ =	shalt  }
0x71: {  	_ =	shalt  }
0x72: {  	_ =	shalt  }
0x73: {  	_ =	shalt  }
0x74: {  	_ =	shalt  }
0x75: {  	_ =	shalt  }
0x76: {  	_ =	shalt  }
0x77: {  	_ =	shalt  }
0x78: {  	_ =	shalt  }
0x79: {  	_ =	shalt  }
0x7a: {  	_ =	shalt  }
0x7b: {  	_ =	shalt  }
0x7c: {  	_ =	shalt  }
0x7d: {  	_ =	shalt  }
0x7e: {  	_ =	shalt  }
0x7f: {  	_ =	shalt  }
0x80: {  	_ =	shalt  }
0x81: {  	_ =	shalt  }
0x82: {  	_ =	shalt  }
0x83: {  	_ =	shalt  }
0x84: {  	_ =	shalt  }
0x85: {  	_ =	shalt  }
0x86: {  	_ =	shalt  }
0x87: {  	_ =	shalt  }
.Lfunc_end0:
.L_simem_size_0:
called_computation.1_lowered:
.L_overlay_start_0:
0x88: {  	s2 =	sld [smem:$0x3FD9]  }
0x89: {  	s3 =	sld [smem:$0x3FFE];
	_ =	sdelay $0x1  }
0x8a: {  	s1 =	srdreg.scid  }
0x8b: {  	s0 =	sand.u32 $0x1, s1  }
0x8c: {  	s16 =	sshll.u32 s0, $0xA;
	s2 =	sadd.s32 s3, s2  }
0x8d: {  	s2 =	sadd.s32 s2, s16  }
0x8e: {  	[smem:$0x3FBE] =	sst s2  }
0x8f: {  	_ = 	snop  }
0x90: {  	(tm) =	ssettm $0x1  }
0x91: {  	s17 =	sld [smem:$0x3FFB];
	_ =	sdelay $0x3  }
0x92: {  	_ =	strace s17  }
0x93: {  	s2 =	sld [smem:$0x3FFC];
	_ =	sdelay $0x3  }
0x94: {  	_ =	strace s2  }
0x95: {  	s2 =	sld [smem:$0x3FFD];
	_ =	sdelay $0x3  }
0x96: {  	_ =	strace s2  }
0x97: {  	_ =	strace $0x8FFFFFFF  }
0x98: {  	s18 =	sld [smem:$0x3FDB];
	_ =	sdelay $0x1  }
0x99: {  	s19 =	simm.s32 $_scs_section_size  }
0x9a: {  	s4 =	simm.s32 $_size__tile_overlayer_lowered;
	s5 =	simm.s32 $_tile_overlayer_lowered  }
0x9b: {  	s22 =	simm.s32 $0x1BFF;
	s21 =	sshll.u32 s5, $0x1;
	s2 =	sadd.s32 s19, s18  }
0x9c: {  	s6 =	simm.s32 $0x0;
	s20 =	sshll.u32 s4, $0x1;
	s4 =	sadd.s32 s21, s2  }
0x9d: {  	[timem:s6], [sflag:s22] =	dma.local [hbm:s4], s20  }
0x9e: {  	_ =	swait.ge [sflag:s22], s20  }
0x9f: {  	s3 =	ssub.s32 $0x0, s20;
	[sflag:s22] =	ssyncset.done $0x0  }
0xa0: {  	[sflag:s22] =	ssyncadd.s32 s3;
	_ =	sdelay $0x1  }
0xa1: {  	s23 =	simm.s32 $0x1B8B  }
0xa2: {  	_ =	swait.ge [sflag:s23], $0x1  }
0xa3: {  	[sflag:s23] =	ssyncset.done $0x0  }
0xa4: {  	s25 =	simm.s32 $0x1B8E;
	s24 =	sld [smem:$0x3FFE];
	[sflag:s23] =	ssyncadd.s32 $0xFFFFFFFF  }
0xa5: {  	s26 =	simm.s32 $execute0_lowered;
	[smem:$0x3FD2] =	sst s25  }
0xa6: {  	s4 =	sshll.u32 s26, $0x1;
	_ =	strace $0x80000049;
	[dreg:$0x1] =	wrdreg $0xFFFFFFFF  }
0xa7: {  	s28 =	simm.s32 $_size_execute0_lowered;
	s2 =	sadd.s32 s2, s4;
	[dreg:$0x0] =	wrdreg $0x0  }
0xa8: {  	s4 =	sshll.u32 s28, $0x1;
	[dreg:$0x2] =	wrdreg s2  }
0xa9: {  	[dreg:$0x3] =	wrdreg s4  }
0xaa: {  	[dreg:$0x4] =	wrdreg $0xC0  }
0xab: {  	_ =	task [dreg:s6], $0x5FFFF  }
0xac: {  	[dreg:$0x1] =	wrdreg $0xFFFFFFFF  }
0xad: {  	[dreg:$0x0] =	wrdreg $0x60  }
0xae: {  	[dreg:$0x2] =	wrdreg s24  }
0xaf: {  	[dreg:$0x3] =	wrdreg $0xC5000  }
0xb0: {  	[dreg:$0x4] =	wrdreg $0x9  }
0xb1: {  	_ =	task.clear_ibuf [dreg:s6], $0x5FFFF;
	_ =	strace $0x90000049  }
0xb2: {  	s29 =	simm.s32 $0x9;
	_ =	strace $0x8000004B  }
0xb3: {  	_ =	swait.ge [sflag:s29], $0x1  }
0xb4: {  	[sflag:s29] =	ssyncadd.s32 $0xFFFFFFFF  }
0xb5: {  	_ =	strace $0x9000004B  }
0xb6: {  	_ =	sfence  }
0xb7: {  	s30 =	sld [smem:$0x0];
	_ =	sdelay $0x2  }
0xb8: {  	s31 =	sshll.u32 s1, $0xD;
	s1 =	sshrl.u32 s1, $0x2  }
0xb9: {  	s3 =	sand.u32 $0x4000, s31;
	s1 =	sadd.s32 s1, s30  }
0xba: {  	s0 =	sor.u32 s3, s0;
	s1 =	sshll.u32 s1, $0x11  }
0xbb: {  	s0 =	sor.u32 s1, s0  }
0xbc: {  	s0 =	sadd.s32 $0x8F2B, s0  }
0xbd: {  	[sflag:s0] =	ssyncadd.remote.s32 $0x1  }
0xbe: {  	_ =	sfence.sel $0xFFFF  }
0xbf: {  	[dreg:$0x0] =	wrdreg $0xFFFFFFFF;
	(pc) =	sbr.abs _section_cstart, $3  }
0xc0: {  	[dreg:$0x1] =	wrdreg $0xFFFFFFFF  }
0xc1: {  	_ =	task.clear_ibuf [dreg:s6], $0x2FFFF;
	_ =	strace $0x9FFFFFFF  }
0xc2: {  	(tm) =	ssettm $0x7FFFFFFF  }
0xc3: {  	_ =	shalt  }
tec
execute0_lowered:
.L_overlay_start_1:
0x0: {  	(tag) =	ssettag $0x1  }
0x1: {  	s6 =	rddreg [dreg:$0x0]  }
0x2: {  	s0 =	srdreg.scid;
	s2 =	rddreg [dreg:$0x1]  }
0x3: {  	s3 =	simm.s32 $0x0;
	s14 =	simm.s32 $0x80;
	s15 =	simm.s32 $0x9D00  }
0x4: {  	s16 =	simm.s32 $0x1;
	s5 =	sand.u32 $0x1, s0;
	s0 =	stileid.u32  }
0x5: {  	s17 =	simm.s32 $0x0;
	[smem:$0x7FF] =	sst s3;
	s8 =	smul.u32 $0xC800, s0  }
0x6: {  	s4 =	sadd.s32 $0x7B600, s6;
	s1 =	sshll.u32 s5, $0x4;
	s9 =	smul.u32 $0xC8000, s5  }
0x7: {  	s5 =	ssub.s32 $0x2, s5;
	s12 =	sshll.u32 s0, $0x6;
	s1 =	sor.u32 s0, s1  }
0x8: {  	s11 =	sshrl.u32 s5, $0x1;
	s12 =	sor.u32 $0x1C02, s12;
	s7 =	smul.u32 $0x9D0, s1  }
0x9: {  	s1 =	rddreg [dreg:$0x2];
	_ =	strace $0x8000004A;
	s9 =	sadd.s32 s8, s9  }
0xa: {  	s10 =	sshrl.u32 s8, $0x3;
	s11 =	ssub.s32 s5, s11;
	s13 =	sadd.s32 s8, s2  }
0xb: {  	s9 =	sshrl.u32 s9, $0x3;
	s10 =	sadd.s32 s10, s6;
	s7 =	sadd.s32 s7, s6  }
0xc: {  	s13 =	sshrl.u32 s13, $0x3;
	s9 =	sadd.s32 s9, s6;
	s5 =	sadd.s32 $0x17C00, s7  }
0xd: {  	s6 =	sadd.s32 $0x4200, s7;
	s7 =	sadd.s32 $0x94600, s10;
	s8 =	sadd.s32 $0xAD600, s9  }
0xe: {  	s9 =	smax.u32 s11, $0x1;
	s10 =	simm.s32 $0x2;
	s11 =	simm.s32 $0x4E80  }
.LBB2_1:
0xf: {  	[tilespmem:s3], [sflag:$0x2] =	stream.linear.gather [hbm4b:s5+s3], $0x4E80, $0x38;
	[tilespmem:$0x18D00] =	vst v63  }
0x10: {  	_ =	swait.ge [sflag:s10], $0x4E80  }
0x11: {  	[sflag:s10] =	ssyncset.done $0x0  }
0x12: {  	[sflag:s10] =	ssyncadd.s32 $0xFFFFB180  }
0x13: {  	[tilespmem:s11], [sflag:$0x2] =	stream.linear.gather [hbm4b:s6+s3], $0x4E80, $0x38;
	[tilespmem:$0x18D00] =	vst v63  }
0x14: {  	_ =	swait.ge [sflag:s10], $0x4E80  }
0x15: {  	[sflag:s10] =	ssyncset.done $0x0  }
0x16: {  	[sflag:s10] =	ssyncadd.s32 $0xFFFFB180  }
0x17: {  	[spmem:s13], [sflag:s12] =	dma.local [hbm:s7], $0x1900  }
0x18: {  	_ =	swait.ge [sflag:s10], $0x1900  }
0x19: {  	[sflag:s10] =	ssyncset.done $0x0  }
0x1a: {  	[sflag:s10] =	ssyncadd.s32 $0xFFFFE700  }
0x1b: {  	s18 =	simm.s32 $0x0;
	[bflag:$0x0] =	sbarrier.arrive $0xFFFF  }
0x1c: {  	[tilespmem:s15], [sflag:$0x1] =	stream.indirect.gather [hbm4b:s4+s14], $0x50, s18, s14, $0xb8;
	[tilespmem:$0x18D00] =	vst v63  }
0x1d: {  	_ =	swait.ge [sflag:s16], $0x2800  }
0x1e: {  	[sflag:s16] =	ssyncset.done $0x0  }
0x1f: {  	s31 =	simm.s32 $0x4E80;
	[sflag:s16] =	ssyncadd.s32 $0xFFFFD800  }
0x20: {  	[spmem:s2] =	stream.indirect.scatter.add.f32 [tilespmem:s15], [sflag:$0x2], $0x50, s31, s14, $0xb8;
	[tilespmem:$0x18D00] =	vst v63  }
0x21: {  	_ =	swait.ge [sflag:s10], $0x2800  }
0x22: {  	s19 =	simm.s32 $0x400;
	s18 =	simm.s32 $0x200;
	[sflag:s10] =	ssyncset.done $0x0  }
.LBB2_2:
0x23: {  	s20 =	sshra.s32 s18, $0x2  }
0x24: {  	[sflag:s10] =	ssyncadd.s32 $0xFFFFD800;
	s18 =	smov.u32 s19;
	s21 =	sadd.s32 $0x200, s19  }
0x25: {  	[tilespmem:s15], [sflag:$0x1] =	stream.indirect.gather [hbm4b:s4+s14], $0x50, s20, s14, $0xb8;
	[tilespmem:$0x18D00] =	vst v63  }
0x26: {  	p0 =	sne.s32 s19, $0x13800;
	_ =	swait.ge [sflag:s16], $0x2800  }
.Ltmp0:
0x27: {  	[sflag:s16] =	ssyncset.done $0x0;
	(pc) =	sbr.rel @p0 .LBB2_2-.Ltmp0, $4  }
0x28: {  	s19 =	sadd.s32 $0x4E80, s20;
	[sflag:s16] =	ssyncadd.s32 $0xFFFFD800  }
0x29: {  	[spmem:s2] =	stream.indirect.scatter.add.f32 [tilespmem:s15], [sflag:$0x2], $0x50, s19, s14, $0xb8;
	[tilespmem:$0x18D00] =	vst v63  }
0x2a: {  	_ =	swait.ge [sflag:s10], $0x2800  }
0x2b: {  	s19 =	smov.u32 s21;
	[sflag:s10] =	ssyncset.done $0x0  }
0x2c: {  	s18 =	sshra.s32 s18, $0x2;
	[sflag:s10] =	ssyncadd.s32 $0xFFFFD800  }
0x2d: {  	[tilespmem:s15], [sflag:$0x1] =	stream.indirect.gather [hbm4b:s4+s14], $0x50, s18, s14, $0xb8;
	[tilespmem:$0x18D00] =	vst v63  }
0x2e: {  	_ =	swait.ge [sflag:s16], $0x2800  }
0x2f: {  	[sflag:s16] =	ssyncset.done $0x0  }
0x30: {  	s18 =	sadd.s32 $0x4E80, s18;
	[sflag:s16] =	ssyncadd.s32 $0xFFFFD800  }
0x31: {  	[spmem:s2] =	stream.indirect.scatter.add.f32 [tilespmem:s15], [sflag:$0x2], $0x50, s18, s14, $0xb8;
	[tilespmem:$0x18D00] =	vst v63  }
0x32: {  	_ =	swait.ge [sflag:s10], $0x2800  }
0x33: {  	s17 =	sadd.s32 $0x1, s17;
	[sflag:s10] =	ssyncset.done $0x0  }
0x34: {  	p0 =	sne.s32 s17, s9;
	[sflag:s10] =	ssyncadd.s32 $0xFFFFD800  }
.Ltmp1:
0x35: {  	[bflag:$0x0] =	sbarrier.arrive $0xFFFF;
	(pc) =	sbr.rel @p0 .LBB2_1-.Ltmp1, $4  }
0x36: {  	[hbm:s8], [sflag:s12] =	dma.local [spmem:s13], $0x1900  }
0x37: {  	_ =	swait.ge [sflag:s10], $0x1900  }
0x38: {  	[sflag:s10] =	ssyncset.done $0x0  }
0x39: {  	[sflag:s10] =	ssyncadd.s32 $0xFFFFE700  }
0x3a: {  	_ =	sfence.sel $0x180000  }
0x3b: {  	[bflag:$0x0] =	sbarrier.arrive $0xFFFF  }
0x3c: {  	p0 =	sne.s32 s0, $0x0;
	_ =	strace $0x9000004A  }
0x3d: {  	s0 =	sadd.s32 @!p0 $0x100000, s1;
	[bflag:$0x2] =	sbarrier.arrive $0xFFFF  }
0x3e: {  	[sflag:s0] =	ssyncadd.tile.s32 @!p0 $0x1;
	_ =	shalt  }
.Lfunc_end2:
_tile_overlayer_lowered:
.L_overlay_start_2:
0x3f: {  	(tag) =	ssettag $0x2  }
0x40: {  	s0 =	rddreg [dreg:$0x0];
	s2 =	stileid.u32  }
0x41: {  	s1 =	rddreg [dreg:$0x1];
	p0 =	sne.s32 s2, $0x0  }
0x42: {  	s3 =	rddreg [dreg:$0x2];
	[bflag:$0x3] =	sbarrier.arrive $0xFFFF;
	s2 =	simm.s32 @!p0 $0x1C02  }
0x43: {  	[timem:s3], [sflag:s2] =	dma.local @!p0 [hbm:s0], s1  }
0x44: {  	s0 =	simm.s32 @!p0 $0x2  }
0x45: {  	_ =	swait.ge @!p0 [sflag:s0], s1  }
0x46: {  	s1 =	ssub.s32 @!p0 $0x0, s1;
	[sflag:s0] =	ssyncset.done @!p0 $0x0  }
0x47: {  	[sflag:s0] =	ssyncadd.s32 @!p0 s1  }
0x48: {  	[bflag:$0x3] =	sbarrier.arrive $0xFFFF  }
0x49: {  	_ =	shalt  }

// kernel: kernel.16.cloned.1.call-start
scs
__scs_entry_jumppad:
0x0: {  	(pc) =	sbr.rel $0x88, $3  }
0x1: {  	(tag) =	ssettag $0x0;
	lr =	simm.s32 $0x1  }
0x2: {  	[smem:$0x3F97] =	sst lr;
	_ =	strace $0xD0000000  }
0x3: {  	_ = 	snop  }
0x4: {  	_ = 	snop  }
0x5: {  	_ = 	snop  }
0x6: {  	_ = 	snop  }
0x7: {  	_ = 	snop  }
__scs_overlays_trampoline_lowered:
0x8: {  	[smem:$0x3FA6] =	sst s0  }
0x9: {  	[smem:$0x3FA7] =	sst s1  }
0xa: {  	[smem:$0x3FA8] =	sst s2  }
0xb: {  	[smem:$0x3FA9] =	sst s3  }
0xc: {  	[smem:$0x3FAA] =	sst s4  }
0xd: {  	[smem:$0x3FAB] =	sst s5  }
0xe: {  	[smem:$0x3FAC] =	sst s6  }
0xf: {  	[smem:$0x3FAD] =	sst s7  }
0x10: {  	[smem:$0x3FAE] =	sst s8  }
0x11: {  	[smem:$0x3FAF] =	sst s9;
	s0 =	simm.s32 @!p0 $0x0  }
0x12: {  	s1 =	sld [smem:$0x3F95];
	s0 =	simm.s32 @p0 $0x1  }
0x13: {  	[smem:$0x3FB0] =	sst s0;
	s0 =	simm.s32 @!p1 $0x0  }
0x14: {  	s2 =	sld [smem:$0x3F94];
	s0 =	simm.s32 @p1 $0x1  }
0x15: {  	[smem:$0x3FB1] =	sst s0;
	s0 =	simm.s32 @!p2 $0x0  }
0x16: {  	s3 =	sld [smem:$0x3FDB];
	s0 =	simm.s32 @p2 $0x1  }
0x17: {  	s4 =	simm.s32 $0x1BF5;
	[smem:$0x3FB3] =	sst s0  }
0x18: {  	s0 =	sld [smem:$0x3F96];
	_ =	swait.ge [sflag:s4], $0x0  }
0x19: {  	s7 =	sld [smem:$0x3F97]  }
0x1a: {  	s8 =	sadd.s32 $0xFFFFE003, lr  }
0x1b: {  	s9 =	sadd.s32 $0xFFFFFEF7, lr;
	s5 =	simm.s32 $0xFFFFFFFF;
	p2 =	slt.u32 s8, $0xFFFFF086  }
0x1c: {  	p1 =	slt.u32 s9, $0xF7A;
	s5 =	simm.s32 @!p2 $0x0  }
0x1d: {  	s5 =	simm.s32 @p1 $0x1;
	p0 =	seq.s32 s7, s2  }
0x1e: {  	s7 =	smul.u32 @!p0 $0xF7A, s2;
	p2 =	seq.s32 @!p0 s5, $0x0  }
0x1f: {  	s9 =	smul.u32 $0xF7A, s1;
	s8 =	simm.s32 @!p0 $0x1BF5;
	p2 =	por !p2, p0  }
0x20: {  	[sflag:s8] =	ssyncset.s32 @!p0 $0xFFFFF086;
	s6 =	sadd.s32 @!p0 s3, s7;
	s7 =	simm.s32 @!p0 $0x108  }
0x21: {  	s3 =	sadd.s32 s3, s9;
	s6 =	sadd.s32 @!p0 $0x88, s6;
	s7 =	simm.s32 @p2 $0x1082  }
0x22: {  	[simem:s7], [sflag:s8] =	dma.local @!p0 [hbm:s6], $0xF7A  }
0x23: {  	s9 =	sor.u32 $0xD0000000, s2;
	s6 =	simm.s32 $0x108;
	_ =	swait.ge @!p0 [sflag:s8], $0x0  }
0x24: {  	s3 =	sadd.s32 $0x88, s3;
	s6 =	simm.s32 @!p1 $0x1082;
	[sflag:s4] =	ssyncset.s32 $0xFFFFF086  }
0x25: {  	[simem:s6], [sflag:s4] =	dma.local [hbm:s3], $0xF7A  }
0x26: {  	[smem:$0x3F97] =	sst s1;
	(tag) =	ssettag s2;
	_ =	strace s9  }
0x27: {  	s1 =	sld [smem:$0x3FA7]  }
0x28: {  	s2 =	sld [smem:$0x3FA8]  }
0x29: {  	s4 =	sld [smem:$0x3FAA]  }
0x2a: {  	p0 =	seq.s32 s5, $0x0;
	s5 =	sld [smem:$0x3FAB]  }
0x2b: {  	s6 =	sld [smem:$0x3FAC]  }
0x2c: {  	s7 =	sld [smem:$0x3FAD]  }
0x2d: {  	s3 =	simm.s32 $0x108;
	s8 =	sld [smem:$0x3FAE]  }
0x2e: {  	s3 =	simm.s32 @!p0 $0x1082;
	s9 =	sld [smem:$0x3FAF]  }
0x2f: {  	lr =	sadd.s32 s0, s3;
	s0 =	sld [smem:$0x3FA6]  }
0x30: {  	s3 =	sld [smem:$0x3FA9]  }
0x31: {  	[smem:$0x3FB2] =	sst s10  }
0x32: {  	s10 =	sld [smem:$0x3FB0];
	_ =	sdelay $0x3  }
0x33: {  	p0 =	seq.s32 s10, $0x1;
	s10 =	sld [smem:$0x3FB2];
	_ =	sdelay $0x3  }
0x34: {  	[smem:$0x3FB2] =	sst s10  }
0x35: {  	s10 =	sld [smem:$0x3FB1];
	_ =	sdelay $0x3  }
0x36: {  	p1 =	seq.s32 s10, $0x1;
	s10 =	sld [smem:$0x3FB2];
	_ =	sdelay $0x3  }
0x37: {  	[smem:$0x3FB2] =	sst s10  }
0x38: {  	s10 =	sld [smem:$0x3FB3]  }
0x39: {  	_ = 	snop;
	(pc) =	sbr.ind lr, $3  }
0x3a: {  	_ = 	snop  }
0x3b: {  	_ = 	snop  }
0x3c: {  	p2 =	seq.s32 s10, $0x1;
	s10 =	sld [smem:$0x3FB2]  }
0x3d: {  	_ =	shalt  }
0x3e: {  	_ =	shalt  }
0x3f: {  	_ =	shalt  }
0x40: {  	_ =	shalt  }
0x41: {  	_ =	shalt  }
0x42: {  	_ =	shalt  }
0x43: {  	_ =	shalt  }
0x44: {  	_ =	shalt  }
0x45: {  	_ =	shalt  }
0x46: {  	_ =	shalt  }
0x47: {  	_ =	shalt  }
0x48: {  	_ =	shalt  }
0x49: {  	_ =	shalt  }
0x4a: {  	_ =	shalt  }
0x4b: {  	_ =	shalt  }
0x4c: {  	_ =	shalt  }
0x4d: {  	_ =	shalt  }
0x4e: {  	_ =	shalt  }
0x4f: {  	_ =	shalt  }
0x50: {  	_ =	shalt  }
0x51: {  	_ =	shalt  }
0x52: {  	_ =	shalt  }
0x53: {  	_ =	shalt  }
0x54: {  	_ =	shalt  }
0x55: {  	_ =	shalt  }
0x56: {  	_ =	shalt  }
0x57: {  	_ =	shalt  }
0x58: {  	_ =	shalt  }
0x59: {  	_ =	shalt  }
0x5a: {  	_ =	shalt  }
0x5b: {  	_ =	shalt  }
0x5c: {  	_ =	shalt  }
0x5d: {  	_ =	shalt  }
0x5e: {  	_ =	shalt  }
0x5f: {  	_ =	shalt  }
0x60: {  	_ =	shalt  }
0x61: {  	_ =	shalt  }
0x62: {  	_ =	shalt  }
0x63: {  	_ =	shalt  }
0x64: {  	_ =	shalt  }
0x65: {  	_ =	shalt  }
0x66: {  	_ =	shalt  }
0x67: {  	_ =	shalt  }
0x68: {  	_ =	shalt  }
0x69: {  	_ =	shalt  }
0x6a: {  	_ =	shalt  }
0x6b: {  	_ =	shalt  }
0x6c: {  	_ =	shalt  }
0x6d: {  	_ =	shalt  }
0x6e: {  	_ =	shalt  }
0x6f: {  	_ =	shalt  }
0x70: {  	_ =	shalt  }
0x71: {  	_ =	shalt  }
0x72: {  	_ =	shalt  }
0x73: {  	_ =	shalt  }
0x74: {  	_ =	shalt  }
0x75: {  	_ =	shalt  }
0x76: {  	_ =	shalt  }
0x77: {  	_ =	shalt  }
0x78: {  	_ =	shalt  }
0x79: {  	_ =	shalt  }
0x7a: {  	_ =	shalt  }
0x7b: {  	_ =	shalt  }
0x7c: {  	_ =	shalt  }
0x7d: {  	_ =	shalt  }
0x7e: {  	_ =	shalt  }
0x7f: {  	_ =	shalt  }
0x80: {  	_ =	shalt  }
0x81: {  	_ =	shalt  }
0x82: {  	_ =	shalt  }
0x83: {  	_ =	shalt  }
0x84: {  	_ =	shalt  }
0x85: {  	_ =	shalt  }
0x86: {  	_ =	shalt  }
0x87: {  	_ =	shalt  }
.Lfunc_end0:
.L_simem_size_0:
called_computation.2_lowered:
.L_overlay_start_0:
0x88: {  	s2 =	sld [smem:$0x3FD9]  }
0x89: {  	s3 =	sld [smem:$0x3FFE];
	_ =	sdelay $0x1  }
0x8a: {  	s1 =	srdreg.scid  }
0x8b: {  	s0 =	sand.u32 $0x1, s1  }
0x8c: {  	s14 =	sshll.u32 s0, $0xA;
	s2 =	sadd.s32 s3, s2  }
0x8d: {  	s2 =	sadd.s32 s2, s14  }
0x8e: {  	[smem:$0x3FBE] =	sst s2  }
0x8f: {  	_ = 	snop  }
0x90: {  	s2 =	sld [smem:$0x3FD0];
	_ =	sdelay $0x2  }
0x91: {  	s15 =	simm.s32 $0xA;
	s4 =	simm.s32 $0x10  }
0x92: {  	[smem:s4], [sflag:s15] =	dma.local [hbm:s2], $0x1  }
0x93: {  	_ =	swait.eq [sflag:s15], $0x1  }
0x94: {  	[sflag:s15] =	ssyncset.done $0x0  }
0x95: {  	[sflag:s15] =	ssyncadd.s32 $0xFFFFFFFF  }
0x96: {  	s16 =	sld [smem:$0x10];
	(tm) =	ssettm $0x1  }
0x97: {  	s17 =	sld [smem:$0x3FFB];
	_ =	sdelay $0x3  }
0x98: {  	_ =	strace s17  }
0x99: {  	s3 =	sld [smem:$0x3FFC];
	_ =	sdelay $0x3  }
0x9a: {  	_ =	strace s3  }
0x9b: {  	s3 =	sld [smem:$0x3FFD];
	_ =	sdelay $0x3  }
0x9c: {  	_ =	strace s3  }
0x9d: {  	_ =	strace $0x8FFFFFFF  }
0x9e: {  	s18 =	sld [smem:$0x3FDB];
	_ =	sdelay $0x1  }
0x9f: {  	s19 =	simm.s32 $_scs_section_size  }
0xa0: {  	s5 =	simm.s32 $_size__tile_overlayer_lowered;
	s6 =	simm.s32 $_tile_overlayer_lowered  }
0xa1: {  	s22 =	simm.s32 $0x1BFF;
	s21 =	sshll.u32 s6, $0x1;
	s3 =	sadd.s32 s19, s18  }
0xa2: {  	s7 =	simm.s32 $0x0;
	s20 =	sshll.u32 s5, $0x1;
	s5 =	sadd.s32 s21, s3  }
0xa3: {  	[timem:s7], [sflag:s22] =	dma.local [hbm:s5], s20  }
0xa4: {  	_ =	swait.ge [sflag:s22], s20  }
0xa5: {  	s4 =	ssub.s32 $0x0, s20;
	[sflag:s22] =	ssyncset.done $0x0  }
0xa6: {  	[sflag:s22] =	ssyncadd.s32 s4;
	_ =	sdelay $0x1  }
0xa7: {  	s23 =	simm.s32 $0x1B8B  }
0xa8: {  	_ =	swait.ge [sflag:s23], $0x1  }
0xa9: {  	[sflag:s23] =	ssyncset.done $0x0  }
0xaa: {  	s25 =	simm.s32 $0x1B8E;
	s24 =	sld [smem:$0x3FFE];
	[sflag:s23] =	ssyncadd.s32 $0xFFFFFFFF  }
0xab: {  	s26 =	simm.s32 $execute0_lowered;
	[smem:$0x3FD2] =	sst s25  }
0xac: {  	s5 =	sshll.u32 s26, $0x1;
	_ =	strace $0x8000004C;
	[dreg:$0x1] =	wrdreg $0xFFFFFFFF  }
0xad: {  	s28 =	simm.s32 $_size_execute0_lowered;
	s3 =	sadd.s32 s3, s5;
	[dreg:$0x0] =	wrdreg $0x0  }
0xae: {  	s5 =	sshll.u32 s28, $0x1;
	[dreg:$0x2] =	wrdreg s3  }
0xaf: {  	[dreg:$0x3] =	wrdreg s5  }
0xb0: {  	[dreg:$0x4] =	wrdreg $0xC0  }
0xb1: {  	_ =	task [dreg:s7], $0x5FFFF  }
0xb2: {  	[dreg:$0x1] =	wrdreg $0xFFFFFFFF  }
0xb3: {  	[dreg:$0x0] =	wrdreg $0x60  }
0xb4: {  	[dreg:$0x2] =	wrdreg s16  }
0xb5: {  	[dreg:$0x3] =	wrdreg s24  }
0xb6: {  	[dreg:$0x4] =	wrdreg $0x1E1000  }
0xb7: {  	[dreg:$0x5] =	wrdreg $0x9  }
0xb8: {  	_ =	task.clear_ibuf [dreg:s7], $0x6FFFF;
	_ =	strace $0x9000004C  }
0xb9: {  	s29 =	simm.s32 $0x9;
	_ =	strace $0x8000004E  }
0xba: {  	_ =	swait.ge [sflag:s29], $0x1  }
0xbb: {  	[sflag:s29] =	ssyncadd.s32 $0xFFFFFFFF  }
0xbc: {  	_ =	strace $0x9000004E  }
0xbd: {  	_ =	sfence  }
0xbe: {  	s30 =	sld [smem:$0x0];
	_ =	sdelay $0x2  }
0xbf: {  	s31 =	sshll.u32 s1, $0xD;
	s1 =	sshrl.u32 s1, $0x2  }
0xc0: {  	s3 =	sand.u32 $0x4000, s31;
	s1 =	sadd.s32 s1, s30  }
0xc1: {  	s0 =	sor.u32 s3, s0;
	s1 =	sshll.u32 s1, $0x11  }
0xc2: {  	s0 =	sor.u32 s1, s0  }
0xc3: {  	s0 =	sadd.s32 $0x8F2B, s0  }
0xc4: {  	[sflag:s0] =	ssyncadd.remote.s32 $0x1  }
0xc5: {  	_ =	sfence.sel $0xFFFF  }
0xc6: {  	[dreg:$0x0] =	wrdreg $0xFFFFFFFF;
	(pc) =	sbr.abs _section_cstart, $3  }
0xc7: {  	[dreg:$0x1] =	wrdreg $0xFFFFFFFF  }
0xc8: {  	_ =	task.clear_ibuf [dreg:s7], $0x2FFFF;
	_ =	strace $0x9FFFFFFF  }
0xc9: {  	(tm) =	ssettm $0x7FFFFFFF  }
tec
execute0_lowered:
.L_overlay_start_1:
0x0: {  	(tag) =	ssettag $0x1  }
0x1: {  	v0 =	vlaneseq.u32  }
0x2: {  	v2 =	vmul.u32 $0x8, v0;
	_ =	sdelay $0x1  }
0x3: {  	v1 =	vor.u32 $0x1, v2  }
0x4: {  	v60 =	vor.u32 $0x2, v2;
	[tilespmem:$0x1FC20] =	vst v1  }
0x5: {  	v61 =	vor.u32 $0x3, v2;
	[tilespmem:$0x1FC30] =	vst v60  }
0x6: {  	v62 =	vor.u32 $0x4, v2;
	[tilespmem:$0x1FC40] =	vst v61  }
0x7: {  	v63 =	vor.u32 $0x5, v2;
	[tilespmem:$0x1FC50] =	vst v62  }
0x8: {  	v9 =	vor.u32 $0x6, v2;
	[tilespmem:$0x1FC60] =	vst v63  }
0x9: {  	v10 =	vor.u32 $0x7, v2;
	[tilespmem:$0x1FC70] =	vst v9  }
0xa: {  	v11 =	vor.u32 $0x80, v2;
	[tilespmem:$0x1FC80] =	vst v10  }
0xb: {  	v12 =	vor.u32 $0x81, v2;
	[tilespmem:$0x1FC90] =	vst v11  }
0xc: {  	v13 =	vor.u32 $0x82, v2;
	[tilespmem:$0x1FCA0] =	vst v12  }
0xd: {  	v14 =	vor.u32 $0x83, v2;
	[tilespmem:$0x1FCB0] =	vst v13  }
0xe: {  	v15 =	vor.u32 $0x84, v2;
	[tilespmem:$0x1FCC0] =	vst v14  }
0xf: {  	v16 =	vor.u32 $0x85, v2;
	[tilespmem:$0x1FCD0] =	vst v15  }
0x10: {  	v17 =	vor.u32 $0x86, v2;
	[tilespmem:$0x1FCE0] =	vst v16  }
0x11: {  	v18 =	vor.u32 $0x87, v2;
	[tilespmem:$0x1FCF0] =	vst v17  }
0x12: {  	v19 =	vor.u32 $0x100, v2;
	[tilespmem:$0x1FD00] =	vst v18  }
0x13: {  	v0 =	vor.u32 $0x101, v2;
	[tilespmem:$0x1FD10] =	vst v19  }
0x14: {  	v20 =	vor.u32 $0x102, v2;
	[tilespmem:$0x1FD20] =	vst v0  }
0x15: {  	v21 =	vor.u32 $0x103, v2;
	[tilespmem:$0x1FD30] =	vst v20  }
0x16: {  	v22 =	vor.u32 $0x104, v2;
	[tilespmem:$0x1FD40] =	vst v21  }
0x17: {  	v23 =	vor.u32 $0x105, v2;
	[tilespmem:$0x1FD50] =	vst v22  }
0x18: {  	v24 =	vor.u32 $0x106, v2;
	[tilespmem:$0x1FD60] =	vst v23  }
0x19: {  	v25 =	vor.u32 $0x107, v2;
	[tilespmem:$0x1FD70] =	vst v24  }
0x1a: {  	v26 =	vor.u32 $0x180, v2;
	[tilespmem:$0x1FD80] =	vst v25  }
0x1b: {  	v27 =	vor.u32 $0x181, v2;
	[tilespmem:$0x1FD90] =	vst v26  }
0x1c: {  	v28 =	vor.u32 $0x182, v2;
	[tilespmem:$0x1FDA0] =	vst v27  }
0x1d: {  	v29 =	vor.u32 $0x183, v2;
	[tilespmem:$0x1FDB0] =	vst v28  }
0x1e: {  	v30 =	vor.u32 $0x184, v2;
	[tilespmem:$0x1FDC0] =	vst v29  }
0x1f: {  	v31 =	vor.u32 $0x185, v2;
	[tilespmem:$0x1FDD0] =	vst v30  }
0x20: {  	v32 =	vor.u32 $0x186, v2;
	[tilespmem:$0x1FDE0] =	vst v31  }
0x21: {  	v33 =	vor.u32 $0x187, v2;
	[tilespmem:$0x1FDF0] =	vst v32  }
0x22: {  	v34 =	vor.u32 $0x200, v2;
	[tilespmem:$0x1FE00] =	vst v33  }
0x23: {  	s1 =	rddreg [dreg:$0x0];
	v35 =	vor.u32 $0x201, v2;
	[tilespmem:$0x1FE10] =	vst v34  }
0x24: {  	s0 =	srdreg.scid;
	s6 =	rddreg [dreg:$0x1];
	v36 =	vor.u32 $0x202, v2;
	[tilespmem:$0x1FE20] =	vst v35  }
0x25: {  	s3 =	rddreg [dreg:$0x2];
	s5 =	sand.u32 $0x1, s0;
	v37 =	vor.u32 $0x203, v2;
	[tilespmem:$0x1FE30] =	vst v36  }
0x26: {  	s4 =	simm.s32 $0x0;
	s0 =	stileid.u32;
	s2 =	sshll.u32 s5, $0x4;
	v38 =	vor.u32 $0x204, v2;
	[tilespmem:$0x1FE40] =	vst v37  }
0x27: {  	[smem:$0x7FF] =	sst s4;
	s2 =	sor.u32 s0, s2;
	v39 =	vor.u32 $0x205, v2;
	[tilespmem:$0x1FE50] =	vst v38  }
0x28: {  	v40 =	vor.u32 $0x206, v2;
	s7 =	smul.u32 $0x9D0, s2;
	s2 =	rddreg [dreg:$0x3];
	_ =	strace $0x8000004D;
	[tilespmem:$0x1FE60] =	vst v39  }
0x29: {  	v41 =	vor.u32 $0x207, v2;
	[tilespmem:$0x1FE70] =	vst v40  }
0x2a: {  	v42 =	vor.u32 $0x280, v2;
	[tilespmem:$0x1FE80] =	vst v41  }
0x2b: {  	v43 =	vor.u32 $0x281, v2;
	[tilespmem:$0x1FE90] =	vst v42  }
0x2c: {  	v44 =	vor.u32 $0x282, v2;
	[tilespmem:$0x1FEA0] =	vst v43  }
0x2d: {  	v45 =	vor.u32 $0x283, v2;
	[tilespmem:$0x1FEB0] =	vst v44  }
0x2e: {  	v46 =	vor.u32 $0x284, v2;
	[tilespmem:$0x1FEC0] =	vst v45  }
0x2f: {  	v47 =	vor.u32 $0x285, v2;
	[tilespmem:$0x1FED0] =	vst v46  }
0x30: {  	v48 =	vor.u32 $0x286, v2;
	[tilespmem:$0x1FEE0] =	vst v47  }
0x31: {  	v49 =	vor.u32 $0x287, v2;
	[tilespmem:$0x1FEF0] =	vst v48  }
0x32: {  	v50 =	vor.u32 $0x300, v2;
	[tilespmem:$0x1FF00] =	vst v49  }
0x33: {  	v51 =	vor.u32 $0x301, v2;
	[tilespmem:$0x1FF10] =	vst v50  }
0x34: {  	v52 =	vor.u32 $0x302, v2;
	[tilespmem:$0x1FF20] =	vst v51  }
0x35: {  	v53 =	vor.u32 $0x303, v2;
	[tilespmem:$0x1FF30] =	vst v52  }
0x36: {  	v54 =	vor.u32 $0x304, v2;
	[tilespmem:$0x1FF40] =	vst v53  }
0x37: {  	v55 =	vor.u32 $0x305, v2;
	[tilespmem:$0x1FF50] =	vst v54  }
0x38: {  	v56 =	vor.u32 $0x306, v2;
	[tilespmem:$0x1FF60] =	vst v55  }
0x39: {  	s12 =	simm.s32 $0x9D00;
	s8 =	smul.u32 $0x1400, s0;
	v57 =	vor.u32 $0x307, v2;
	[tilespmem:$0x1FF70] =	vst v56  }
0x3a: {  	s15 =	simm.s32 $0x1DD00;
	s16 =	simm.s32 $0x80;
	s9 =	smul.u32 $0x14000, s5;
	v58 =	vor.u32 $0x380, v2;
	[tilespmem:$0x1FF80] =	vst v57  }
0x3b: {  	s17 =	simm.s32 $0x0;
	s5 =	ssub.s32 $0x2, s5;
	s13 =	sshll.u32 s0, $0x6;
	v59 =	vor.u32 $0x381, v2;
	[tilespmem:$0x1FF90] =	vst v58  }
0x3c: {  	s11 =	sshrl.u32 s5, $0x1;
	s13 =	sor.u32 $0x1C01, s13;
	s9 =	sadd.s32 s8, s9;
	v60 =	vor.u32 $0x382, v2;
	[tilespmem:$0x1FFA0] =	vst v59  }
0x3d: {  	s10 =	sshrl.u32 s8, $0x3;
	s11 =	ssub.s32 s5, s11;
	s14 =	sadd.s32 s8, s3;
	v61 =	vor.u32 $0x383, v2;
	[tilespmem:$0x1FFB0] =	vst v60  }
0x3e: {  	v62 =	vor.u32 $0x384, v2;
	s9 =	sshrl.u32 s9, $0x3;
	s10 =	sadd.s32 s10, s6;
	[tilespmem:$0x1FFC0] =	vst v61;
	s7 =	sadd.s32 s7, s6  }
0x3f: {  	v63 =	vor.u32 $0x385, v2;
	s14 =	sshrl.u32 s14, $0x3;
	[tilespmem:$0x1FFD0] =	vst v62;
	s9 =	sadd.s32 s9, s6;
	s5 =	sadd.s32 $0x17C00, s7  }
0x40: {  	[tilespmem:$0x1FFE0] =	vst v63;
	s6 =	sadd.s32 $0x4200, s7;
	s7 =	sadd.s32 $0x53600, s10;
	s8 =	sadd.s32 $0x55E00, s9  }
0x41: {  	v5 =	vor.u32 $0x386, v2;
	v6 =	vor.u32 $0x387, v2;
	[tilespmem:$0x1FFF0] =	vst v2;
	s9 =	smax.u32 s11, $0x1;
	s10 =	simm.s32 $0x1;
	s11 =	simm.s32 $0x4E80  }
.LBB2_1:
0x42: {  	[tilespmem:s4], [sflag:$0x1] =	stream.linear.gather [hbm4b:s5+s4], $0x4E80, $0x38;
	[tilespmem:$0x1F500] =	vst v63  }
0x43: {  	_ =	swait.ge [sflag:s10], $0x4E80  }
0x44: {  	[sflag:s10] =	ssyncset.done $0x0  }
0x45: {  	[sflag:s10] =	ssyncadd.s32 $0xFFFFB180  }
0x46: {  	[tilespmem:s11], [sflag:$0x1] =	stream.linear.gather [hbm4b:s6+s4], $0x4E80, $0x38;
	[tilespmem:$0x1F500] =	vst v63  }
0x47: {  	_ =	swait.ge [sflag:s10], $0x4E80  }
0x48: {  	[sflag:s10] =	ssyncset.done $0x0  }
0x49: {  	[sflag:s10] =	ssyncadd.s32 $0xFFFFB180  }
0x4a: {  	[tilespmem:s12], [sflag:$0x1] =	stream.linear.gather [hbm4b:s1+s4], $0x14000, $0x38;
	[tilespmem:$0x1F500] =	vst v63  }
0x4b: {  	_ =	swait.ge [sflag:s10], $0x14000  }
0x4c: {  	[sflag:s10] =	ssyncset.done $0x0  }
0x4d: {  	[sflag:s10] =	ssyncadd.s32 $0xFFFEC000  }
0x4e: {  	[spmem:s14], [sflag:s13] =	dma.local [hbm:s7], $0x280  }
0x4f: {  	_ =	swait.ge [sflag:s10], $0x280  }
0x50: {  	[sflag:s10] =	ssyncset.done $0x0  }
0x51: {  	[sflag:s10] =	ssyncadd.s32 $0xFFFFFD80  }
0x52: {  	[bflag:$0x0] =	sbarrier.arrive $0xFFFF  }
0x53: {  	v8 =	vld [tilespmem:$0x1FC60]  }
0x54: {  	v9 =	vld [tilespmem:$0x1FC70]  }
0x55: {  	v10 =	vld [tilespmem:$0x1FC80]  }
0x56: {  	v11 =	vld [tilespmem:$0x1FC90]  }
0x57: {  	v12 =	vld [tilespmem:$0x1FCA0]  }
0x58: {  	v13 =	vld [tilespmem:$0x1FCB0]  }
0x59: {  	v14 =	vld [tilespmem:$0x1FCC0]  }
0x5a: {  	v15 =	vld [tilespmem:$0x1FCD0]  }
0x5b: {  	v16 =	vld [tilespmem:$0x1FCE0]  }
0x5c: {  	v17 =	vld [tilespmem:$0x1FCF0]  }
0x5d: {  	v18 =	vld [tilespmem:$0x1FD00]  }
0x5e: {  	v19 =	vld [tilespmem:$0x1FD10]  }
0x5f: {  	v0 =	vld [tilespmem:$0x1FD20]  }
0x60: {  	v20 =	vld [tilespmem:$0x1FFF0]  }
0x61: {  	v21 =	vld [tilespmem:$0x1FD30]  }
0x62: {  	v22 =	vld [tilespmem:$0x1FD40]  }
0x63: {  	v23 =	vld [tilespmem:$0x1FD50]  }
0x64: {  	v24 =	vld [tilespmem:$0x1FD60]  }
0x65: {  	v25 =	vld [tilespmem:$0x1FD70]  }
0x66: {  	v26 =	vld [tilespmem:$0x1FD80]  }
0x67: {  	v27 =	vld [tilespmem:$0x1FD90]  }
0x68: {  	v28 =	vld [tilespmem:$0x1FDA0]  }
0x69: {  	v29 =	vld [tilespmem:$0x1FDB0]  }
0x6a: {  	v30 =	vld [tilespmem:$0x1FDC0]  }
0x6b: {  	v31 =	vld [tilespmem:$0x1FDD0]  }
0x6c: {  	v32 =	vld [tilespmem:$0x1FDE0]  }
0x6d: {  	v33 =	vld [tilespmem:$0x1FDF0]  }
0x6e: {  	v34 =	vld [tilespmem:$0x1FE00]  }
0x6f: {  	v35 =	vld [tilespmem:$0x1FE10]  }
0x70: {  	v36 =	vld [tilespmem:$0x1FE20]  }
0x71: {  	v37 =	vld [tilespmem:$0x1FE30]  }
0x72: {  	v38 =	vld [tilespmem:$0x1FE40]  }
0x73: {  	v39 =	vld [tilespmem:$0x1FE50]  }
0x74: {  	v40 =	vld [tilespmem:$0x1FE60]  }
0x75: {  	v41 =	vld [tilespmem:$0x1FE70]  }
0x76: {  	v42 =	vld [tilespmem:$0x1FE80]  }
0x77: {  	v43 =	vld [tilespmem:$0x1FE90]  }
0x78: {  	v44 =	vld [tilespmem:$0x1FEA0]  }
0x79: {  	v45 =	vld [tilespmem:$0x1FEB0]  }
0x7a: {  	v46 =	vld [tilespmem:$0x1FEC0]  }
0x7b: {  	v47 =	vld [tilespmem:$0x1FED0]  }
0x7c: {  	v48 =	vld [tilespmem:$0x1FEE0]  }
0x7d: {  	v49 =	vld [tilespmem:$0x1FEF0]  }
0x7e: {  	v50 =	vld [tilespmem:$0x1FF00]  }
0x7f: {  	v51 =	vld [tilespmem:$0x1FF10]  }
0x80: {  	v52 =	vld [tilespmem:$0x1FF20]  }
0x81: {  	v53 =	vld [tilespmem:$0x1FF30]  }
0x82: {  	v54 =	vld [tilespmem:$0x1FF40]  }
0x83: {  	v55 =	vld [tilespmem:$0x1FF50]  }
0x84: {  	v56 =	vld [tilespmem:$0x1FF60]  }
0x85: {  	v57 =	vld [tilespmem:$0x1FF70]  }
0x86: {  	v58 =	vld [tilespmem:$0x1FF80]  }
0x87: {  	v59 =	vld [tilespmem:$0x1FF90]  }
0x88: {  	v60 =	vld [tilespmem:$0x1FFA0]  }
0x89: {  	v61 =	vld [tilespmem:$0x1FFB0]  }
0x8a: {  	v62 =	vld [tilespmem:$0x1FFC0]  }
0x8b: {  	v63 =	vld [tilespmem:$0x1FFD0]  }
0x8c: {  	s18 =	simm.s32 $0x0;
	v4 =	vld [tilespmem:$0x1FFE0]  }
.LBB2_2:
0x8d: {  	s19 =	sshra.s32 s18, $0x2  }
0x8e: {  	v1 =	vld [tilespmem:s19+$0x0];
	_ =	sdelay $0x4  }
0x8f: {  	v1 =	vshll.u32 v1, $0x3;
	_ =	sdelay $0x4  }
0x90: {  	v2 =	vld.idx.msk [tilespmem:v1+s12+$0x0], $0xffff  }
0x91: {  	v3 =	vor.u32 $0x1, v1;
	_ =	sdelay $0x1  }
0x92: {  	v7 =	vld [tilespmem:$0x1FC20];
	_ =	sdelay $0x1  }
0x93: {  	[tilespmem:v20+s15+$0x0] =	vst.idx.msk $0xffff, v2  }
0x94: {  	v2 =	vld.idx.msk [tilespmem:v3+s12+$0x0], $0xffff;
	_ =	sdelay $0x2  }
0x95: {  	v3 =	vor.u32 $0x2, v1;
	_ =	sdelay $0x1  }
0x96: {  	[tilespmem:v7+s15+$0x0] =	vst.idx.msk $0xffff, v2;
	v7 =	vld [tilespmem:$0x1FC30];
	_ =	sdelay $0x2  }
0x97: {  	v2 =	vld.idx.msk [tilespmem:v3+s12+$0x0], $0xffff;
	_ =	sdelay $0x2  }
0x98: {  	v3 =	vor.u32 $0x3, v1;
	_ =	sdelay $0x1  }
0x99: {  	[tilespmem:v7+s15+$0x0] =	vst.idx.msk $0xffff, v2;
	v7 =	vld [tilespmem:$0x1FC40];
	_ =	sdelay $0x2  }
0x9a: {  	v2 =	vld.idx.msk [tilespmem:v3+s12+$0x0], $0xffff;
	_ =	sdelay $0x2  }
0x9b: {  	v3 =	vor.u32 $0x4, v1;
	_ =	sdelay $0x1  }
0x9c: {  	[tilespmem:v7+s15+$0x0] =	vst.idx.msk $0xffff, v2;
	v7 =	vld [tilespmem:$0x1FC50];
	_ =	sdelay $0x2  }
0x9d: {  	v2 =	vld.idx.msk [tilespmem:v3+s12+$0x0], $0xffff  }
0x9e: {  	v3 =	vor.u32 $0x5, v1;
	_ =	sdelay $0x3  }
0x9f: {  	[tilespmem:v7+s15+$0x0] =	vst.idx.msk $0xffff, v2  }
0xa0: {  	v2 =	vld.idx.msk [tilespmem:v3+s12+$0x0], $0xffff  }
0xa1: {  	v3 =	vor.u32 $0x6, v1;
	_ =	sdelay $0x3  }
0xa2: {  	[tilespmem:v8+s15+$0x0] =	vst.idx.msk $0xffff, v2  }
0xa3: {  	v2 =	vld.idx.msk [tilespmem:v3+s12+$0x0], $0xffff  }
0xa4: {  	v1 =	vor.u32 $0x7, v1;
	_ =	sdelay $0x3  }
0xa5: {  	[tilespmem:v9+s15+$0x0] =	vst.idx.msk $0xffff, v2  }
0xa6: {  	v1 =	vld.idx.msk [tilespmem:v1+s12+$0x0], $0xffff;
	_ =	sdelay $0x4  }
0xa7: {  	[tilespmem:v10+s15+$0x0] =	vst.idx.msk $0xffff, v1  }
0xa8: {  	v1 =	vld [tilespmem:s19+$0x10];
	_ =	sdelay $0x4  }
0xa9: {  	v1 =	vshll.u32 v1, $0x3;
	_ =	sdelay $0x4  }
0xaa: {  	v2 =	vld.idx.msk [tilespmem:v1+s12+$0x0], $0xffff  }
0xab: {  	v3 =	vor.u32 $0x1, v1;
	_ =	sdelay $0x3  }
0xac: {  	[tilespmem:v11+s15+$0x0] =	vst.idx.msk $0xffff, v2  }
0xad: {  	v2 =	vld.idx.msk [tilespmem:v3+s12+$0x0], $0xffff  }
0xae: {  	v3 =	vor.u32 $0x2, v1;
	_ =	sdelay $0x3  }
0xaf: {  	[tilespmem:v12+s15+$0x0] =	vst.idx.msk $0xffff, v2  }
0xb0: {  	v2 =	vld.idx.msk [tilespmem:v3+s12+$0x0], $0xffff  }
0xb1: {  	v3 =	vor.u32 $0x3, v1;
	_ =	sdelay $0x3  }
0xb2: {  	[tilespmem:v13+s15+$0x0] =	vst.idx.msk $0xffff, v2  }
0xb3: {  	v2 =	vld.idx.msk [tilespmem:v3+s12+$0x0], $0xffff  }
0xb4: {  	v3 =	vor.u32 $0x4, v1;
	_ =	sdelay $0x3  }
0xb5: {  	[tilespmem:v14+s15+$0x0] =	vst.idx.msk $0xffff, v2  }
0xb6: {  	v2 =	vld.idx.msk [tilespmem:v3+s12+$0x0], $0xffff  }
0xb7: {  	v3 =	vor.u32 $0x5, v1;
	_ =	sdelay $0x3  }
0xb8: {  	[tilespmem:v15+s15+$0x0] =	vst.idx.msk $0xffff, v2  }
0xb9: {  	v2 =	vld.idx.msk [tilespmem:v3+s12+$0x0], $0xffff  }
0xba: {  	v3 =	vor.u32 $0x6, v1;
	_ =	sdelay $0x3  }
0xbb: {  	[tilespmem:v16+s15+$0x0] =	vst.idx.msk $0xffff, v2  }
0xbc: {  	v2 =	vld.idx.msk [tilespmem:v3+s12+$0x0], $0xffff  }
0xbd: {  	v1 =	vor.u32 $0x7, v1;
	_ =	sdelay $0x3  }
0xbe: {  	[tilespmem:v17+s15+$0x0] =	vst.idx.msk $0xffff, v2  }
0xbf: {  	v1 =	vld.idx.msk [tilespmem:v1+s12+$0x0], $0xffff;
	_ =	sdelay $0x4  }
0xc0: {  	[tilespmem:v18+s15+$0x0] =	vst.idx.msk $0xffff, v1  }
0xc1: {  	v1 =	vld [tilespmem:s19+$0x20];
	_ =	sdelay $0x4  }
0xc2: {  	v1 =	vshll.u32 v1, $0x3;
	_ =	sdelay $0x4  }
0xc3: {  	v2 =	vld.idx.msk [tilespmem:v1+s12+$0x0], $0xffff  }
0xc4: {  	v3 =	vor.u32 $0x1, v1;
	_ =	sdelay $0x3  }
0xc5: {  	[tilespmem:v19+s15+$0x0] =	vst.idx.msk $0xffff, v2  }
0xc6: {  	v2 =	vld.idx.msk [tilespmem:v3+s12+$0x0], $0xffff  }
0xc7: {  	v3 =	vor.u32 $0x2, v1;
	_ =	sdelay $0x3  }
0xc8: {  	[tilespmem:v0+s15+$0x0] =	vst.idx.msk $0xffff, v2  }
0xc9: {  	v2 =	vld.idx.msk [tilespmem:v3+s12+$0x0], $0xffff  }
0xca: {  	v3 =	vor.u32 $0x3, v1;
	_ =	sdelay $0x3  }
0xcb: {  	[tilespmem:v21+s15+$0x0] =	vst.idx.msk $0xffff, v2  }
0xcc: {  	v2 =	vld.idx.msk [tilespmem:v3+s12+$0x0], $0xffff  }
0xcd: {  	v3 =	vor.u32 $0x4, v1;
	_ =	sdelay $0x3  }
0xce: {  	[tilespmem:v22+s15+$0x0] =	vst.idx.msk $0xffff, v2  }
0xcf: {  	v2 =	vld.idx.msk [tilespmem:v3+s12+$0x0], $0xffff  }
0xd0: {  	v3 =	vor.u32 $0x5, v1;
	_ =	sdelay $0x3  }
0xd1: {  	[tilespmem:v23+s15+$0x0] =	vst.idx.msk $0xffff, v2  }
0xd2: {  	v2 =	vld.idx.msk [tilespmem:v3+s12+$0x0], $0xffff  }
0xd3: {  	v3 =	vor.u32 $0x6, v1;
	_ =	sdelay $0x3  }
0xd4: {  	[tilespmem:v24+s15+$0x0] =	vst.idx.msk $0xffff, v2  }
0xd5: {  	v2 =	vld.idx.msk [tilespmem:v3+s12+$0x0], $0xffff  }
0xd6: {  	v1 =	vor.u32 $0x7, v1;
	_ =	sdelay $0x3  }
0xd7: {  	[tilespmem:v25+s15+$0x0] =	vst.idx.msk $0xffff, v2  }
0xd8: {  	v1 =	vld.idx.msk [tilespmem:v1+s12+$0x0], $0xffff;
	_ =	sdelay $0x4  }
0xd9: {  	[tilespmem:v26+s15+$0x0] =	vst.idx.msk $0xffff, v1  }
0xda: {  	v1 =	vld [tilespmem:s19+$0x30];
	_ =	sdelay $0x4  }
0xdb: {  	v1 =	vshll.u32 v1, $0x3;
	_ =	sdelay $0x4  }
0xdc: {  	v2 =	vld.idx.msk [tilespmem:v1+s12+$0x0], $0xffff  }
0xdd: {  	v3 =	vor.u32 $0x1, v1;
	_ =	sdelay $0x3  }
0xde: {  	[tilespmem:v27+s15+$0x0] =	vst.idx.msk $0xffff, v2  }
0xdf: {  	v2 =	vld.idx.msk [tilespmem:v3+s12+$0x0], $0xffff  }
0xe0: {  	v3 =	vor.u32 $0x2, v1;
	_ =	sdelay $0x3  }
0xe1: {  	[tilespmem:v28+s15+$0x0] =	vst.idx.msk $0xffff, v2  }
0xe2: {  	v2 =	vld.idx.msk [tilespmem:v3+s12+$0x0], $0xffff  }
0xe3: {  	v3 =	vor.u32 $0x3, v1;
	_ =	sdelay $0x3  }
0xe4: {  	[tilespmem:v29+s15+$0x0] =	vst.idx.msk $0xffff, v2  }
0xe5: {  	v2 =	vld.idx.msk [tilespmem:v3+s12+$0x0], $0xffff  }
0xe6: {  	v3 =	vor.u32 $0x4, v1;
	_ =	sdelay $0x3  }
0xe7: {  	[tilespmem:v30+s15+$0x0] =	vst.idx.msk $0xffff, v2  }
0xe8: {  	v2 =	vld.idx.msk [tilespmem:v3+s12+$0x0], $0xffff  }
0xe9: {  	v3 =	vor.u32 $0x5, v1;
	_ =	sdelay $0x3  }
0xea: {  	[tilespmem:v31+s15+$0x0] =	vst.idx.msk $0xffff, v2  }
0xeb: {  	v2 =	vld.idx.msk [tilespmem:v3+s12+$0x0], $0xffff  }
0xec: {  	v3 =	vor.u32 $0x6, v1;
	_ =	sdelay $0x3  }
0xed: {  	[tilespmem:v32+s15+$0x0] =	vst.idx.msk $0xffff, v2  }
0xee: {  	v2 =	vld.idx.msk [tilespmem:v3+s12+$0x0], $0xffff  }
0xef: {  	v1 =	vor.u32 $0x7, v1;
	_ =	sdelay $0x3  }
0xf0: {  	[tilespmem:v33+s15+$0x0] =	vst.idx.msk $0xffff, v2  }
0xf1: {  	v1 =	vld.idx.msk [tilespmem:v1+s12+$0x0], $0xffff;
	_ =	sdelay $0x4  }
0xf2: {  	[tilespmem:v34+s15+$0x0] =	vst.idx.msk $0xffff, v1  }
0xf3: {  	v1 =	vld [tilespmem:s19+$0x40];
	_ =	sdelay $0x4  }
0xf4: {  	v1 =	vshll.u32 v1, $0x3;
	_ =	sdelay $0x4  }
0xf5: {  	v2 =	vld.idx.msk [tilespmem:v1+s12+$0x0], $0xffff  }
0xf6: {  	v3 =	vor.u32 $0x1, v1;
	_ =	sdelay $0x3  }
0xf7: {  	[tilespmem:v35+s15+$0x0] =	vst.idx.msk $0xffff, v2  }
0xf8: {  	v2 =	vld.idx.msk [tilespmem:v3+s12+$0x0], $0xffff  }
0xf9: {  	v3 =	vor.u32 $0x2, v1;
	_ =	sdelay $0x3  }
0xfa: {  	[tilespmem:v36+s15+$0x0] =	vst.idx.msk $0xffff, v2  }
0xfb: {  	v2 =	vld.idx.msk [tilespmem:v3+s12+$0x0], $0xffff  }
0xfc: {  	v3 =	vor.u32 $0x3, v1;
	_ =	sdelay $0x3  }
0xfd: {  	[tilespmem:v37+s15+$0x0] =	vst.idx.msk $0xffff, v2  }
0xfe: {  	v2 =	vld.idx.msk [tilespmem:v3+s12+$0x0], $0xffff  }
0xff: {  	v3 =	vor.u32 $0x4, v1;
	_ =	sdelay $0x3  }
0x100: {  	[tilespmem:v38+s15+$0x0] =	vst.idx.msk $0xffff, v2  }
0x101: {  	v2 =	vld.idx.msk [tilespmem:v3+s12+$0x0], $0xffff  }
0x102: {  	v3 =	vor.u32 $0x5, v1;
	_ =	sdelay $0x3  }
0x103: {  	[tilespmem:v39+s15+$0x0] =	vst.idx.msk $0xffff, v2  }
0x104: {  	v2 =	vld.idx.msk [tilespmem:v3+s12+$0x0], $0xffff  }
0x105: {  	v3 =	vor.u32 $0x6, v1;
	_ =	sdelay $0x3  }
0x106: {  	[tilespmem:v40+s15+$0x0] =	vst.idx.msk $0xffff, v2  }
0x107: {  	v2 =	vld.idx.msk [tilespmem:v3+s12+$0x0], $0xffff  }
0x108: {  	v1 =	vor.u32 $0x7, v1;
	_ =	sdelay $0x3  }
0x109: {  	[tilespmem:v41+s15+$0x0] =	vst.idx.msk $0xffff, v2  }
0x10a: {  	v1 =	vld.idx.msk [tilespmem:v1+s12+$0x0], $0xffff;
	_ =	sdelay $0x4  }
0x10b: {  	[tilespmem:v42+s15+$0x0] =	vst.idx.msk $0xffff, v1  }
0x10c: {  	v1 =	vld [tilespmem:s19+$0x50];
	_ =	sdelay $0x4  }
0x10d: {  	v1 =	vshll.u32 v1, $0x3;
	_ =	sdelay $0x4  }
0x10e: {  	v2 =	vld.idx.msk [tilespmem:v1+s12+$0x0], $0xffff  }
0x10f: {  	v3 =	vor.u32 $0x1, v1;
	_ =	sdelay $0x3  }
0x110: {  	[tilespmem:v43+s15+$0x0] =	vst.idx.msk $0xffff, v2  }
0x111: {  	v2 =	vld.idx.msk [tilespmem:v3+s12+$0x0], $0xffff  }
0x112: {  	v3 =	vor.u32 $0x2, v1;
	_ =	sdelay $0x3  }
0x113: {  	[tilespmem:v44+s15+$0x0] =	vst.idx.msk $0xffff, v2  }
0x114: {  	v2 =	vld.idx.msk [tilespmem:v3+s12+$0x0], $0xffff  }
0x115: {  	v3 =	vor.u32 $0x3, v1;
	_ =	sdelay $0x3  }
0x116: {  	[tilespmem:v45+s15+$0x0] =	vst.idx.msk $0xffff, v2  }
0x117: {  	v2 =	vld.idx.msk [tilespmem:v3+s12+$0x0], $0xffff  }
0x118: {  	v3 =	vor.u32 $0x4, v1;
	_ =	sdelay $0x3  }
0x119: {  	[tilespmem:v46+s15+$0x0] =	vst.idx.msk $0xffff, v2  }
0x11a: {  	v2 =	vld.idx.msk [tilespmem:v3+s12+$0x0], $0xffff  }
0x11b: {  	v3 =	vor.u32 $0x5, v1;
	_ =	sdelay $0x3  }
0x11c: {  	[tilespmem:v47+s15+$0x0] =	vst.idx.msk $0xffff, v2  }
0x11d: {  	v2 =	vld.idx.msk [tilespmem:v3+s12+$0x0], $0xffff  }
0x11e: {  	v3 =	vor.u32 $0x6, v1;
	_ =	sdelay $0x3  }
0x11f: {  	[tilespmem:v48+s15+$0x0] =	vst.idx.msk $0xffff, v2  }
0x120: {  	v2 =	vld.idx.msk [tilespmem:v3+s12+$0x0], $0xffff  }
0x121: {  	v1 =	vor.u32 $0x7, v1;
	_ =	sdelay $0x3  }
0x122: {  	[tilespmem:v49+s15+$0x0] =	vst.idx.msk $0xffff, v2  }
0x123: {  	v1 =	vld.idx.msk [tilespmem:v1+s12+$0x0], $0xffff;
	_ =	sdelay $0x4  }
0x124: {  	[tilespmem:v50+s15+$0x0] =	vst.idx.msk $0xffff, v1  }
0x125: {  	v1 =	vld [tilespmem:s19+$0x60];
	_ =	sdelay $0x4  }
0x126: {  	v1 =	vshll.u32 v1, $0x3;
	_ =	sdelay $0x4  }
0x127: {  	v2 =	vld.idx.msk [tilespmem:v1+s12+$0x0], $0xffff  }
0x128: {  	v3 =	vor.u32 $0x1, v1;
	_ =	sdelay $0x3  }
0x129: {  	[tilespmem:v51+s15+$0x0] =	vst.idx.msk $0xffff, v2  }
0x12a: {  	v2 =	vld.idx.msk [tilespmem:v3+s12+$0x0], $0xffff  }
0x12b: {  	v3 =	vor.u32 $0x2, v1;
	_ =	sdelay $0x3  }
0x12c: {  	[tilespmem:v52+s15+$0x0] =	vst.idx.msk $0xffff, v2  }
0x12d: {  	v2 =	vld.idx.msk [tilespmem:v3+s12+$0x0], $0xffff  }
0x12e: {  	v3 =	vor.u32 $0x3, v1;
	_ =	sdelay $0x3  }
0x12f: {  	[tilespmem:v53+s15+$0x0] =	vst.idx.msk $0xffff, v2  }
0x130: {  	v2 =	vld.idx.msk [tilespmem:v3+s12+$0x0], $0xffff  }
0x131: {  	v3 =	vor.u32 $0x4, v1;
	_ =	sdelay $0x3  }
0x132: {  	[tilespmem:v54+s15+$0x0] =	vst.idx.msk $0xffff, v2  }
0x133: {  	v2 =	vld.idx.msk [tilespmem:v3+s12+$0x0], $0xffff  }
0x134: {  	v3 =	vor.u32 $0x5, v1;
	_ =	sdelay $0x3  }
0x135: {  	[tilespmem:v55+s15+$0x0] =	vst.idx.msk $0xffff, v2  }
0x136: {  	v2 =	vld.idx.msk [tilespmem:v3+s12+$0x0], $0xffff  }
0x137: {  	v3 =	vor.u32 $0x6, v1;
	_ =	sdelay $0x3  }
0x138: {  	[tilespmem:v56+s15+$0x0] =	vst.idx.msk $0xffff, v2  }
0x139: {  	v2 =	vld.idx.msk [tilespmem:v3+s12+$0x0], $0xffff  }
0x13a: {  	v1 =	vor.u32 $0x7, v1;
	_ =	sdelay $0x3  }
0x13b: {  	[tilespmem:v57+s15+$0x0] =	vst.idx.msk $0xffff, v2  }
0x13c: {  	v1 =	vld.idx.msk [tilespmem:v1+s12+$0x0], $0xffff;
	_ =	sdelay $0x4  }
0x13d: {  	[tilespmem:v58+s15+$0x0] =	vst.idx.msk $0xffff, v1  }
0x13e: {  	v1 =	vld [tilespmem:s19+$0x70];
	_ =	sdelay $0x4  }
0x13f: {  	v1 =	vshll.u32 v1, $0x3;
	_ =	sdelay $0x4  }
0x140: {  	v2 =	vld.idx.msk [tilespmem:v1+s12+$0x0], $0xffff  }
0x141: {  	v3 =	vor.u32 $0x1, v1;
	_ =	sdelay $0x3  }
0x142: {  	[tilespmem:v59+s15+$0x0] =	vst.idx.msk $0xffff, v2  }
0x143: {  	v2 =	vld.idx.msk [tilespmem:v3+s12+$0x0], $0xffff  }
0x144: {  	v3 =	vor.u32 $0x2, v1;
	_ =	sdelay $0x3  }
0x145: {  	[tilespmem:v60+s15+$0x0] =	vst.idx.msk $0xffff, v2  }
0x146: {  	v2 =	vld.idx.msk [tilespmem:v3+s12+$0x0], $0xffff  }
0x147: {  	v3 =	vor.u32 $0x3, v1;
	_ =	sdelay $0x3  }
0x148: {  	[tilespmem:v61+s15+$0x0] =	vst.idx.msk $0xffff, v2  }
0x149: {  	v2 =	vld.idx.msk [tilespmem:v3+s12+$0x0], $0xffff  }
0x14a: {  	v3 =	vor.u32 $0x4, v1;
	_ =	sdelay $0x3  }
0x14b: {  	[tilespmem:v62+s15+$0x0] =	vst.idx.msk $0xffff, v2  }
0x14c: {  	v2 =	vld.idx.msk [tilespmem:v3+s12+$0x0], $0xffff  }
0x14d: {  	v3 =	vor.u32 $0x5, v1;
	_ =	sdelay $0x3  }
0x14e: {  	[tilespmem:v63+s15+$0x0] =	vst.idx.msk $0xffff, v2  }
0x14f: {  	v2 =	vld.idx.msk [tilespmem:v3+s12+$0x0], $0xffff  }
0x150: {  	v3 =	vor.u32 $0x6, v1;
	_ =	sdelay $0x3  }
0x151: {  	[tilespmem:v4+s15+$0x0] =	vst.idx.msk $0xffff, v2  }
0x152: {  	v2 =	vld.idx.msk [tilespmem:v3+s12+$0x0], $0xffff  }
0x153: {  	v1 =	vor.u32 $0x7, v1;
	_ =	sdelay $0x3  }
0x154: {  	[tilespmem:v5+s15+$0x0] =	vst.idx.msk $0xffff, v2  }
0x155: {  	v1 =	vld.idx.msk [tilespmem:v1+s12+$0x0], $0xffff;
	_ =	sdelay $0x3  }
0x156: {  	p0 =	sne.s32 s18, $0x13800  }
.Ltmp0:
0x157: {  	s19 =	sadd.s32 $0x4E80, s19;
	[tilespmem:v6+s15+$0x0] =	vst.idx.msk $0xffff, v1;
	(pc) =	sbr.rel @p0 .LBB2_2-.Ltmp0, $4  }
0x158: {  	[spmem:s3] =	stream.indirect.scatter.add.f32 [tilespmem:s15], [sflag:$0x1], $0x8, s19, s16, $0xb8;
	[tilespmem:$0x1F500] =	vst v63  }
0x159: {  	_ =	swait.ge [sflag:s10], $0x400  }
0x15a: {  	[sflag:s10] =	ssyncset.done $0x0  }
0x15b: {  	s18 =	sadd.s32 $0x200, s18;
	[sflag:s10] =	ssyncadd.s32 $0xFFFFFC00  }
0x15c: {  	s17 =	sadd.s32 $0x1, s17  }
0x15d: {  	p0 =	sne.s32 s17, s9  }
.Ltmp1:
0x15e: {  	[bflag:$0x0] =	sbarrier.arrive $0xFFFF;
	(pc) =	sbr.rel @p0 .LBB2_1-.Ltmp1, $4  }
0x15f: {  	[hbm:s8], [sflag:s13] =	dma.local [spmem:s14], $0x280  }
0x160: {  	_ =	swait.ge [sflag:s10], $0x280  }
0x161: {  	[sflag:s10] =	ssyncset.done $0x0  }
0x162: {  	[sflag:s10] =	ssyncadd.s32 $0xFFFFFD80  }
0x163: {  	_ =	sfence.sel $0x180000  }
0x164: {  	[bflag:$0x0] =	sbarrier.arrive $0xFFFF  }
0x165: {  	p0 =	sne.s32 s0, $0x0;
	_ =	strace $0x9000004D  }
0x166: {  	s0 =	sadd.s32 @!p0 $0x100000, s2;
	[bflag:$0x2] =	sbarrier.arrive $0xFFFF  }
0x167: {  	[sflag:s0] =	ssyncadd.tile.s32 @!p0 $0x1;
	_ =	shalt  }
.Lfunc_end2:
_tile_overlayer_lowered:
.L_overlay_start_2:
0x168: {  	(tag) =	ssettag $0x2  }
0x169: {  	s0 =	rddreg [dreg:$0x0];
	s2 =	stileid.u32  }
0x16a: {  	s1 =	rddreg [dreg:$0x1];
	p0 =	sne.s32 s2, $0x0  }
0x16b: {  	s3 =	rddreg [dreg:$0x2];
	[bflag:$0x3] =	sbarrier.arrive $0xFFFF;
	s2 =	simm.s32 @!p0 $0x1C01  }
0x16c: {  	[timem:s3], [sflag:s2] =	dma.local @!p0 [hbm:s0], s1  }
0x16d: {  	s0 =	simm.s32 @!p0 $0x1  }
0x16e: {  	_ =	swait.ge @!p0 [sflag:s0], s1  }
0x16f: {  	s1 =	ssub.s32 @!p0 $0x0, s1;
	[sflag:s0] =	ssyncset.done @!p0 $0x0  }
0x170: {  	[sflag:s0] =	ssyncadd.s32 @!p0 s1  }
0x171: {  	[bflag:$0x3] =	sbarrier.arrive $0xFFFF  }
0x172: {  	_ =	shalt  }

// kernel: kernel.19.cloned.1.call-start
scs
__scs_entry_jumppad:
0x0: {  	(pc) =	sbr.rel $0x88, $3  }
0x1: {  	(tag) =	ssettag $0x0;
	lr =	simm.s32 $0x1  }
0x2: {  	[smem:$0x3F97] =	sst lr;
	_ =	strace $0xD0000000  }
0x3: {  	_ = 	snop  }
0x4: {  	_ = 	snop  }
0x5: {  	_ = 	snop  }
0x6: {  	_ = 	snop  }
0x7: {  	_ = 	snop  }
__scs_overlays_trampoline_lowered:
0x8: {  	[smem:$0x3FA6] =	sst s0  }
0x9: {  	[smem:$0x3FA7] =	sst s1  }
0xa: {  	[smem:$0x3FA8] =	sst s2  }
0xb: {  	[smem:$0x3FA9] =	sst s3  }
0xc: {  	[smem:$0x3FAA] =	sst s4  }
0xd: {  	[smem:$0x3FAB] =	sst s5  }
0xe: {  	[smem:$0x3FAC] =	sst s6  }
0xf: {  	[smem:$0x3FAD] =	sst s7  }
0x10: {  	[smem:$0x3FAE] =	sst s8  }
0x11: {  	[smem:$0x3FAF] =	sst s9;
	s0 =	simm.s32 @!p0 $0x0  }
0x12: {  	s1 =	sld [smem:$0x3F95];
	s0 =	simm.s32 @p0 $0x1  }
0x13: {  	[smem:$0x3FB0] =	sst s0;
	s0 =	simm.s32 @!p1 $0x0  }
0x14: {  	s2 =	sld [smem:$0x3F94];
	s0 =	simm.s32 @p1 $0x1  }
0x15: {  	[smem:$0x3FB1] =	sst s0;
	s0 =	simm.s32 @!p2 $0x0  }
0x16: {  	s3 =	sld [smem:$0x3FDB];
	s0 =	simm.s32 @p2 $0x1  }
0x17: {  	s4 =	simm.s32 $0x1BF5;
	[smem:$0x3FB3] =	sst s0  }
0x18: {  	s0 =	sld [smem:$0x3F96];
	_ =	swait.ge [sflag:s4], $0x0  }
0x19: {  	s7 =	sld [smem:$0x3F97]  }
0x1a: {  	s8 =	sadd.s32 $0xFFFFE003, lr  }
0x1b: {  	s9 =	sadd.s32 $0xFFFFFEF7, lr;
	s5 =	simm.s32 $0xFFFFFFFF;
	p2 =	slt.u32 s8, $0xFFFFF086  }
0x1c: {  	p1 =	slt.u32 s9, $0xF7A;
	s5 =	simm.s32 @!p2 $0x0  }
0x1d: {  	s5 =	simm.s32 @p1 $0x1;
	p0 =	seq.s32 s7, s2  }
0x1e: {  	s7 =	smul.u32 @!p0 $0xF7A, s2;
	p2 =	seq.s32 @!p0 s5, $0x0  }
0x1f: {  	s9 =	smul.u32 $0xF7A, s1;
	s8 =	simm.s32 @!p0 $0x1BF5;
	p2 =	por !p2, p0  }
0x20: {  	[sflag:s8] =	ssyncset.s32 @!p0 $0xFFFFF086;
	s6 =	sadd.s32 @!p0 s3, s7;
	s7 =	simm.s32 @!p0 $0x108  }
0x21: {  	s3 =	sadd.s32 s3, s9;
	s6 =	sadd.s32 @!p0 $0x88, s6;
	s7 =	simm.s32 @p2 $0x1082  }
0x22: {  	[simem:s7], [sflag:s8] =	dma.local @!p0 [hbm:s6], $0xF7A  }
0x23: {  	s9 =	sor.u32 $0xD0000000, s2;
	s6 =	simm.s32 $0x108;
	_ =	swait.ge @!p0 [sflag:s8], $0x0  }
0x24: {  	s3 =	sadd.s32 $0x88, s3;
	s6 =	simm.s32 @!p1 $0x1082;
	[sflag:s4] =	ssyncset.s32 $0xFFFFF086  }
0x25: {  	[simem:s6], [sflag:s4] =	dma.local [hbm:s3], $0xF7A  }
0x26: {  	[smem:$0x3F97] =	sst s1;
	(tag) =	ssettag s2;
	_ =	strace s9  }
0x27: {  	s1 =	sld [smem:$0x3FA7]  }
0x28: {  	s2 =	sld [smem:$0x3FA8]  }
0x29: {  	s4 =	sld [smem:$0x3FAA]  }
0x2a: {  	p0 =	seq.s32 s5, $0x0;
	s5 =	sld [smem:$0x3FAB]  }
0x2b: {  	s6 =	sld [smem:$0x3FAC]  }
0x2c: {  	s7 =	sld [smem:$0x3FAD]  }
0x2d: {  	s3 =	simm.s32 $0x108;
	s8 =	sld [smem:$0x3FAE]  }
0x2e: {  	s3 =	simm.s32 @!p0 $0x1082;
	s9 =	sld [smem:$0x3FAF]  }
0x2f: {  	lr =	sadd.s32 s0, s3;
	s0 =	sld [smem:$0x3FA6]  }
0x30: {  	s3 =	sld [smem:$0x3FA9]  }
0x31: {  	[smem:$0x3FB2] =	sst s10  }
0x32: {  	s10 =	sld [smem:$0x3FB0];
	_ =	sdelay $0x3  }
0x33: {  	p0 =	seq.s32 s10, $0x1;
	s10 =	sld [smem:$0x3FB2];
	_ =	sdelay $0x3  }
0x34: {  	[smem:$0x3FB2] =	sst s10  }
0x35: {  	s10 =	sld [smem:$0x3FB1];
	_ =	sdelay $0x3  }
0x36: {  	p1 =	seq.s32 s10, $0x1;
	s10 =	sld [smem:$0x3FB2];
	_ =	sdelay $0x3  }
0x37: {  	[smem:$0x3FB2] =	sst s10  }
0x38: {  	s10 =	sld [smem:$0x3FB3]  }
0x39: {  	_ = 	snop;
	(pc) =	sbr.ind lr, $3  }
0x3a: {  	_ = 	snop  }
0x3b: {  	_ = 	snop  }
0x3c: {  	p2 =	seq.s32 s10, $0x1;
	s10 =	sld [smem:$0x3FB2]  }
0x3d: {  	_ =	shalt  }
0x3e: {  	_ =	shalt  }
0x3f: {  	_ =	shalt  }
0x40: {  	_ =	shalt  }
0x41: {  	_ =	shalt  }
0x42: {  	_ =	shalt  }
0x43: {  	_ =	shalt  }
0x44: {  	_ =	shalt  }
0x45: {  	_ =	shalt  }
0x46: {  	_ =	shalt  }
0x47: {  	_ =	shalt  }
0x48: {  	_ =	shalt  }
0x49: {  	_ =	shalt  }
0x4a: {  	_ =	shalt  }
0x4b: {  	_ =	shalt  }
0x4c: {  	_ =	shalt  }
0x4d: {  	_ =	shalt  }
0x4e: {  	_ =	shalt  }
0x4f: {  	_ =	shalt  }
0x50: {  	_ =	shalt  }
0x51: {  	_ =	shalt  }
0x52: {  	_ =	shalt  }
0x53: {  	_ =	shalt  }
0x54: {  	_ =	shalt  }
0x55: {  	_ =	shalt  }
0x56: {  	_ =	shalt  }
0x57: {  	_ =	shalt  }
0x58: {  	_ =	shalt  }
0x59: {  	_ =	shalt  }
0x5a: {  	_ =	shalt  }
0x5b: {  	_ =	shalt  }
0x5c: {  	_ =	shalt  }
0x5d: {  	_ =	shalt  }
0x5e: {  	_ =	shalt  }
0x5f: {  	_ =	shalt  }
0x60: {  	_ =	shalt  }
0x61: {  	_ =	shalt  }
0x62: {  	_ =	shalt  }
0x63: {  	_ =	shalt  }
0x64: {  	_ =	shalt  }
0x65: {  	_ =	shalt  }
0x66: {  	_ =	shalt  }
0x67: {  	_ =	shalt  }
0x68: {  	_ =	shalt  }
0x69: {  	_ =	shalt  }
0x6a: {  	_ =	shalt  }
0x6b: {  	_ =	shalt  }
0x6c: {  	_ =	shalt  }
0x6d: {  	_ =	shalt  }
0x6e: {  	_ =	shalt  }
0x6f: {  	_ =	shalt  }
0x70: {  	_ =	shalt  }
0x71: {  	_ =	shalt  }
0x72: {  	_ =	shalt  }
0x73: {  	_ =	shalt  }
0x74: {  	_ =	shalt  }
0x75: {  	_ =	shalt  }
0x76: {  	_ =	shalt  }
0x77: {  	_ =	shalt  }
0x78: {  	_ =	shalt  }
0x79: {  	_ =	shalt  }
0x7a: {  	_ =	shalt  }
0x7b: {  	_ =	shalt  }
0x7c: {  	_ =	shalt  }
0x7d: {  	_ =	shalt  }
0x7e: {  	_ =	shalt  }
0x7f: {  	_ =	shalt  }
0x80: {  	_ =	shalt  }
0x81: {  	_ =	shalt  }
0x82: {  	_ =	shalt  }
0x83: {  	_ =	shalt  }
0x84: {  	_ =	shalt  }
0x85: {  	_ =	shalt  }
0x86: {  	_ =	shalt  }
0x87: {  	_ =	shalt  }
.Lfunc_end0:
.L_simem_size_0:
called_computation.3_lowered:
.L_overlay_start_0:
0x88: {  	s2 =	sld [smem:$0x3FD9]  }
0x89: {  	s3 =	sld [smem:$0x3FFE];
	_ =	sdelay $0x1  }
0x8a: {  	s1 =	srdreg.scid  }
0x8b: {  	s0 =	sand.u32 $0x1, s1  }
0x8c: {  	s14 =	sshll.u32 s0, $0xA;
	s2 =	sadd.s32 s3, s2  }
0x8d: {  	s2 =	sadd.s32 s2, s14  }
0x8e: {  	[smem:$0x3FBE] =	sst s2  }
0x8f: {  	_ = 	snop  }
0x90: {  	s2 =	sld [smem:$0x3FD0];
	_ =	sdelay $0x2  }
0x91: {  	s15 =	simm.s32 $0xA;
	s4 =	simm.s32 $0x10  }
0x92: {  	[smem:s4], [sflag:s15] =	dma.local [hbm:s2], $0x1  }
0x93: {  	_ =	swait.eq [sflag:s15], $0x1  }
0x94: {  	[sflag:s15] =	ssyncset.done $0x0  }
0x95: {  	[sflag:s15] =	ssyncadd.s32 $0xFFFFFFFF  }
0x96: {  	s16 =	sld [smem:$0x10];
	(tm) =	ssettm $0x1  }
0x97: {  	s17 =	sld [smem:$0x3FFB];
	_ =	sdelay $0x3  }
0x98: {  	_ =	strace s17  }
0x99: {  	s3 =	sld [smem:$0x3FFC];
	_ =	sdelay $0x3  }
0x9a: {  	_ =	strace s3  }
0x9b: {  	s3 =	sld [smem:$0x3FFD];
	_ =	sdelay $0x3  }
0x9c: {  	_ =	strace s3  }
0x9d: {  	_ =	strace $0x8FFFFFFF  }
0x9e: {  	s18 =	sld [smem:$0x3FDB];
	_ =	sdelay $0x1  }
0x9f: {  	s19 =	simm.s32 $_scs_section_size  }
0xa0: {  	s5 =	simm.s32 $_size__tile_overlayer_lowered;
	s6 =	simm.s32 $_tile_overlayer_lowered  }
0xa1: {  	s22 =	simm.s32 $0x1BFF;
	s21 =	sshll.u32 s6, $0x1;
	s3 =	sadd.s32 s19, s18  }
0xa2: {  	s7 =	simm.s32 $0x0;
	s20 =	sshll.u32 s5, $0x1;
	s5 =	sadd.s32 s21, s3  }
0xa3: {  	[timem:s7], [sflag:s22] =	dma.local [hbm:s5], s20  }
0xa4: {  	_ =	swait.ge [sflag:s22], s20  }
0xa5: {  	s4 =	ssub.s32 $0x0, s20;
	[sflag:s22] =	ssyncset.done $0x0  }
0xa6: {  	[sflag:s22] =	ssyncadd.s32 s4;
	_ =	sdelay $0x1  }
0xa7: {  	s23 =	simm.s32 $0x1B8B  }
0xa8: {  	_ =	swait.ge [sflag:s23], $0x1  }
0xa9: {  	[sflag:s23] =	ssyncset.done $0x0  }
0xaa: {  	s25 =	simm.s32 $0x1B8E;
	s24 =	sld [smem:$0x3FFE];
	[sflag:s23] =	ssyncadd.s32 $0xFFFFFFFF  }
0xab: {  	s26 =	simm.s32 $execute0_lowered;
	[smem:$0x3FD2] =	sst s25  }
0xac: {  	s5 =	sshll.u32 s26, $0x1;
	_ =	strace $0x8000004F;
	[dreg:$0x1] =	wrdreg $0xFFFFFFFF  }
0xad: {  	s28 =	simm.s32 $_size_execute0_lowered;
	s3 =	sadd.s32 s3, s5;
	[dreg:$0x0] =	wrdreg $0x0  }
0xae: {  	s5 =	sshll.u32 s28, $0x1;
	[dreg:$0x2] =	wrdreg s3  }
0xaf: {  	[dreg:$0x3] =	wrdreg s5  }
0xb0: {  	[dreg:$0x4] =	wrdreg $0xC0  }
0xb1: {  	_ =	task [dreg:s7], $0x5FFFF  }
0xb2: {  	[dreg:$0x1] =	wrdreg $0xFFFFFFFF  }
0xb3: {  	[dreg:$0x0] =	wrdreg $0x60  }
0xb4: {  	[dreg:$0x2] =	wrdreg s16  }
0xb5: {  	[dreg:$0x3] =	wrdreg s24  }
0xb6: {  	[dreg:$0x4] =	wrdreg $0x1E1000  }
0xb7: {  	[dreg:$0x5] =	wrdreg $0x9  }
0xb8: {  	_ =	task.clear_ibuf [dreg:s7], $0x6FFFF;
	_ =	strace $0x9000004F  }
0xb9: {  	s29 =	simm.s32 $0x9;
	_ =	strace $0x80000051  }
0xba: {  	_ =	swait.ge [sflag:s29], $0x1  }
0xbb: {  	[sflag:s29] =	ssyncadd.s32 $0xFFFFFFFF  }
0xbc: {  	_ =	strace $0x90000051  }
0xbd: {  	_ =	sfence  }
0xbe: {  	s30 =	sld [smem:$0x0];
	_ =	sdelay $0x2  }
0xbf: {  	s31 =	sshll.u32 s1, $0xD;
	s1 =	sshrl.u32 s1, $0x2  }
0xc0: {  	s3 =	sand.u32 $0x4000, s31;
	s1 =	sadd.s32 s1, s30  }
0xc1: {  	s0 =	sor.u32 s3, s0;
	s1 =	sshll.u32 s1, $0x11  }
0xc2: {  	s0 =	sor.u32 s1, s0  }
0xc3: {  	s0 =	sadd.s32 $0x8F2B, s0  }
0xc4: {  	[sflag:s0] =	ssyncadd.remote.s32 $0x1  }
0xc5: {  	_ =	sfence.sel $0xFFFF  }
0xc6: {  	[dreg:$0x0] =	wrdreg $0xFFFFFFFF;
	(pc) =	sbr.abs _section_cstart, $3  }
0xc7: {  	[dreg:$0x1] =	wrdreg $0xFFFFFFFF  }
0xc8: {  	_ =	task.clear_ibuf [dreg:s7], $0x2FFFF;
	_ =	strace $0x9FFFFFFF  }
0xc9: {  	(tm) =	ssettm $0x7FFFFFFF  }
tec
execute0_lowered:
.L_overlay_start_1:
0x0: {  	(tag) =	ssettag $0x1  }
0x1: {  	v0 =	vlaneseq.u32  }
0x2: {  	v2 =	vmul.u32 $0x8, v0;
	_ =	sdelay $0x1  }
0x3: {  	v1 =	vor.u32 $0x1, v2  }
0x4: {  	v60 =	vor.u32 $0x2, v2;
	[tilespmem:$0x1FC20] =	vst v1  }
0x5: {  	v61 =	vor.u32 $0x3, v2;
	[tilespmem:$0x1FC30] =	vst v60  }
0x6: {  	v62 =	vor.u32 $0x4, v2;
	[tilespmem:$0x1FC40] =	vst v61  }
0x7: {  	v63 =	vor.u32 $0x5, v2;
	[tilespmem:$0x1FC50] =	vst v62  }
0x8: {  	v9 =	vor.u32 $0x6, v2;
	[tilespmem:$0x1FC60] =	vst v63  }
0x9: {  	v10 =	vor.u32 $0x7, v2;
	[tilespmem:$0x1FC70] =	vst v9  }
0xa: {  	v11 =	vor.u32 $0x80, v2;
	[tilespmem:$0x1FC80] =	vst v10  }
0xb: {  	v12 =	vor.u32 $0x81, v2;
	[tilespmem:$0x1FC90] =	vst v11  }
0xc: {  	v13 =	vor.u32 $0x82, v2;
	[tilespmem:$0x1FCA0] =	vst v12  }
0xd: {  	v14 =	vor.u32 $0x83, v2;
	[tilespmem:$0x1FCB0] =	vst v13  }
0xe: {  	v15 =	vor.u32 $0x84, v2;
	[tilespmem:$0x1FCC0] =	vst v14  }
0xf: {  	v16 =	vor.u32 $0x85, v2;
	[tilespmem:$0x1FCD0] =	vst v15  }
0x10: {  	v17 =	vor.u32 $0x86, v2;
	[tilespmem:$0x1FCE0] =	vst v16  }
0x11: {  	v18 =	vor.u32 $0x87, v2;
	[tilespmem:$0x1FCF0] =	vst v17  }
0x12: {  	v19 =	vor.u32 $0x100, v2;
	[tilespmem:$0x1FD00] =	vst v18  }
0x13: {  	v0 =	vor.u32 $0x101, v2;
	[tilespmem:$0x1FD10] =	vst v19  }
0x14: {  	v20 =	vor.u32 $0x102, v2;
	[tilespmem:$0x1FD20] =	vst v0  }
0x15: {  	v21 =	vor.u32 $0x103, v2;
	[tilespmem:$0x1FD30] =	vst v20  }
0x16: {  	v22 =	vor.u32 $0x104, v2;
	[tilespmem:$0x1FD40] =	vst v21  }
0x17: {  	v23 =	vor.u32 $0x105, v2;
	[tilespmem:$0x1FD50] =	vst v22  }
0x18: {  	v24 =	vor.u32 $0x106, v2;
	[tilespmem:$0x1FD60] =	vst v23  }
0x19: {  	v25 =	vor.u32 $0x107, v2;
	[tilespmem:$0x1FD70] =	vst v24  }
0x1a: {  	v26 =	vor.u32 $0x180, v2;
	[tilespmem:$0x1FD80] =	vst v25  }
0x1b: {  	v27 =	vor.u32 $0x181, v2;
	[tilespmem:$0x1FD90] =	vst v26  }
0x1c: {  	v28 =	vor.u32 $0x182, v2;
	[tilespmem:$0x1FDA0] =	vst v27  }
0x1d: {  	v29 =	vor.u32 $0x183, v2;
	[tilespmem:$0x1FDB0] =	vst v28  }
0x1e: {  	v30 =	vor.u32 $0x184, v2;
	[tilespmem:$0x1FDC0] =	vst v29  }
0x1f: {  	v31 =	vor.u32 $0x185, v2;
	[tilespmem:$0x1FDD0] =	vst v30  }
0x20: {  	v32 =	vor.u32 $0x186, v2;
	[tilespmem:$0x1FDE0] =	vst v31  }
0x21: {  	v33 =	vor.u32 $0x187, v2;
	[tilespmem:$0x1FDF0] =	vst v32  }
0x22: {  	v34 =	vor.u32 $0x200, v2;
	[tilespmem:$0x1FE00] =	vst v33  }
0x23: {  	s1 =	rddreg [dreg:$0x0];
	v35 =	vor.u32 $0x201, v2;
	[tilespmem:$0x1FE10] =	vst v34  }
0x24: {  	s0 =	srdreg.scid;
	s6 =	rddreg [dreg:$0x1];
	v36 =	vor.u32 $0x202, v2;
	[tilespmem:$0x1FE20] =	vst v35  }
0x25: {  	s3 =	rddreg [dreg:$0x2];
	s5 =	sand.u32 $0x1, s0;
	v37 =	vor.u32 $0x203, v2;
	[tilespmem:$0x1FE30] =	vst v36  }
0x26: {  	s4 =	simm.s32 $0x0;
	s0 =	stileid.u32;
	s2 =	sshll.u32 s5, $0x4;
	v38 =	vor.u32 $0x204, v2;
	[tilespmem:$0x1FE40] =	vst v37  }
0x27: {  	[smem:$0x7FF] =	sst s4;
	s2 =	sor.u32 s0, s2;
	v39 =	vor.u32 $0x205, v2;
	[tilespmem:$0x1FE50] =	vst v38  }
0x28: {  	v40 =	vor.u32 $0x206, v2;
	s7 =	smul.u32 $0x9D0, s2;
	s2 =	rddreg [dreg:$0x3];
	_ =	strace $0x80000050;
	[tilespmem:$0x1FE60] =	vst v39  }
0x29: {  	v41 =	vor.u32 $0x207, v2;
	[tilespmem:$0x1FE70] =	vst v40  }
0x2a: {  	v42 =	vor.u32 $0x280, v2;
	[tilespmem:$0x1FE80] =	vst v41  }
0x2b: {  	v43 =	vor.u32 $0x281, v2;
	[tilespmem:$0x1FE90] =	vst v42  }
0x2c: {  	v44 =	vor.u32 $0x282, v2;
	[tilespmem:$0x1FEA0] =	vst v43  }
0x2d: {  	v45 =	vor.u32 $0x283, v2;
	[tilespmem:$0x1FEB0] =	vst v44  }
0x2e: {  	v46 =	vor.u32 $0x284, v2;
	[tilespmem:$0x1FEC0] =	vst v45  }
0x2f: {  	v47 =	vor.u32 $0x285, v2;
	[tilespmem:$0x1FED0] =	vst v46  }
0x30: {  	v48 =	vor.u32 $0x286, v2;
	[tilespmem:$0x1FEE0] =	vst v47  }
0x31: {  	v49 =	vor.u32 $0x287, v2;
	[tilespmem:$0x1FEF0] =	vst v48  }
0x32: {  	v50 =	vor.u32 $0x300, v2;
	[tilespmem:$0x1FF00] =	vst v49  }
0x33: {  	v51 =	vor.u32 $0x301, v2;
	[tilespmem:$0x1FF10] =	vst v50  }
0x34: {  	v52 =	vor.u32 $0x302, v2;
	[tilespmem:$0x1FF20] =	vst v51  }
0x35: {  	v53 =	vor.u32 $0x303, v2;
	[tilespmem:$0x1FF30] =	vst v52  }
0x36: {  	v54 =	vor.u32 $0x304, v2;
	[tilespmem:$0x1FF40] =	vst v53  }
0x37: {  	v55 =	vor.u32 $0x305, v2;
	[tilespmem:$0x1FF50] =	vst v54  }
0x38: {  	v56 =	vor.u32 $0x306, v2;
	[tilespmem:$0x1FF60] =	vst v55  }
0x39: {  	s12 =	simm.s32 $0x9D00;
	s8 =	smul.u32 $0x1400, s0;
	v57 =	vor.u32 $0x307, v2;
	[tilespmem:$0x1FF70] =	vst v56  }
0x3a: {  	s15 =	simm.s32 $0x1DD00;
	s16 =	simm.s32 $0x80;
	s9 =	smul.u32 $0x14000, s5;
	v58 =	vor.u32 $0x380, v2;
	[tilespmem:$0x1FF80] =	vst v57  }
0x3b: {  	s17 =	simm.s32 $0x0;
	s5 =	ssub.s32 $0x2, s5;
	s13 =	sshll.u32 s0, $0x6;
	v59 =	vor.u32 $0x381, v2;
	[tilespmem:$0x1FF90] =	vst v58  }
0x3c: {  	s11 =	sshrl.u32 s5, $0x1;
	s13 =	sor.u32 $0x1C01, s13;
	s9 =	sadd.s32 s8, s9;
	v60 =	vor.u32 $0x382, v2;
	[tilespmem:$0x1FFA0] =	vst v59  }
0x3d: {  	s10 =	sshrl.u32 s8, $0x3;
	s11 =	ssub.s32 s5, s11;
	s14 =	sadd.s32 s8, s3;
	v61 =	vor.u32 $0x383, v2;
	[tilespmem:$0x1FFB0] =	vst v60  }
0x3e: {  	v62 =	vor.u32 $0x384, v2;
	s9 =	sshrl.u32 s9, $0x3;
	s10 =	sadd.s32 s10, s6;
	[tilespmem:$0x1FFC0] =	vst v61;
	s7 =	sadd.s32 s7, s6  }
0x3f: {  	v63 =	vor.u32 $0x385, v2;
	s14 =	sshrl.u32 s14, $0x3;
	[tilespmem:$0x1FFD0] =	vst v62;
	s9 =	sadd.s32 s9, s6;
	s5 =	sadd.s32 $0x17C00, s7  }
0x40: {  	[tilespmem:$0x1FFE0] =	vst v63;
	s6 =	sadd.s32 $0x4200, s7;
	s7 =	sadd.s32 $0x53600, s10;
	s8 =	sadd.s32 $0x7DE00, s9  }
0x41: {  	v5 =	vor.u32 $0x386, v2;
	v6 =	vor.u32 $0x387, v2;
	[tilespmem:$0x1FFF0] =	vst v2;
	s9 =	smax.u32 s11, $0x1;
	s10 =	simm.s32 $0x1;
	s11 =	simm.s32 $0x4E80  }
.LBB2_1:
0x42: {  	[tilespmem:s4], [sflag:$0x1] =	stream.linear.gather [hbm4b:s5+s4], $0x4E80, $0x38;
	[tilespmem:$0x1F500] =	vst v63  }
0x43: {  	_ =	swait.ge [sflag:s10], $0x4E80  }
0x44: {  	[sflag:s10] =	ssyncset.done $0x0  }
0x45: {  	[sflag:s10] =	ssyncadd.s32 $0xFFFFB180  }
0x46: {  	[tilespmem:s11], [sflag:$0x1] =	stream.linear.gather [hbm4b:s6+s4], $0x4E80, $0x38;
	[tilespmem:$0x1F500] =	vst v63  }
0x47: {  	_ =	swait.ge [sflag:s10], $0x4E80  }
0x48: {  	[sflag:s10] =	ssyncset.done $0x0  }
0x49: {  	[sflag:s10] =	ssyncadd.s32 $0xFFFFB180  }
0x4a: {  	[tilespmem:s12], [sflag:$0x1] =	stream.linear.gather [hbm4b:s1+s4], $0x14000, $0x38;
	[tilespmem:$0x1F500] =	vst v63  }
0x4b: {  	_ =	swait.ge [sflag:s10], $0x14000  }
0x4c: {  	[sflag:s10] =	ssyncset.done $0x0  }
0x4d: {  	[sflag:s10] =	ssyncadd.s32 $0xFFFEC000  }
0x4e: {  	[spmem:s14], [sflag:s13] =	dma.local [hbm:s7], $0x280  }
0x4f: {  	_ =	swait.ge [sflag:s10], $0x280  }
0x50: {  	[sflag:s10] =	ssyncset.done $0x0  }
0x51: {  	[sflag:s10] =	ssyncadd.s32 $0xFFFFFD80  }
0x52: {  	[bflag:$0x0] =	sbarrier.arrive $0xFFFF  }
0x53: {  	v8 =	vld [tilespmem:$0x1FC60]  }
0x54: {  	v9 =	vld [tilespmem:$0x1FC70]  }
0x55: {  	v10 =	vld [tilespmem:$0x1FC80]  }
0x56: {  	v11 =	vld [tilespmem:$0x1FC90]  }
0x57: {  	v12 =	vld [tilespmem:$0x1FCA0]  }
0x58: {  	v13 =	vld [tilespmem:$0x1FCB0]  }
0x59: {  	v14 =	vld [tilespmem:$0x1FCC0]  }
0x5a: {  	v15 =	vld [tilespmem:$0x1FCD0]  }
0x5b: {  	v16 =	vld [tilespmem:$0x1FCE0]  }
0x5c: {  	v17 =	vld [tilespmem:$0x1FCF0]  }
0x5d: {  	v18 =	vld [tilespmem:$0x1FD00]  }
0x5e: {  	v19 =	vld [tilespmem:$0x1FD10]  }
0x5f: {  	v0 =	vld [tilespmem:$0x1FD20]  }
0x60: {  	v20 =	vld [tilespmem:$0x1FFF0]  }
0x61: {  	v21 =	vld [tilespmem:$0x1FD30]  }
0x62: {  	v22 =	vld [tilespmem:$0x1FD40]  }
0x63: {  	v23 =	vld [tilespmem:$0x1FD50]  }
0x64: {  	v24 =	vld [tilespmem:$0x1FD60]  }
0x65: {  	v25 =	vld [tilespmem:$0x1FD70]  }
0x66: {  	v26 =	vld [tilespmem:$0x1FD80]  }
0x67: {  	v27 =	vld [tilespmem:$0x1FD90]  }
0x68: {  	v28 =	vld [tilespmem:$0x1FDA0]  }
0x69: {  	v29 =	vld [tilespmem:$0x1FDB0]  }
0x6a: {  	v30 =	vld [tilespmem:$0x1FDC0]  }
0x6b: {  	v31 =	vld [tilespmem:$0x1FDD0]  }
0x6c: {  	v32 =	vld [tilespmem:$0x1FDE0]  }
0x6d: {  	v33 =	vld [tilespmem:$0x1FDF0]  }
0x6e: {  	v34 =	vld [tilespmem:$0x1FE00]  }
0x6f: {  	v35 =	vld [tilespmem:$0x1FE10]  }
0x70: {  	v36 =	vld [tilespmem:$0x1FE20]  }
0x71: {  	v37 =	vld [tilespmem:$0x1FE30]  }
0x72: {  	v38 =	vld [tilespmem:$0x1FE40]  }
0x73: {  	v39 =	vld [tilespmem:$0x1FE50]  }
0x74: {  	v40 =	vld [tilespmem:$0x1FE60]  }
0x75: {  	v41 =	vld [tilespmem:$0x1FE70]  }
0x76: {  	v42 =	vld [tilespmem:$0x1FE80]  }
0x77: {  	v43 =	vld [tilespmem:$0x1FE90]  }
0x78: {  	v44 =	vld [tilespmem:$0x1FEA0]  }
0x79: {  	v45 =	vld [tilespmem:$0x1FEB0]  }
0x7a: {  	v46 =	vld [tilespmem:$0x1FEC0]  }
0x7b: {  	v47 =	vld [tilespmem:$0x1FED0]  }
0x7c: {  	v48 =	vld [tilespmem:$0x1FEE0]  }
0x7d: {  	v49 =	vld [tilespmem:$0x1FEF0]  }
0x7e: {  	v50 =	vld [tilespmem:$0x1FF00]  }
0x7f: {  	v51 =	vld [tilespmem:$0x1FF10]  }
0x80: {  	v52 =	vld [tilespmem:$0x1FF20]  }
0x81: {  	v53 =	vld [tilespmem:$0x1FF30]  }
0x82: {  	v54 =	vld [tilespmem:$0x1FF40]  }
0x83: {  	v55 =	vld [tilespmem:$0x1FF50]  }
0x84: {  	v56 =	vld [tilespmem:$0x1FF60]  }
0x85: {  	v57 =	vld [tilespmem:$0x1FF70]  }
0x86: {  	v58 =	vld [tilespmem:$0x1FF80]  }
0x87: {  	v59 =	vld [tilespmem:$0x1FF90]  }
0x88: {  	v60 =	vld [tilespmem:$0x1FFA0]  }
0x89: {  	v61 =	vld [tilespmem:$0x1FFB0]  }
0x8a: {  	v62 =	vld [tilespmem:$0x1FFC0]  }
0x8b: {  	v63 =	vld [tilespmem:$0x1FFD0]  }
0x8c: {  	s18 =	simm.s32 $0x0;
	v4 =	vld [tilespmem:$0x1FFE0]  }
.LBB2_2:
0x8d: {  	s19 =	sshra.s32 s18, $0x2  }
0x8e: {  	v1 =	vld [tilespmem:s19+$0x0];
	_ =	sdelay $0x4  }
0x8f: {  	v1 =	vshll.u32 v1, $0x3;
	_ =	sdelay $0x4  }
0x90: {  	v2 =	vld.idx.msk [tilespmem:v1+s12+$0x0], $0xffff  }
0x91: {  	v3 =	vor.u32 $0x1, v1;
	_ =	sdelay $0x1  }
0x92: {  	v7 =	vld [tilespmem:$0x1FC20];
	_ =	sdelay $0x1  }
0x93: {  	[tilespmem:v20+s15+$0x0] =	vst.idx.msk $0xffff, v2  }
0x94: {  	v2 =	vld.idx.msk [tilespmem:v3+s12+$0x0], $0xffff;
	_ =	sdelay $0x2  }
0x95: {  	v3 =	vor.u32 $0x2, v1;
	_ =	sdelay $0x1  }
0x96: {  	[tilespmem:v7+s15+$0x0] =	vst.idx.msk $0xffff, v2;
	v7 =	vld [tilespmem:$0x1FC30];
	_ =	sdelay $0x2  }
0x97: {  	v2 =	vld.idx.msk [tilespmem:v3+s12+$0x0], $0xffff;
	_ =	sdelay $0x2  }
0x98: {  	v3 =	vor.u32 $0x3, v1;
	_ =	sdelay $0x1  }
0x99: {  	[tilespmem:v7+s15+$0x0] =	vst.idx.msk $0xffff, v2;
	v7 =	vld [tilespmem:$0x1FC40];
	_ =	sdelay $0x2  }
0x9a: {  	v2 =	vld.idx.msk [tilespmem:v3+s12+$0x0], $0xffff;
	_ =	sdelay $0x2  }
0x9b: {  	v3 =	vor.u32 $0x4, v1;
	_ =	sdelay $0x1  }
0x9c: {  	[tilespmem:v7+s15+$0x0] =	vst.idx.msk $0xffff, v2;
	v7 =	vld [tilespmem:$0x1FC50];
	_ =	sdelay $0x2  }
0x9d: {  	v2 =	vld.idx.msk [tilespmem:v3+s12+$0x0], $0xffff  }
0x9e: {  	v3 =	vor.u32 $0x5, v1;
	_ =	sdelay $0x3  }
0x9f: {  	[tilespmem:v7+s15+$0x0] =	vst.idx.msk $0xffff, v2  }
0xa0: {  	v2 =	vld.idx.msk [tilespmem:v3+s12+$0x0], $0xffff  }
0xa1: {  	v3 =	vor.u32 $0x6, v1;
	_ =	sdelay $0x3  }
0xa2: {  	[tilespmem:v8+s15+$0x0] =	vst.idx.msk $0xffff, v2  }
0xa3: {  	v2 =	vld.idx.msk [tilespmem:v3+s12+$0x0], $0xffff  }
0xa4: {  	v1 =	vor.u32 $0x7, v1;
	_ =	sdelay $0x3  }
0xa5: {  	[tilespmem:v9+s15+$0x0] =	vst.idx.msk $0xffff, v2  }
0xa6: {  	v1 =	vld.idx.msk [tilespmem:v1+s12+$0x0], $0xffff;
	_ =	sdelay $0x4  }
0xa7: {  	[tilespmem:v10+s15+$0x0] =	vst.idx.msk $0xffff, v1  }
0xa8: {  	v1 =	vld [tilespmem:s19+$0x10];
	_ =	sdelay $0x4  }
0xa9: {  	v1 =	vshll.u32 v1, $0x3;
	_ =	sdelay $0x4  }
0xaa: {  	v2 =	vld.idx.msk [tilespmem:v1+s12+$0x0], $0xffff  }
0xab: {  	v3 =	vor.u32 $0x1, v1;
	_ =	sdelay $0x3  }
0xac: {  	[tilespmem:v11+s15+$0x0] =	vst.idx.msk $0xffff, v2  }
0xad: {  	v2 =	vld.idx.msk [tilespmem:v3+s12+$0x0], $0xffff  }
0xae: {  	v3 =	vor.u32 $0x2, v1;
	_ =	sdelay $0x3  }
0xaf: {  	[tilespmem:v12+s15+$0x0] =	vst.idx.msk $0xffff, v2  }
0xb0: {  	v2 =	vld.idx.msk [tilespmem:v3+s12+$0x0], $0xffff  }
0xb1: {  	v3 =	vor.u32 $0x3, v1;
	_ =	sdelay $0x3  }
0xb2: {  	[tilespmem:v13+s15+$0x0] =	vst.idx.msk $0xffff, v2  }
0xb3: {  	v2 =	vld.idx.msk [tilespmem:v3+s12+$0x0], $0xffff  }
0xb4: {  	v3 =	vor.u32 $0x4, v1;
	_ =	sdelay $0x3  }
0xb5: {  	[tilespmem:v14+s15+$0x0] =	vst.idx.msk $0xffff, v2  }
0xb6: {  	v2 =	vld.idx.msk [tilespmem:v3+s12+$0x0], $0xffff  }
0xb7: {  	v3 =	vor.u32 $0x5, v1;
	_ =	sdelay $0x3  }
0xb8: {  	[tilespmem:v15+s15+$0x0] =	vst.idx.msk $0xffff, v2  }
0xb9: {  	v2 =	vld.idx.msk [tilespmem:v3+s12+$0x0], $0xffff  }
0xba: {  	v3 =	vor.u32 $0x6, v1;
	_ =	sdelay $0x3  }
0xbb: {  	[tilespmem:v16+s15+$0x0] =	vst.idx.msk $0xffff, v2  }
0xbc: {  	v2 =	vld.idx.msk [tilespmem:v3+s12+$0x0], $0xffff  }
0xbd: {  	v1 =	vor.u32 $0x7, v1;
	_ =	sdelay $0x3  }
0xbe: {  	[tilespmem:v17+s15+$0x0] =	vst.idx.msk $0xffff, v2  }
0xbf: {  	v1 =	vld.idx.msk [tilespmem:v1+s12+$0x0], $0xffff;
	_ =	sdelay $0x4  }
0xc0: {  	[tilespmem:v18+s15+$0x0] =	vst.idx.msk $0xffff, v1  }
0xc1: {  	v1 =	vld [tilespmem:s19+$0x20];
	_ =	sdelay $0x4  }
0xc2: {  	v1 =	vshll.u32 v1, $0x3;
	_ =	sdelay $0x4  }
0xc3: {  	v2 =	vld.idx.msk [tilespmem:v1+s12+$0x0], $0xffff  }
0xc4: {  	v3 =	vor.u32 $0x1, v1;
	_ =	sdelay $0x3  }
0xc5: {  	[tilespmem:v19+s15+$0x0] =	vst.idx.msk $0xffff, v2  }
0xc6: {  	v2 =	vld.idx.msk [tilespmem:v3+s12+$0x0], $0xffff  }
0xc7: {  	v3 =	vor.u32 $0x2, v1;
	_ =	sdelay $0x3  }
0xc8: {  	[tilespmem:v0+s15+$0x0] =	vst.idx.msk $0xffff, v2  }
0xc9: {  	v2 =	vld.idx.msk [tilespmem:v3+s12+$0x0], $0xffff  }
0xca: {  	v3 =	vor.u32 $0x3, v1;
	_ =	sdelay $0x3  }
0xcb: {  	[tilespmem:v21+s15+$0x0] =	vst.idx.msk $0xffff, v2  }
0xcc: {  	v2 =	vld.idx.msk [tilespmem:v3+s12+$0x0], $0xffff  }
0xcd: {  	v3 =	vor.u32 $0x4, v1;
	_ =	sdelay $0x3  }
0xce: {  	[tilespmem:v22+s15+$0x0] =	vst.idx.msk $0xffff, v2  }
0xcf: {  	v2 =	vld.idx.msk [tilespmem:v3+s12+$0x0], $0xffff  }
0xd0: {  	v3 =	vor.u32 $0x5, v1;
	_ =	sdelay $0x3  }
0xd1: {  	[tilespmem:v23+s15+$0x0] =	vst.idx.msk $0xffff, v2  }
0xd2: {  	v2 =	vld.idx.msk [tilespmem:v3+s12+$0x0], $0xffff  }
0xd3: {  	v3 =	vor.u32 $0x6, v1;
	_ =	sdelay $0x3  }
0xd4: {  	[tilespmem:v24+s15+$0x0] =	vst.idx.msk $0xffff, v2  }
0xd5: {  	v2 =	vld.idx.msk [tilespmem:v3+s12+$0x0], $0xffff  }
0xd6: {  	v1 =	vor.u32 $0x7, v1;
	_ =	sdelay $0x3  }
0xd7: {  	[tilespmem:v25+s15+$0x0] =	vst.idx.msk $0xffff, v2  }
0xd8: {  	v1 =	vld.idx.msk [tilespmem:v1+s12+$0x0], $0xffff;
	_ =	sdelay $0x4  }
0xd9: {  	[tilespmem:v26+s15+$0x0] =	vst.idx.msk $0xffff, v1  }
0xda: {  	v1 =	vld [tilespmem:s19+$0x30];
	_ =	sdelay $0x4  }
0xdb: {  	v1 =	vshll.u32 v1, $0x3;
	_ =	sdelay $0x4  }
0xdc: {  	v2 =	vld.idx.msk [tilespmem:v1+s12+$0x0], $0xffff  }
0xdd: {  	v3 =	vor.u32 $0x1, v1;
	_ =	sdelay $0x3  }
0xde: {  	[tilespmem:v27+s15+$0x0] =	vst.idx.msk $0xffff, v2  }
0xdf: {  	v2 =	vld.idx.msk [tilespmem:v3+s12+$0x0], $0xffff  }
0xe0: {  	v3 =	vor.u32 $0x2, v1;
	_ =	sdelay $0x3  }
0xe1: {  	[tilespmem:v28+s15+$0x0] =	vst.idx.msk $0xffff, v2  }
0xe2: {  	v2 =	vld.idx.msk [tilespmem:v3+s12+$0x0], $0xffff  }
0xe3: {  	v3 =	vor.u32 $0x3, v1;
	_ =	sdelay $0x3  }
0xe4: {  	[tilespmem:v29+s15+$0x0] =	vst.idx.msk $0xffff, v2  }
0xe5: {  	v2 =	vld.idx.msk [tilespmem:v3+s12+$0x0], $0xffff  }
0xe6: {  	v3 =	vor.u32 $0x4, v1;
	_ =	sdelay $0x3  }
0xe7: {  	[tilespmem:v30+s15+$0x0] =	vst.idx.msk $0xffff, v2  }
0xe8: {  	v2 =	vld.idx.msk [tilespmem:v3+s12+$0x0], $0xffff  }
0xe9: {  	v3 =	vor.u32 $0x5, v1;
	_ =	sdelay $0x3  }
0xea: {  	[tilespmem:v31+s15+$0x0] =	vst.idx.msk $0xffff, v2  }
0xeb: {  	v2 =	vld.idx.msk [tilespmem:v3+s12+$0x0], $0xffff  }
0xec: {  	v3 =	vor.u32 $0x6, v1;
	_ =	sdelay $0x3  }
0xed: {  	[tilespmem:v32+s15+$0x0] =	vst.idx.msk $0xffff, v2  }
0xee: {  	v2 =	vld.idx.msk [tilespmem:v3+s12+$0x0], $0xffff  }
0xef: {  	v1 =	vor.u32 $0x7, v1;
	_ =	sdelay $0x3  }
0xf0: {  	[tilespmem:v33+s15+$0x0] =	vst.idx.msk $0xffff, v2  }
0xf1: {  	v1 =	vld.idx.msk [tilespmem:v1+s12+$0x0], $0xffff;
	_ =	sdelay $0x4  }
0xf2: {  	[tilespmem:v34+s15+$0x0] =	vst.idx.msk $0xffff, v1  }
0xf3: {  	v1 =	vld [tilespmem:s19+$0x40];
	_ =	sdelay $0x4  }
0xf4: {  	v1 =	vshll.u32 v1, $0x3;
	_ =	sdelay $0x4  }
0xf5: {  	v2 =	vld.idx.msk [tilespmem:v1+s12+$0x0], $0xffff  }
0xf6: {  	v3 =	vor.u32 $0x1, v1;
	_ =	sdelay $0x3  }
0xf7: {  	[tilespmem:v35+s15+$0x0] =	vst.idx.msk $0xffff, v2  }
0xf8: {  	v2 =	vld.idx.msk [tilespmem:v3+s12+$0x0], $0xffff  }
0xf9: {  	v3 =	vor.u32 $0x2, v1;
	_ =	sdelay $0x3  }
0xfa: {  	[tilespmem:v36+s15+$0x0] =	vst.idx.msk $0xffff, v2  }
0xfb: {  	v2 =	vld.idx.msk [tilespmem:v3+s12+$0x0], $0xffff  }
0xfc: {  	v3 =	vor.u32 $0x3, v1;
	_ =	sdelay $0x3  }
0xfd: {  	[tilespmem:v37+s15+$0x0] =	vst.idx.msk $0xffff, v2  }
0xfe: {  	v2 =	vld.idx.msk [tilespmem:v3+s12+$0x0], $0xffff  }
0xff: {  	v3 =	vor.u32 $0x4, v1;
	_ =	sdelay $0x3  }
0x100: {  	[tilespmem:v38+s15+$0x0] =	vst.idx.msk $0xffff, v2  }
0x101: {  	v2 =	vld.idx.msk [tilespmem:v3+s12+$0x0], $0xffff  }
0x102: {  	v3 =	vor.u32 $0x5, v1;
	_ =	sdelay $0x3  }
0x103: {  	[tilespmem:v39+s15+$0x0] =	vst.idx.msk $0xffff, v2  }
0x104: {  	v2 =	vld.idx.msk [tilespmem:v3+s12+$0x0], $0xffff  }
0x105: {  	v3 =	vor.u32 $0x6, v1;
	_ =	sdelay $0x3  }
0x106: {  	[tilespmem:v40+s15+$0x0] =	vst.idx.msk $0xffff, v2  }
0x107: {  	v2 =	vld.idx.msk [tilespmem:v3+s12+$0x0], $0xffff  }
0x108: {  	v1 =	vor.u32 $0x7, v1;
	_ =	sdelay $0x3  }
0x109: {  	[tilespmem:v41+s15+$0x0] =	vst.idx.msk $0xffff, v2  }
0x10a: {  	v1 =	vld.idx.msk [tilespmem:v1+s12+$0x0], $0xffff;
	_ =	sdelay $0x4  }
0x10b: {  	[tilespmem:v42+s15+$0x0] =	vst.idx.msk $0xffff, v1  }
0x10c: {  	v1 =	vld [tilespmem:s19+$0x50];
	_ =	sdelay $0x4  }
0x10d: {  	v1 =	vshll.u32 v1, $0x3;
	_ =	sdelay $0x4  }
0x10e: {  	v2 =	vld.idx.msk [tilespmem:v1+s12+$0x0], $0xffff  }
0x10f: {  	v3 =	vor.u32 $0x1, v1;
	_ =	sdelay $0x3  }
0x110: {  	[tilespmem:v43+s15+$0x0] =	vst.idx.msk $0xffff, v2  }
0x111: {  	v2 =	vld.idx.msk [tilespmem:v3+s12+$0x0], $0xffff  }
0x112: {  	v3 =	vor.u32 $0x2, v1;
	_ =	sdelay $0x3  }
0x113: {  	[tilespmem:v44+s15+$0x0] =	vst.idx.msk $0xffff, v2  }
0x114: {  	v2 =	vld.idx.msk [tilespmem:v3+s12+$0x0], $0xffff  }
0x115: {  	v3 =	vor.u32 $0x3, v1;
	_ =	sdelay $0x3  }
0x116: {  	[tilespmem:v45+s15+$0x0] =	vst.idx.msk $0xffff, v2  }
0x117: {  	v2 =	vld.idx.msk [tilespmem:v3+s12+$0x0], $0xffff  }
0x118: {  	v3 =	vor.u32 $0x4, v1;
	_ =	sdelay $0x3  }
0x119: {  	[tilespmem:v46+s15+$0x0] =	vst.idx.msk $0xffff, v2  }
0x11a: {  	v2 =	vld.idx.msk [tilespmem:v3+s12+$0x0], $0xffff  }
0x11b: {  	v3 =	vor.u32 $0x5, v1;
	_ =	sdelay $0x3  }
0x11c: {  	[tilespmem:v47+s15+$0x0] =	vst.idx.msk $0xffff, v2  }
0x11d: {  	v2 =	vld.idx.msk [tilespmem:v3+s12+$0x0], $0xffff  }
0x11e: {  	v3 =	vor.u32 $0x6, v1;
	_ =	sdelay $0x3  }
0x11f: {  	[tilespmem:v48+s15+$0x0] =	vst.idx.msk $0xffff, v2  }
0x120: {  	v2 =	vld.idx.msk [tilespmem:v3+s12+$0x0], $0xffff  }
0x121: {  	v1 =	vor.u32 $0x7, v1;
	_ =	sdelay $0x3  }
0x122: {  	[tilespmem:v49+s15+$0x0] =	vst.idx.msk $0xffff, v2  }
0x123: {  	v1 =	vld.idx.msk [tilespmem:v1+s12+$0x0], $0xffff;
	_ =	sdelay $0x4  }
0x124: {  	[tilespmem:v50+s15+$0x0] =	vst.idx.msk $0xffff, v1  }
0x125: {  	v1 =	vld [tilespmem:s19+$0x60];
	_ =	sdelay $0x4  }
0x126: {  	v1 =	vshll.u32 v1, $0x3;
	_ =	sdelay $0x4  }
0x127: {  	v2 =	vld.idx.msk [tilespmem:v1+s12+$0x0], $0xffff  }
0x128: {  	v3 =	vor.u32 $0x1, v1;
	_ =	sdelay $0x3  }
0x129: {  	[tilespmem:v51+s15+$0x0] =	vst.idx.msk $0xffff, v2  }
0x12a: {  	v2 =	vld.idx.msk [tilespmem:v3+s12+$0x0], $0xffff  }
0x12b: {  	v3 =	vor.u32 $0x2, v1;
	_ =	sdelay $0x3  }
0x12c: {  	[tilespmem:v52+s15+$0x0] =	vst.idx.msk $0xffff, v2  }
0x12d: {  	v2 =	vld.idx.msk [tilespmem:v3+s12+$0x0], $0xffff  }
0x12e: {  	v3 =	vor.u32 $0x3, v1;
	_ =	sdelay $0x3  }
0x12f: {  	[tilespmem:v53+s15+$0x0] =	vst.idx.msk $0xffff, v2  }
0x130: {  	v2 =	vld.idx.msk [tilespmem:v3+s12+$0x0], $0xffff  }
0x131: {  	v3 =	vor.u32 $0x4, v1;
	_ =	sdelay $0x3  }
0x132: {  	[tilespmem:v54+s15+$0x0] =	vst.idx.msk $0xffff, v2  }
0x133: {  	v2 =	vld.idx.msk [tilespmem:v3+s12+$0x0], $0xffff  }
0x134: {  	v3 =	vor.u32 $0x5, v1;
	_ =	sdelay $0x3  }
0x135: {  	[tilespmem:v55+s15+$0x0] =	vst.idx.msk $0xffff, v2  }
0x136: {  	v2 =	vld.idx.msk [tilespmem:v3+s12+$0x0], $0xffff  }
0x137: {  	v3 =	vor.u32 $0x6, v1;
	_ =	sdelay $0x3  }
0x138: {  	[tilespmem:v56+s15+$0x0] =	vst.idx.msk $0xffff, v2  }
0x139: {  	v2 =	vld.idx.msk [tilespmem:v3+s12+$0x0], $0xffff  }
0x13a: {  	v1 =	vor.u32 $0x7, v1;
	_ =	sdelay $0x3  }
0x13b: {  	[tilespmem:v57+s15+$0x0] =	vst.idx.msk $0xffff, v2  }
0x13c: {  	v1 =	vld.idx.msk [tilespmem:v1+s12+$0x0], $0xffff;
	_ =	sdelay $0x4  }
0x13d: {  	[tilespmem:v58+s15+$0x0] =	vst.idx.msk $0xffff, v1  }
0x13e: {  	v1 =	vld [tilespmem:s19+$0x70];
	_ =	sdelay $0x4  }
0x13f: {  	v1 =	vshll.u32 v1, $0x3;
	_ =	sdelay $0x4  }
0x140: {  	v2 =	vld.idx.msk [tilespmem:v1+s12+$0x0], $0xffff  }
0x141: {  	v3 =	vor.u32 $0x1, v1;
	_ =	sdelay $0x3  }
0x142: {  	[tilespmem:v59+s15+$0x0] =	vst.idx.msk $0xffff, v2  }
0x143: {  	v2 =	vld.idx.msk [tilespmem:v3+s12+$0x0], $0xffff  }
0x144: {  	v3 =	vor.u32 $0x2, v1;
	_ =	sdelay $0x3  }
0x145: {  	[tilespmem:v60+s15+$0x0] =	vst.idx.msk $0xffff, v2  }
0x146: {  	v2 =	vld.idx.msk [tilespmem:v3+s12+$0x0], $0xffff  }
0x147: {  	v3 =	vor.u32 $0x3, v1;
	_ =	sdelay $0x3  }
0x148: {  	[tilespmem:v61+s15+$0x0] =	vst.idx.msk $0xffff, v2  }
0x149: {  	v2 =	vld.idx.msk [tilespmem:v3+s12+$0x0], $0xffff  }
0x14a: {  	v3 =	vor.u32 $0x4, v1;
	_ =	sdelay $0x3  }
0x14b: {  	[tilespmem:v62+s15+$0x0] =	vst.idx.msk $0xffff, v2  }
0x14c: {  	v2 =	vld.idx.msk [tilespmem:v3+s12+$0x0], $0xffff  }
0x14d: {  	v3 =	vor.u32 $0x5, v1;
	_ =	sdelay $0x3  }
0x14e: {  	[tilespmem:v63+s15+$0x0] =	vst.idx.msk $0xffff, v2  }
0x14f: {  	v2 =	vld.idx.msk [tilespmem:v3+s12+$0x0], $0xffff  }
0x150: {  	v3 =	vor.u32 $0x6, v1;
	_ =	sdelay $0x3  }
0x151: {  	[tilespmem:v4+s15+$0x0] =	vst.idx.msk $0xffff, v2  }
0x152: {  	v2 =	vld.idx.msk [tilespmem:v3+s12+$0x0], $0xffff  }
0x153: {  	v1 =	vor.u32 $0x7, v1;
	_ =	sdelay $0x3  }
0x154: {  	[tilespmem:v5+s15+$0x0] =	vst.idx.msk $0xffff, v2  }
0x155: {  	v1 =	vld.idx.msk [tilespmem:v1+s12+$0x0], $0xffff;
	_ =	sdelay $0x3  }
0x156: {  	p0 =	sne.s32 s18, $0x13800  }
.Ltmp0:
0x157: {  	s19 =	sadd.s32 $0x4E80, s19;
	[tilespmem:v6+s15+$0x0] =	vst.idx.msk $0xffff, v1;
	(pc) =	sbr.rel @p0 .LBB2_2-.Ltmp0, $4  }
0x158: {  	[spmem:s3] =	stream.indirect.scatter.add.f32 [tilespmem:s15], [sflag:$0x1], $0x8, s19, s16, $0xb8;
	[tilespmem:$0x1F500] =	vst v63  }
0x159: {  	_ =	swait.ge [sflag:s10], $0x400  }
0x15a: {  	[sflag:s10] =	ssyncset.done $0x0  }
0x15b: {  	s18 =	sadd.s32 $0x200, s18;
	[sflag:s10] =	ssyncadd.s32 $0xFFFFFC00  }
0x15c: {  	s17 =	sadd.s32 $0x1, s17  }
0x15d: {  	p0 =	sne.s32 s17, s9  }
.Ltmp1:
0x15e: {  	[bflag:$0x0] =	sbarrier.arrive $0xFFFF;
	(pc) =	sbr.rel @p0 .LBB2_1-.Ltmp1, $4  }
0x15f: {  	[hbm:s8], [sflag:s13] =	dma.local [spmem:s14], $0x280  }
0x160: {  	_ =	swait.ge [sflag:s10], $0x280  }
0x161: {  	[sflag:s10] =	ssyncset.done $0x0  }
0x162: {  	[sflag:s10] =	ssyncadd.s32 $0xFFFFFD80  }
0x163: {  	_ =	sfence.sel $0x180000  }
0x164: {  	[bflag:$0x0] =	sbarrier.arrive $0xFFFF  }
0x165: {  	p0 =	sne.s32 s0, $0x0;
	_ =	strace $0x90000050  }
0x166: {  	s0 =	sadd.s32 @!p0 $0x100000, s2;
	[bflag:$0x2] =	sbarrier.arrive $0xFFFF  }
0x167: {  	[sflag:s0] =	ssyncadd.tile.s32 @!p0 $0x1;
	_ =	shalt  }
.Lfunc_end2:
_tile_overlayer_lowered:
.L_overlay_start_2:
0x168: {  	(tag) =	ssettag $0x2  }
0x169: {  	s0 =	rddreg [dreg:$0x0];
	s2 =	stileid.u32  }
0x16a: {  	s1 =	rddreg [dreg:$0x1];
	p0 =	sne.s32 s2, $0x0  }
0x16b: {  	s3 =	rddreg [dreg:$0x2];
	[bflag:$0x3] =	sbarrier.arrive $0xFFFF;
	s2 =	simm.s32 @!p0 $0x1C01  }
0x16c: {  	[timem:s3], [sflag:s2] =	dma.local @!p0 [hbm:s0], s1  }
0x16d: {  	s0 =	simm.s32 @!p0 $0x1  }
0x16e: {  	_ =	swait.ge @!p0 [sflag:s0], s1  }
0x16f: {  	s1 =	ssub.s32 @!p0 $0x0, s1;
	[sflag:s0] =	ssyncset.done @!p0 $0x0  }
0x170: {  	[sflag:s0] =	ssyncadd.s32 @!p0 s1  }
0x171: {  	[bflag:$0x3] =	sbarrier.arrive $0xFFFF  }
0x172: {  	_ =	shalt  }

</sc_bundles>
